<compile_context>
chip_gen: v7x
topology: tpu7x:2x2x1
jax: 0.10.2.dev20260603
libtpu: 0.0.44.dev20260713+nightly
codegen_flags: <defaults>
</compile_context>

<pallas_src>
import functools

import jax
import jax.numpy as jnp
from jax import lax
from jax.experimental import pallas as pl
from jax.experimental.pallas import tpu as pltpu
from jax.experimental.pallas import tpu_sc as plsc

_ROW_BLOCK = 2000



def _linear_body(x_ref, w_ref, b_ref, o_ref):
    o_ref[...] = lax.dot_general(
        x_ref[...], w_ref[...], (((1,), (1,)), ((), ())),
        preferred_element_type=jnp.float32,
        precision=lax.Precision.HIGHEST,
    ) + b_ref[...]


def _linear(x, w, b):
    n, d = x.shape
    br = _ROW_BLOCK
    return pl.pallas_call(
        _linear_body,
        grid=(n // br,),
        in_specs=[
            pl.BlockSpec((br, d), lambda i: (i, 0)),
            pl.BlockSpec((d, d), lambda i: (0, 0)),
            pl.BlockSpec((1, d), lambda i: (0, 0)),
        ],
        out_specs=pl.BlockSpec((br, d), lambda i: (i, 0)),
        out_shape=jax.ShapeDtypeStruct((n, d), jnp.float32),
    )(x, w, b.reshape(1, d))


def _mid_body(p_ref, y_ref, w_ref, b_ref, o_ref):
    h = p_ref[0] + p_ref[1] + y_ref[...]
    h = jnp.maximum(h, 0.0)
    o_ref[...] = lax.dot_general(
        h, w_ref[...], (((1,), (1,)), ((), ())),
        preferred_element_type=jnp.float32,
        precision=lax.Precision.HIGHEST,
    ) + b_ref[...]


def _mid(p, y, w, b):
    n, d = y.shape
    br = _ROW_BLOCK
    return pl.pallas_call(
        _mid_body,
        grid=(n // br,),
        in_specs=[
            pl.BlockSpec((2, br, d), lambda i: (0, i, 0)),
            pl.BlockSpec((br, d), lambda i: (i, 0)),
            pl.BlockSpec((d, d), lambda i: (0, 0)),
            pl.BlockSpec((1, d), lambda i: (0, 0)),
        ],
        out_specs=pl.BlockSpec((br, d), lambda i: (i, 0)),
        out_shape=jax.ShapeDtypeStruct((n, d), jnp.float32),
    )(p, y, w, b.reshape(1, d))


def _final_body(p_ref, y_ref, o_ref):
    z = p_ref[0] + p_ref[1] + y_ref[...]
    m = jnp.max(z, axis=1, keepdims=True)
    s = z - m
    lse = jnp.log(jnp.sum(jnp.exp(s), axis=1, keepdims=True))
    o_ref[...] = s - lse


def _final(p, y):
    n, d = y.shape
    br = _ROW_BLOCK
    return pl.pallas_call(
        _final_body,
        grid=(n // br,),
        in_specs=[
            pl.BlockSpec((2, br, d), lambda i: (0, i, 0)),
            pl.BlockSpec((br, d), lambda i: (i, 0)),
        ],
        out_specs=pl.BlockSpec((br, d), lambda i: (i, 0)),
        out_shape=jax.ShapeDtypeStruct((n, d), jnp.float32),
    )(p, y)



@functools.lru_cache(maxsize=None)
def _make_scatter(n, d, e):
    info = plsc.get_sparse_core_info()
    nc, ns = info.num_cores, info.num_subcores
    k = 80
    epw = e // (nc * ns)
    chunks = epw // k
    nbuf = 4
    slab = (n // (8 * ns)) * 8
    tail = n - slab * ns
    mesh = plsc.VectorSubcoreMesh(core_axis_name="c", subcore_axis_name="s")

    rem = chunks % nbuf
    assert k % 8 == 0 and epw == chunks * k

    @functools.partial(
        pl.kernel, mesh=mesh,
        out_type=jax.ShapeDtypeStruct((nc, n, d), jnp.float32),
        scratch_types=[
            [pltpu.VMEM((k,), jnp.int32) for _ in range(nbuf)],
            [pltpu.VMEM((k,), jnp.int32) for _ in range(nbuf)],
            pltpu.VMEM((nbuf, k, d), jnp.float32),
            pltpu.VMEM_SHARED((n, d), jnp.float32),
            pltpu.SemaphoreType.DMA((nbuf,)),
            pltpu.SemaphoreType.DMA((nbuf,)),
            pltpu.SemaphoreType.DMA((nbuf,)),
            pltpu.SemaphoreType.DMA((nbuf,)),
        ],
    )
    def scatter(y_hbm, row_hbm, col_hbm, zeros_hbm, out_hbm,
                rbufs, cbufs, rows, acc, rsem, csem, gsem, ssem):
        cid = lax.axis_index("c")
        sid = lax.axis_index("s")
        wid = cid * ns + sid
        base = wid * epw
        r0 = pl.multiple_of(sid * slab, 8)
        pltpu.sync_copy(zeros_hbm.at[pl.ds(r0, slab)], acc.at[pl.ds(r0, slab)])
        if tail:
            @pl.when(sid == 0)
            def _zero_tail():
                pltpu.sync_copy(zeros_hbm.at[pl.ds(slab * ns, tail)],
                                acc.at[pl.ds(slab * ns, tail)])
        plsc.subcore_barrier()

        def idx_dma(c, j):
            off = pl.multiple_of(base + c * k, 8)
            pltpu.async_copy(row_hbm.at[pl.ds(off, k)], rbufs[j], rsem.at[j])
            pltpu.async_copy(col_hbm.at[pl.ds(off, k)], cbufs[j], csem.at[j])

        def drain_idx(sem, buf, j):
            pltpu.make_async_copy(row_hbm.at[pl.ds(0, k)], buf, sem.at[j]).wait()

        def drain_rows(sem, j):
            pltpu.make_async_copy(y_hbm.at[pl.ds(0, k)], rows.at[j],
                                  sem.at[j]).wait()

        def gather(j):
            pltpu.async_copy(y_hbm.at[rbufs[j]], rows.at[j], gsem.at[j])

        for j in range(nbuf):
            idx_dma(j, j)

        def body(g, carry):
            c = g * nbuf
            for j in range(nbuf):
                drain_idx(rsem, rbufs[j], j)
                gather(j)
            for j in range(nbuf):
                drain_rows(gsem, j)
                drain_idx(csem, cbufs[j], j)
                pltpu.async_copy(rows.at[j], acc.at[cbufs[j]],
                                 ssem.at[j], add=True)
            for j in range(nbuf):
                drain_rows(ssem, j)
                idx_dma((c + j + nbuf) % chunks, j)
            return carry

        lax.fori_loop(0, chunks // nbuf, body, 0)
        for j in range(nbuf):
            drain_idx(rsem, rbufs[j], j)
            drain_idx(csem, cbufs[j], j)
            if j < rem:
                gather(j)
        for j in range(rem):
            drain_rows(gsem, j)
            pltpu.sync_copy(rows.at[j], acc.at[cbufs[j]], add=True)

        plsc.subcore_barrier()
        pltpu.sync_copy(acc.at[pl.ds(r0, slab)], out_hbm.at[cid, pl.ds(r0, slab)])
        if tail:
            @pl.when(sid == 0)
            def _write_tail():
                pltpu.sync_copy(acc.at[pl.ds(slab * ns, tail)],
                                out_hbm.at[cid, pl.ds(slab * ns, tail)])

    def run(y, row, col, zeros):
        return scatter(y, row, col, zeros)

    return run


def kernel(x, edge_index, W1, b1, W2, b2):
    n, d = x.shape
    e = edge_index.shape[1]
    row = edge_index[0]
    col = edge_index[1]
    zeros = jnp.zeros((n, d), jnp.float32)
    scatter = _make_scatter(n, d, e)

    y1 = _linear(x, W1, b1)
    p1 = scatter(y1, row, col, zeros)
    y2 = _mid(p1, y1, W2, b2)
    p2 = scatter(y2, row, col, zeros)
    return _final(p2, y2)

# --- scband reference (transcript-rebuilt; emitter-appended) ---
"""Pipeline reference for scband-mpnn-31456340476250 (READ-ONLY COPY).

The authoritative reference and input builder live on the scoring server;
editing this copy changes nothing except your own understanding.
"""

import jax, jax.numpy as jnp
import numpy as np

N = 10000
E = 320000
D = 128

def setup_inputs(seed: int = 0) -> dict:
    key = jax.random.key(seed)
    k1, k2, k3, k4, k5, k6 = jax.random.split(key, 6)
    x = jax.random.normal(k1, (N, D), dtype=jnp.float32)
    edge_index = jax.random.randint(k2, (2, E), 0, N, dtype=jnp.int32)
    scale = 1.0 / np.sqrt(D)
    W1 = jax.random.normal(k3, (D, D), dtype=jnp.float32) * scale
    b1 = jnp.zeros((D,), dtype=jnp.float32)
    W2 = jax.random.normal(k4, (D, D), dtype=jnp.float32) * scale
    b2 = jnp.zeros((D,), dtype=jnp.float32)
    return {"x": x, "edge_index": edge_index, "W1": W1, "b1": b1, "W2": W2, "b2": b2}


def _add_self_loops(edge_index, num_nodes):
    loops = jnp.arange(num_nodes, dtype=edge_index.dtype)
    row = jnp.concatenate([edge_index[0], loops])
    col = jnp.concatenate([edge_index[1], loops])
    return row, col


def _mpnn_conv(x, W, b, row, col, num_nodes):
    # lin
    x = x @ W.T + b
    # degree normalization (computed in the original forward; message() ignores norm,
    # matching the original code which returns x_j unscaled)
    deg = jax.ops.segment_sum(jnp.ones_like(col, dtype=x.dtype), col, num_segments=num_nodes)
    deg_inv_sqrt = jnp.power(deg, -0.5)
    norm = deg_inv_sqrt[row] * deg_inv_sqrt[col]  # unused, faithful to original message()
    del norm
    # propagate with aggr='add': out[i] = sum_{(j->i)} x[j]
    msgs = jnp.take(x, row, axis=0)
    out = jax.ops.segment_sum(msgs, col, num_segments=num_nodes)
    return out


def reference(x, edge_index, W1, b1, W2, b2):
    num_nodes = x.shape[0]
    row, col = _add_self_loops(edge_index, num_nodes)
    h = _mpnn_conv(x, W1, b1, row, col, num_nodes)
    h = jax.nn.relu(h)
    # dropout: identity in eval mode
    h = _mpnn_conv(h, W2, b2, row, col, num_nodes)
    return jax.nn.log_softmax(h, axis=1)

if __name__ == "__main__":
    import jax
    _d = setup_inputs()
    print(jax.jit(kernel)(*tuple(_d.values())))

</pallas_src>

<mosaic_0001>
#map = affine_map<(d0, d1) -> (0, 0)>
#map1 = affine_map<(d0, d1) -> (0)>
#map2 = affine_map<(d0, d1) -> (0, 0, 0)>
module attributes {stable_mosaic.version = 14 : i64} {
  func.func @scatter(%arg0: i32, %arg1: i32, %arg2: memref<10000x128xf32, #tpu.memory_space<hbm>>, %arg3: memref<320000xi32, #tpu.memory_space<hbm>>, %arg4: memref<320000xi32, #tpu.memory_space<hbm>>, %arg5: memref<10000x128xf32, #tpu.memory_space<hbm>>, %arg6: memref<2x10000x128xf32, #tpu.memory_space<hbm>>, %arg7: memref<80xi32, #tpu.memory_space<vmem>>, %arg8: memref<80xi32, #tpu.memory_space<vmem>>, %arg9: memref<80xi32, #tpu.memory_space<vmem>>, %arg10: memref<80xi32, #tpu.memory_space<vmem>>, %arg11: memref<80xi32, #tpu.memory_space<vmem>>, %arg12: memref<80xi32, #tpu.memory_space<vmem>>, %arg13: memref<80xi32, #tpu.memory_space<vmem>>, %arg14: memref<80xi32, #tpu.memory_space<vmem>>, %arg15: memref<4x80x128xf32, #tpu.memory_space<vmem>>, %arg16: memref<10000x128xf32, #tpu.memory_space<vmem_shared>>, %arg17: memref<4x!tpu.dma_semaphore, #tpu.memory_space<semaphore_mem>>, %arg18: memref<4x!tpu.dma_semaphore, #tpu.memory_space<semaphore_mem>>, %arg19: memref<4x!tpu.dma_semaphore, #tpu.memory_space<semaphore_mem>>, %arg20: memref<4x!tpu.dma_semaphore, #tpu.memory_space<semaphore_mem>>) attributes {dimension_semantics = [#tpu.dimension_semantics<core_parallel>, #tpu.dimension_semantics<subcore_parallel>], iteration_bounds = array<i64: 2, 16>, scalar_prefetch = 0 : i64, scratch_operands = 14 : i64, tpu.core_type = #tpu.core_type<sc_vector_subcore>, window_params = [{transform_indices = #map}, {transform_indices = #map1}, {transform_indices = #map1}, {transform_indices = #map}, {transform_indices = #map2}]} {
    %mul3A = arith.constant 16 : i32
    %mul3A_0 = arith.muli %arg0, %mul3A : i32
    %add3A = arith.addi %mul3A_0, %arg1 : i32
    %mul3A_1 = arith.constant 10000 : i32
    %mul3A_2 = arith.muli %add3A, %mul3A_1 : i32
    %mul3A_3 = arith.constant 624 : i32
    %mul3A_4 = arith.muli %arg1, %mul3A_3 : i32
    %multiple_of3A = tpu.assume_multiple %mul3A_4, 8 : i32
    "tpu.region"() ({
      %run_scoped3A_153 = tpu.sem_alloc : memref<!tpu.dma_semaphore, #tpu.memory_space<semaphore_mem>>
      %dma_start3A_154 = arith.constant 0 : i32
      %dma_start3A_155 = tpu.memref_slice %arg16[%multiple_of3A, %dma_start3A_154] : memref<10000x128xf32, #tpu.memory_space<vmem_shared>> -> memref<624x128xf32, #tpu.memory_space<vmem_shared>>
      %dma_start3A_156 = arith.constant 0 : i32
      %dma_start3A_157 = tpu.memref_slice %arg5[%multiple_of3A, %dma_start3A_156] : memref<10000x128xf32, #tpu.memory_space<hbm>> -> memref<624x128xf32, #tpu.memory_space<hbm>>
      tpu.enqueue_dma source(%dma_start3A_157 : memref<624x128xf32, #tpu.memory_space<hbm>>) target(%dma_start3A_155 : memref<624x128xf32, #tpu.memory_space<vmem_shared>>) target_semaphore(%run_scoped3A_153 : memref<!tpu.dma_semaphore, #tpu.memory_space<semaphore_mem>>)
      %dma_wait3A_158 = arith.constant 0 : i32
      %dma_wait3A_159 = tpu.memref_slice %arg16[%multiple_of3A, %dma_wait3A_158] : memref<10000x128xf32, #tpu.memory_space<vmem_shared>> -> memref<624x128xf32, #tpu.memory_space<vmem_shared>>
      %dma_wait3A_160 = arith.constant 0 : i32
      %dma_wait3A_161 = tpu.memref_slice %arg5[%multiple_of3A, %dma_wait3A_160] : memref<10000x128xf32, #tpu.memory_space<hbm>> -> memref<624x128xf32, #tpu.memory_space<hbm>>
      tpu.wait_dma2 semaphore(%run_scoped3A_153 : memref<!tpu.dma_semaphore, #tpu.memory_space<semaphore_mem>>) src(%dma_wait3A_161 : memref<624x128xf32, #tpu.memory_space<hbm>>) dst(%dma_wait3A_159 : memref<624x128xf32, #tpu.memory_space<vmem_shared>>)
      tpu.yield
    }) : () -> ()
    %eq3A = arith.constant 0 : i32
    %eq3A_5 = arith.cmpi eq, %arg1, %eq3A : i32
    %convert_element_type3A = arith.extui %eq3A_5 : i1 to i32
    %cond3A = arith.constant 0 : i32
    %cond3A_6 = arith.cmpi ne, %convert_element_type3A, %cond3A : i32
    scf.if %cond3A_6 {
      "tpu.region"() ({
        %run_scoped3A_153 = tpu.sem_alloc : memref<!tpu.dma_semaphore, #tpu.memory_space<semaphore_mem>>
        %dma_start3A_154 = arith.constant 9984 : i32
        %dma_start3A_155 = arith.constant 0 : i32
        %dma_start3A_156 = tpu.memref_slice %arg16[%dma_start3A_154, %dma_start3A_155] : memref<10000x128xf32, #tpu.memory_space<vmem_shared>> -> memref<16x128xf32, #tpu.memory_space<vmem_shared>>
        %dma_start3A_157 = arith.constant 9984 : i32
        %dma_start3A_158 = arith.constant 0 : i32
        %dma_start3A_159 = tpu.memref_slice %arg5[%dma_start3A_157, %dma_start3A_158] : memref<10000x128xf32, #tpu.memory_space<hbm>> -> memref<16x128xf32, #tpu.memory_space<hbm>>
        tpu.enqueue_dma source(%dma_start3A_159 : memref<16x128xf32, #tpu.memory_space<hbm>>) target(%dma_start3A_156 : memref<16x128xf32, #tpu.memory_space<vmem_shared>>) target_semaphore(%run_scoped3A_153 : memref<!tpu.dma_semaphore, #tpu.memory_space<semaphore_mem>>)
        %dma_wait3A_160 = arith.constant 9984 : i32
        %dma_wait3A_161 = arith.constant 0 : i32
        %dma_wait3A_162 = tpu.memref_slice %arg16[%dma_wait3A_160, %dma_wait3A_161] : memref<10000x128xf32, #tpu.memory_space<vmem_shared>> -> memref<16x128xf32, #tpu.memory_space<vmem_shared>>
        %dma_wait3A_163 = arith.constant 9984 : i32
        %dma_wait3A_164 = arith.constant 0 : i32
        %dma_wait3A_165 = tpu.memref_slice %arg5[%dma_wait3A_163, %dma_wait3A_164] : memref<10000x128xf32, #tpu.memory_space<hbm>> -> memref<16x128xf32, #tpu.memory_space<hbm>>
        tpu.wait_dma2 semaphore(%run_scoped3A_153 : memref<!tpu.dma_semaphore, #tpu.memory_space<semaphore_mem>>) src(%dma_wait3A_165 : memref<16x128xf32, #tpu.memory_space<hbm>>) dst(%dma_wait3A_162 : memref<16x128xf32, #tpu.memory_space<vmem_shared>>)
        tpu.yield
      }) : () -> ()
    } else {
    }
    %barrier3A = arith.constant 0 : index
    tpu.barrier barrier_id(%barrier3A)
    %add3A_7 = arith.constant 0 : i32
    %add3A_8 = arith.addi %mul3A_2, %add3A_7 : i32
    %multiple_of3A_9 = tpu.assume_multiple %add3A_8, 8 : i32
    %dma_start3A = arith.constant 0 : i32
    %dma_start3A_10 = tpu.memref_slice %arg3[%multiple_of3A_9] : memref<320000xi32, #tpu.memory_space<hbm>> -> memref<80xi32, #tpu.memory_space<hbm>>
    %dma_start3A_11 = tpu.memref_slice %arg17[%dma_start3A] : memref<4x!tpu.dma_semaphore, #tpu.memory_space<semaphore_mem>> -> memref<1x!tpu.dma_semaphore, #tpu.memory_space<semaphore_mem>>
    %dma_start3A_12 = tpu.memref_squeeze %dma_start3A_11 : memref<1x!tpu.dma_semaphore, #tpu.memory_space<semaphore_mem>> -> memref<!tpu.dma_semaphore, #tpu.memory_space<semaphore_mem>>
    %dma_start3A_13 = tpu.memref_slice %arg3[%multiple_of3A_9] : memref<320000xi32, #tpu.memory_space<hbm>> -> memref<80xi32, #tpu.memory_space<hbm>>
    tpu.enqueue_dma source(%dma_start3A_13 : memref<80xi32, #tpu.memory_space<hbm>>) target(%arg7 : memref<80xi32, #tpu.memory_space<vmem>>) target_semaphore(%dma_start3A_12 : memref<!tpu.dma_semaphore, #tpu.memory_space<semaphore_mem>>)
    %dma_start3A_14 = arith.constant 0 : i32
    %dma_start3A_15 = tpu.memref_slice %arg4[%multiple_of3A_9] : memref<320000xi32, #tpu.memory_space<hbm>> -> memref<80xi32, #tpu.memory_space<hbm>>
    %dma_start3A_16 = tpu.memref_slice %arg18[%dma_start3A_14] : memref<4x!tpu.dma_semaphore, #tpu.memory_space<semaphore_mem>> -> memref<1x!tpu.dma_semaphore, #tpu.memory_space<semaphore_mem>>
    %dma_start3A_17 = tpu.memref_squeeze %dma_start3A_16 : memref<1x!tpu.dma_semaphore, #tpu.memory_space<semaphore_mem>> -> memref<!tpu.dma_semaphore, #tpu.memory_space<semaphore_mem>>
    %dma_start3A_18 = tpu.memref_slice %arg4[%multiple_of3A_9] : memref<320000xi32, #tpu.memory_space<hbm>> -> memref<80xi32, #tpu.memory_space<hbm>>
    tpu.enqueue_dma source(%dma_start3A_18 : memref<80xi32, #tpu.memory_space<hbm>>) target(%arg11 : memref<80xi32, #tpu.memory_space<vmem>>) target_semaphore(%dma_start3A_17 : memref<!tpu.dma_semaphore, #tpu.memory_space<semaphore_mem>>)
    %add3A_19 = arith.constant 80 : i32
    %add3A_20 = arith.addi %mul3A_2, %add3A_19 : i32
    %multiple_of3A_21 = tpu.assume_multiple %add3A_20, 8 : i32
    %dma_start3A_22 = arith.constant 1 : i32
    %dma_start3A_23 = tpu.memref_slice %arg3[%multiple_of3A_21] : memref<320000xi32, #tpu.memory_space<hbm>> -> memref<80xi32, #tpu.memory_space<hbm>>
    %dma_start3A_24 = tpu.memref_slice %arg17[%dma_start3A_22] : memref<4x!tpu.dma_semaphore, #tpu.memory_space<semaphore_mem>> -> memref<1x!tpu.dma_semaphore, #tpu.memory_space<semaphore_mem>>
    %dma_start3A_25 = tpu.memref_squeeze %dma_start3A_24 : memref<1x!tpu.dma_semaphore, #tpu.memory_space<semaphore_mem>> -> memref<!tpu.dma_semaphore, #tpu.memory_space<semaphore_mem>>
    %dma_start3A_26 = tpu.memref_slice %arg3[%multiple_of3A_21] : memref<320000xi32, #tpu.memory_space<hbm>> -> memref<80xi32, #tpu.memory_space<hbm>>
    tpu.enqueue_dma source(%dma_start3A_26 : memref<80xi32, #tpu.memory_space<hbm>>) target(%arg8 : memref<80xi32, #tpu.memory_space<vmem>>) target_semaphore(%dma_start3A_25 : memref<!tpu.dma_semaphore, #tpu.memory_space<semaphore_mem>>)
    %dma_start3A_27 = arith.constant 1 : i32
    %dma_start3A_28 = tpu.memref_slice %arg4[%multiple_of3A_21] : memref<320000xi32, #tpu.memory_space<hbm>> -> memref<80xi32, #tpu.memory_space<hbm>>
    %dma_start3A_29 = tpu.memref_slice %arg18[%dma_start3A_27] : memref<4x!tpu.dma_semaphore, #tpu.memory_space<semaphore_mem>> -> memref<1x!tpu.dma_semaphore, #tpu.memory_space<semaphore_mem>>
    %dma_start3A_30 = tpu.memref_squeeze %dma_start3A_29 : memref<1x!tpu.dma_semaphore, #tpu.memory_space<semaphore_mem>> -> memref<!tpu.dma_semaphore, #tpu.memory_space<semaphore_mem>>
    %dma_start3A_31 = tpu.memref_slice %arg4[%multiple_of3A_21] : memref<320000xi32, #tpu.memory_space<hbm>> -> memref<80xi32, #tpu.memory_space<hbm>>
    tpu.enqueue_dma source(%dma_start3A_31 : memref<80xi32, #tpu.memory_space<hbm>>) target(%arg12 : memref<80xi32, #tpu.memory_space<vmem>>) target_semaphore(%dma_start3A_30 : memref<!tpu.dma_semaphore, #tpu.memory_space<semaphore_mem>>)
    %add3A_32 = arith.constant 160 : i32
    %add3A_33 = arith.addi %mul3A_2, %add3A_32 : i32
    %multiple_of3A_34 = tpu.assume_multiple %add3A_33, 8 : i32
    %dma_start3A_35 = arith.constant 2 : i32
    %dma_start3A_36 = tpu.memref_slice %arg3[%multiple_of3A_34] : memref<320000xi32, #tpu.memory_space<hbm>> -> memref<80xi32, #tpu.memory_space<hbm>>
    %dma_start3A_37 = tpu.memref_slice %arg17[%dma_start3A_35] : memref<4x!tpu.dma_semaphore, #tpu.memory_space<semaphore_mem>> -> memref<1x!tpu.dma_semaphore, #tpu.memory_space<semaphore_mem>>
    %dma_start3A_38 = tpu.memref_squeeze %dma_start3A_37 : memref<1x!tpu.dma_semaphore, #tpu.memory_space<semaphore_mem>> -> memref<!tpu.dma_semaphore, #tpu.memory_space<semaphore_mem>>
    %dma_start3A_39 = tpu.memref_slice %arg3[%multiple_of3A_34] : memref<320000xi32, #tpu.memory_space<hbm>> -> memref<80xi32, #tpu.memory_space<hbm>>
    tpu.enqueue_dma source(%dma_start3A_39 : memref<80xi32, #tpu.memory_space<hbm>>) target(%arg9 : memref<80xi32, #tpu.memory_space<vmem>>) target_semaphore(%dma_start3A_38 : memref<!tpu.dma_semaphore, #tpu.memory_space<semaphore_mem>>)
    %dma_start3A_40 = arith.constant 2 : i32
    %dma_start3A_41 = tpu.memref_slice %arg4[%multiple_of3A_34] : memref<320000xi32, #tpu.memory_space<hbm>> -> memref<80xi32, #tpu.memory_space<hbm>>
    %dma_start3A_42 = tpu.memref_slice %arg18[%dma_start3A_40] : memref<4x!tpu.dma_semaphore, #tpu.memory_space<semaphore_mem>> -> memref<1x!tpu.dma_semaphore, #tpu.memory_space<semaphore_mem>>
    %dma_start3A_43 = tpu.memref_squeeze %dma_start3A_42 : memref<1x!tpu.dma_semaphore, #tpu.memory_space<semaphore_mem>> -> memref<!tpu.dma_semaphore, #tpu.memory_space<semaphore_mem>>
    %dma_start3A_44 = tpu.memref_slice %arg4[%multiple_of3A_34] : memref<320000xi32, #tpu.memory_space<hbm>> -> memref<80xi32, #tpu.memory_space<hbm>>
    tpu.enqueue_dma source(%dma_start3A_44 : memref<80xi32, #tpu.memory_space<hbm>>) target(%arg13 : memref<80xi32, #tpu.memory_space<vmem>>) target_semaphore(%dma_start3A_43 : memref<!tpu.dma_semaphore, #tpu.memory_space<semaphore_mem>>)
    %add3A_45 = arith.constant 240 : i32
    %add3A_46 = arith.addi %mul3A_2, %add3A_45 : i32
    %multiple_of3A_47 = tpu.assume_multiple %add3A_46, 8 : i32
    %dma_start3A_48 = arith.constant 3 : i32
    %dma_start3A_49 = tpu.memref_slice %arg3[%multiple_of3A_47] : memref<320000xi32, #tpu.memory_space<hbm>> -> memref<80xi32, #tpu.memory_space<hbm>>
    %dma_start3A_50 = tpu.memref_slice %arg17[%dma_start3A_48] : memref<4x!tpu.dma_semaphore, #tpu.memory_space<semaphore_mem>> -> memref<1x!tpu.dma_semaphore, #tpu.memory_space<semaphore_mem>>
    %dma_start3A_51 = tpu.memref_squeeze %dma_start3A_50 : memref<1x!tpu.dma_semaphore, #tpu.memory_space<semaphore_mem>> -> memref<!tpu.dma_semaphore, #tpu.memory_space<semaphore_mem>>
    %dma_start3A_52 = tpu.memref_slice %arg3[%multiple_of3A_47] : memref<320000xi32, #tpu.memory_space<hbm>> -> memref<80xi32, #tpu.memory_space<hbm>>
    tpu.enqueue_dma source(%dma_start3A_52 : memref<80xi32, #tpu.memory_space<hbm>>) target(%arg10 : memref<80xi32, #tpu.memory_space<vmem>>) target_semaphore(%dma_start3A_51 : memref<!tpu.dma_semaphore, #tpu.memory_space<semaphore_mem>>)
    %dma_start3A_53 = arith.constant 3 : i32
    %dma_start3A_54 = tpu.memref_slice %arg4[%multiple_of3A_47] : memref<320000xi32, #tpu.memory_space<hbm>> -> memref<80xi32, #tpu.memory_space<hbm>>
    %dma_start3A_55 = tpu.memref_slice %arg18[%dma_start3A_53] : memref<4x!tpu.dma_semaphore, #tpu.memory_space<semaphore_mem>> -> memref<1x!tpu.dma_semaphore, #tpu.memory_space<semaphore_mem>>
    %dma_start3A_56 = tpu.memref_squeeze %dma_start3A_55 : memref<1x!tpu.dma_semaphore, #tpu.memory_space<semaphore_mem>> -> memref<!tpu.dma_semaphore, #tpu.memory_space<semaphore_mem>>
    %dma_start3A_57 = tpu.memref_slice %arg4[%multiple_of3A_47] : memref<320000xi32, #tpu.memory_space<hbm>> -> memref<80xi32, #tpu.memory_space<hbm>>
    tpu.enqueue_dma source(%dma_start3A_57 : memref<80xi32, #tpu.memory_space<hbm>>) target(%arg14 : memref<80xi32, #tpu.memory_space<vmem>>) target_semaphore(%dma_start3A_56 : memref<!tpu.dma_semaphore, #tpu.memory_space<semaphore_mem>>)
    %scan3A = arith.constant 0 : i32
    %scan3A_58 = arith.constant 0 : i32
    %scan3A_59 = arith.constant 31 : i32
    %scan3A_60 = arith.addi %scan3A_58, %scan3A_59 : i32
    %scan3A_61 = arith.constant 1 : i32
    scf.for %scan3A_153 = %scan3A_58 to %scan3A_60 step %scan3A_61  : i32 {
      %mul3A_154 = arith.constant 4 : i32
      %mul3A_155 = arith.muli %scan3A_153, %mul3A_154 : i32
      %dma_wait3A_156 = arith.constant 0 : i32
      %dma_wait3A_157 = arith.constant 0 : i32
      %dma_wait3A_158 = tpu.memref_slice %arg3[%dma_wait3A_157] : memref<320000xi32, #tpu.memory_space<hbm>> -> memref<80xi32, #tpu.memory_space<hbm>>
      %dma_wait3A_159 = tpu.memref_slice %arg17[%dma_wait3A_156] : memref<4x!tpu.dma_semaphore, #tpu.memory_space<semaphore_mem>> -> memref<1x!tpu.dma_semaphore, #tpu.memory_space<semaphore_mem>>
      %dma_wait3A_160 = tpu.memref_squeeze %dma_wait3A_159 : memref<1x!tpu.dma_semaphore, #tpu.memory_space<semaphore_mem>> -> memref<!tpu.dma_semaphore, #tpu.memory_space<semaphore_mem>>
      %dma_wait3A_161 = arith.constant 0 : i32
      %dma_wait3A_162 = tpu.memref_slice %arg3[%dma_wait3A_161] : memref<320000xi32, #tpu.memory_space<hbm>> -> memref<80xi32, #tpu.memory_space<hbm>>
      tpu.wait_dma2 semaphore(%dma_wait3A_160 : memref<!tpu.dma_semaphore, #tpu.memory_space<semaphore_mem>>) src(%dma_wait3A_162 : memref<80xi32, #tpu.memory_space<hbm>>) dst(%arg7 : memref<80xi32, #tpu.memory_space<vmem>>)
      %dma_start3A_163 = arith.constant 0 : i32
      %dma_start3A_164 = arith.constant 0 : i32
      %dma_start3A_165 = arith.constant 0 : i32
      %dma_start3A_166 = arith.constant 0 : i32
      %dma_start3A_167 = tpu.memref_slice %arg15[%dma_start3A_163, %dma_start3A_165, %dma_start3A_166] : memref<4x80x128xf32, #tpu.memory_space<vmem>> -> memref<1x80x128xf32, #tpu.memory_space<vmem>>
      %dma_start3A_168 = tpu.memref_squeeze %dma_start3A_167 : memref<1x80x128xf32, #tpu.memory_space<vmem>> -> memref<80x128xf32, #tpu.memory_space<vmem>>
      %dma_start3A_169 = arith.constant 0 : i32
      %dma_start3A_170 = arith.constant 0 : i32
      %dma_start3A_171 = tpu.memref_slice %arg2[%dma_start3A_169, %dma_start3A_170] : memref<10000x128xf32, #tpu.memory_space<hbm>> -> memref<10000x128xf32, #tpu.memory_space<hbm>>
      %dma_start3A_172 = tpu.memref_slice %arg19[%dma_start3A_164] : memref<4x!tpu.dma_semaphore, #tpu.memory_space<semaphore_mem>> -> memref<1x!tpu.dma_semaphore, #tpu.memory_space<semaphore_mem>>
      %dma_start3A_173 = tpu.memref_squeeze %dma_start3A_172 : memref<1x!tpu.dma_semaphore, #tpu.memory_space<semaphore_mem>> -> memref<!tpu.dma_semaphore, #tpu.memory_space<semaphore_mem>>
      tpu.enqueue_indirect_dma source(%dma_start3A_171 : memref<10000x128xf32, #tpu.memory_space<hbm>>) target(%dma_start3A_168 : memref<80x128xf32, #tpu.memory_space<vmem>>) offsets(%arg7 : memref<80xi32, #tpu.memory_space<vmem>>) semaphore(%dma_start3A_173 : memref<!tpu.dma_semaphore, #tpu.memory_space<semaphore_mem>>)
      %dma_wait3A_174 = arith.constant 1 : i32
      %dma_wait3A_175 = arith.constant 0 : i32
      %dma_wait3A_176 = tpu.memref_slice %arg3[%dma_wait3A_175] : memref<320000xi32, #tpu.memory_space<hbm>> -> memref<80xi32, #tpu.memory_space<hbm>>
      %dma_wait3A_177 = tpu.memref_slice %arg17[%dma_wait3A_174] : memref<4x!tpu.dma_semaphore, #tpu.memory_space<semaphore_mem>> -> memref<1x!tpu.dma_semaphore, #tpu.memory_space<semaphore_mem>>
      %dma_wait3A_178 = tpu.memref_squeeze %dma_wait3A_177 : memref<1x!tpu.dma_semaphore, #tpu.memory_space<semaphore_mem>> -> memref<!tpu.dma_semaphore, #tpu.memory_space<semaphore_mem>>
      %dma_wait3A_179 = arith.constant 0 : i32
      %dma_wait3A_180 = tpu.memref_slice %arg3[%dma_wait3A_179] : memref<320000xi32, #tpu.memory_space<hbm>> -> memref<80xi32, #tpu.memory_space<hbm>>
      tpu.wait_dma2 semaphore(%dma_wait3A_178 : memref<!tpu.dma_semaphore, #tpu.memory_space<semaphore_mem>>) src(%dma_wait3A_180 : memref<80xi32, #tpu.memory_space<hbm>>) dst(%arg8 : memref<80xi32, #tpu.memory_space<vmem>>)
      %dma_start3A_181 = arith.constant 1 : i32
      %dma_start3A_182 = arith.constant 1 : i32
      %dma_start3A_183 = arith.constant 0 : i32
      %dma_start3A_184 = arith.constant 0 : i32
      %dma_start3A_185 = tpu.memref_slice %arg15[%dma_start3A_181, %dma_start3A_183, %dma_start3A_184] : memref<4x80x128xf32, #tpu.memory_space<vmem>> -> memref<1x80x128xf32, #tpu.memory_space<vmem>>
      %dma_start3A_186 = tpu.memref_squeeze %dma_start3A_185 : memref<1x80x128xf32, #tpu.memory_space<vmem>> -> memref<80x128xf32, #tpu.memory_space<vmem>>
      %dma_start3A_187 = arith.constant 0 : i32
      %dma_start3A_188 = arith.constant 0 : i32
      %dma_start3A_189 = tpu.memref_slice %arg2[%dma_start3A_187, %dma_start3A_188] : memref<10000x128xf32, #tpu.memory_space<hbm>> -> memref<10000x128xf32, #tpu.memory_space<hbm>>
      %dma_start3A_190 = tpu.memref_slice %arg19[%dma_start3A_182] : memref<4x!tpu.dma_semaphore, #tpu.memory_space<semaphore_mem>> -> memref<1x!tpu.dma_semaphore, #tpu.memory_space<semaphore_mem>>
      %dma_start3A_191 = tpu.memref_squeeze %dma_start3A_190 : memref<1x!tpu.dma_semaphore, #tpu.memory_space<semaphore_mem>> -> memref<!tpu.dma_semaphore, #tpu.memory_space<semaphore_mem>>
      tpu.enqueue_indirect_dma source(%dma_start3A_189 : memref<10000x128xf32, #tpu.memory_space<hbm>>) target(%dma_start3A_186 : memref<80x128xf32, #tpu.memory_space<vmem>>) offsets(%arg8 : memref<80xi32, #tpu.memory_space<vmem>>) semaphore(%dma_start3A_191 : memref<!tpu.dma_semaphore, #tpu.memory_space<semaphore_mem>>)
      %dma_wait3A_192 = arith.constant 2 : i32
      %dma_wait3A_193 = arith.constant 0 : i32
      %dma_wait3A_194 = tpu.memref_slice %arg3[%dma_wait3A_193] : memref<320000xi32, #tpu.memory_space<hbm>> -> memref<80xi32, #tpu.memory_space<hbm>>
      %dma_wait3A_195 = tpu.memref_slice %arg17[%dma_wait3A_192] : memref<4x!tpu.dma_semaphore, #tpu.memory_space<semaphore_mem>> -> memref<1x!tpu.dma_semaphore, #tpu.memory_space<semaphore_mem>>
      %dma_wait3A_196 = tpu.memref_squeeze %dma_wait3A_195 : memref<1x!tpu.dma_semaphore, #tpu.memory_space<semaphore_mem>> -> memref<!tpu.dma_semaphore, #tpu.memory_space<semaphore_mem>>
      %dma_wait3A_197 = arith.constant 0 : i32
      %dma_wait3A_198 = tpu.memref_slice %arg3[%dma_wait3A_197] : memref<320000xi32, #tpu.memory_space<hbm>> -> memref<80xi32, #tpu.memory_space<hbm>>
      tpu.wait_dma2 semaphore(%dma_wait3A_196 : memref<!tpu.dma_semaphore, #tpu.memory_space<semaphore_mem>>) src(%dma_wait3A_198 : memref<80xi32, #tpu.memory_space<hbm>>) dst(%arg9 : memref<80xi32, #tpu.memory_space<vmem>>)
      %dma_start3A_199 = arith.constant 2 : i32
      %dma_start3A_200 = arith.constant 2 : i32
      %dma_start3A_201 = arith.constant 0 : i32
      %dma_start3A_202 = arith.constant 0 : i32
      %dma_start3A_203 = tpu.memref_slice %arg15[%dma_start3A_199, %dma_start3A_201, %dma_start3A_202] : memref<4x80x128xf32, #tpu.memory_space<vmem>> -> memref<1x80x128xf32, #tpu.memory_space<vmem>>
      %dma_start3A_204 = tpu.memref_squeeze %dma_start3A_203 : memref<1x80x128xf32, #tpu.memory_space<vmem>> -> memref<80x128xf32, #tpu.memory_space<vmem>>
      %dma_start3A_205 = arith.constant 0 : i32
      %dma_start3A_206 = arith.constant 0 : i32
      %dma_start3A_207 = tpu.memref_slice %arg2[%dma_start3A_205, %dma_start3A_206] : memref<10000x128xf32, #tpu.memory_space<hbm>> -> memref<10000x128xf32, #tpu.memory_space<hbm>>
      %dma_start3A_208 = tpu.memref_slice %arg19[%dma_start3A_200] : memref<4x!tpu.dma_semaphore, #tpu.memory_space<semaphore_mem>> -> memref<1x!tpu.dma_semaphore, #tpu.memory_space<semaphore_mem>>
      %dma_start3A_209 = tpu.memref_squeeze %dma_start3A_208 : memref<1x!tpu.dma_semaphore, #tpu.memory_space<semaphore_mem>> -> memref<!tpu.dma_semaphore, #tpu.memory_space<semaphore_mem>>
      tpu.enqueue_indirect_dma source(%dma_start3A_207 : memref<10000x128xf32, #tpu.memory_space<hbm>>) target(%dma_start3A_204 : memref<80x128xf32, #tpu.memory_space<vmem>>) offsets(%arg9 : memref<80xi32, #tpu.memory_space<vmem>>) semaphore(%dma_start3A_209 : memref<!tpu.dma_semaphore, #tpu.memory_space<semaphore_mem>>)
      %dma_wait3A_210 = arith.constant 3 : i32
      %dma_wait3A_211 = arith.constant 0 : i32
      %dma_wait3A_212 = tpu.memref_slice %arg3[%dma_wait3A_211] : memref<320000xi32, #tpu.memory_space<hbm>> -> memref<80xi32, #tpu.memory_space<hbm>>
      %dma_wait3A_213 = tpu.memref_slice %arg17[%dma_wait3A_210] : memref<4x!tpu.dma_semaphore, #tpu.memory_space<semaphore_mem>> -> memref<1x!tpu.dma_semaphore, #tpu.memory_space<semaphore_mem>>
      %dma_wait3A_214 = tpu.memref_squeeze %dma_wait3A_213 : memref<1x!tpu.dma_semaphore, #tpu.memory_space<semaphore_mem>> -> memref<!tpu.dma_semaphore, #tpu.memory_space<semaphore_mem>>
      %dma_wait3A_215 = arith.constant 0 : i32
      %dma_wait3A_216 = tpu.memref_slice %arg3[%dma_wait3A_215] : memref<320000xi32, #tpu.memory_space<hbm>> -> memref<80xi32, #tpu.memory_space<hbm>>
      tpu.wait_dma2 semaphore(%dma_wait3A_214 : memref<!tpu.dma_semaphore, #tpu.memory_space<semaphore_mem>>) src(%dma_wait3A_216 : memref<80xi32, #tpu.memory_space<hbm>>) dst(%arg10 : memref<80xi32, #tpu.memory_space<vmem>>)
      %dma_start3A_217 = arith.constant 3 : i32
      %dma_start3A_218 = arith.constant 3 : i32
      %dma_start3A_219 = arith.constant 0 : i32
      %dma_start3A_220 = arith.constant 0 : i32
      %dma_start3A_221 = tpu.memref_slice %arg15[%dma_start3A_217, %dma_start3A_219, %dma_start3A_220] : memref<4x80x128xf32, #tpu.memory_space<vmem>> -> memref<1x80x128xf32, #tpu.memory_space<vmem>>
      %dma_start3A_222 = tpu.memref_squeeze %dma_start3A_221 : memref<1x80x128xf32, #tpu.memory_space<vmem>> -> memref<80x128xf32, #tpu.memory_space<vmem>>
      %dma_start3A_223 = arith.constant 0 : i32
      %dma_start3A_224 = arith.constant 0 : i32
      %dma_start3A_225 = tpu.memref_slice %arg2[%dma_start3A_223, %dma_start3A_224] : memref<10000x128xf32, #tpu.memory_space<hbm>> -> memref<10000x128xf32, #tpu.memory_space<hbm>>
      %dma_start3A_226 = tpu.memref_slice %arg19[%dma_start3A_218] : memref<4x!tpu.dma_semaphore, #tpu.memory_space<semaphore_mem>> -> memref<1x!tpu.dma_semaphore, #tpu.memory_space<semaphore_mem>>
      %dma_start3A_227 = tpu.memref_squeeze %dma_start3A_226 : memref<1x!tpu.dma_semaphore, #tpu.memory_space<semaphore_mem>> -> memref<!tpu.dma_semaphore, #tpu.memory_space<semaphore_mem>>
      tpu.enqueue_indirect_dma source(%dma_start3A_225 : memref<10000x128xf32, #tpu.memory_space<hbm>>) target(%dma_start3A_222 : memref<80x128xf32, #tpu.memory_space<vmem>>) offsets(%arg10 : memref<80xi32, #tpu.memory_space<vmem>>) semaphore(%dma_start3A_227 : memref<!tpu.dma_semaphore, #tpu.memory_space<semaphore_mem>>)
      %dma_wait3A_228 = arith.constant 0 : i32
      %dma_wait3A_229 = arith.constant 0 : i32
      %dma_wait3A_230 = arith.constant 0 : i32
      %dma_wait3A_231 = arith.constant 0 : i32
      %dma_wait3A_232 = tpu.memref_slice %arg15[%dma_wait3A_228, %dma_wait3A_230, %dma_wait3A_231] : memref<4x80x128xf32, #tpu.memory_space<vmem>> -> memref<1x80x128xf32, #tpu.memory_space<vmem>>
      %dma_wait3A_233 = tpu.memref_squeeze %dma_wait3A_232 : memref<1x80x128xf32, #tpu.memory_space<vmem>> -> memref<80x128xf32, #tpu.memory_space<vmem>>
      %dma_wait3A_234 = arith.constant 0 : i32
      %dma_wait3A_235 = arith.constant 0 : i32
      %dma_wait3A_236 = tpu.memref_slice %arg2[%dma_wait3A_234, %dma_wait3A_235] : memref<10000x128xf32, #tpu.memory_space<hbm>> -> memref<80x128xf32, #tpu.memory_space<hbm>>
      %dma_wait3A_237 = tpu.memref_slice %arg19[%dma_wait3A_229] : memref<4x!tpu.dma_semaphore, #tpu.memory_space<semaphore_mem>> -> memref<1x!tpu.dma_semaphore, #tpu.memory_space<semaphore_mem>>
      %dma_wait3A_238 = tpu.memref_squeeze %dma_wait3A_237 : memref<1x!tpu.dma_semaphore, #tpu.memory_space<semaphore_mem>> -> memref<!tpu.dma_semaphore, #tpu.memory_space<semaphore_mem>>
      %dma_wait3A_239 = arith.constant 0 : i32
      %dma_wait3A_240 = arith.constant 0 : i32
      %dma_wait3A_241 = tpu.memref_slice %arg15[%dma_wait3A_228, %dma_wait3A_239, %dma_wait3A_240] : memref<4x80x128xf32, #tpu.memory_space<vmem>> -> memref<1x80x128xf32, #tpu.memory_space<vmem>>
      %dma_wait3A_242 = tpu.memref_squeeze %dma_wait3A_241 : memref<1x80x128xf32, #tpu.memory_space<vmem>> -> memref<80x128xf32, #tpu.memory_space<vmem>>
      %dma_wait3A_243 = arith.constant 0 : i32
      %dma_wait3A_244 = arith.constant 0 : i32
      %dma_wait3A_245 = tpu.memref_slice %arg2[%dma_wait3A_243, %dma_wait3A_244] : memref<10000x128xf32, #tpu.memory_space<hbm>> -> memref<80x128xf32, #tpu.memory_space<hbm>>
      tpu.wait_dma2 semaphore(%dma_wait3A_238 : memref<!tpu.dma_semaphore, #tpu.memory_space<semaphore_mem>>) src(%dma_wait3A_245 : memref<80x128xf32, #tpu.memory_space<hbm>>) dst(%dma_wait3A_242 : memref<80x128xf32, #tpu.memory_space<vmem>>)
      %dma_wait3A_246 = arith.constant 0 : i32
      %dma_wait3A_247 = arith.constant 0 : i32
      %dma_wait3A_248 = tpu.memref_slice %arg3[%dma_wait3A_247] : memref<320000xi32, #tpu.memory_space<hbm>> -> memref<80xi32, #tpu.memory_space<hbm>>
      %dma_wait3A_249 = tpu.memref_slice %arg18[%dma_wait3A_246] : memref<4x!tpu.dma_semaphore, #tpu.memory_space<semaphore_mem>> -> memref<1x!tpu.dma_semaphore, #tpu.memory_space<semaphore_mem>>
      %dma_wait3A_250 = tpu.memref_squeeze %dma_wait3A_249 : memref<1x!tpu.dma_semaphore, #tpu.memory_space<semaphore_mem>> -> memref<!tpu.dma_semaphore, #tpu.memory_space<semaphore_mem>>
      %dma_wait3A_251 = arith.constant 0 : i32
      %dma_wait3A_252 = tpu.memref_slice %arg3[%dma_wait3A_251] : memref<320000xi32, #tpu.memory_space<hbm>> -> memref<80xi32, #tpu.memory_space<hbm>>
      tpu.wait_dma2 semaphore(%dma_wait3A_250 : memref<!tpu.dma_semaphore, #tpu.memory_space<semaphore_mem>>) src(%dma_wait3A_252 : memref<80xi32, #tpu.memory_space<hbm>>) dst(%arg11 : memref<80xi32, #tpu.memory_space<vmem>>)
      %dma_start3A_253 = arith.constant 0 : i32
      %dma_start3A_254 = arith.constant 0 : i32
      %dma_start3A_255 = arith.constant 0 : i32
      %dma_start3A_256 = arith.constant 0 : i32
      %dma_start3A_257 = tpu.memref_slice %arg15[%dma_start3A_253, %dma_start3A_255, %dma_start3A_256] : memref<4x80x128xf32, #tpu.memory_space<vmem>> -> memref<1x80x128xf32, #tpu.memory_space<vmem>>
      %dma_start3A_258 = tpu.memref_squeeze %dma_start3A_257 : memref<1x80x128xf32, #tpu.memory_space<vmem>> -> memref<80x128xf32, #tpu.memory_space<vmem>>
      %dma_start3A_259 = arith.constant 0 : i32
      %dma_start3A_260 = arith.constant 0 : i32
      %dma_start3A_261 = tpu.memref_slice %arg16[%dma_start3A_259, %dma_start3A_260] : memref<10000x128xf32, #tpu.memory_space<vmem_shared>> -> memref<10000x128xf32, #tpu.memory_space<vmem_shared>>
      %dma_start3A_262 = tpu.memref_slice %arg20[%dma_start3A_254] : memref<4x!tpu.dma_semaphore, #tpu.memory_space<semaphore_mem>> -> memref<1x!tpu.dma_semaphore, #tpu.memory_space<semaphore_mem>>
      %dma_start3A_263 = tpu.memref_squeeze %dma_start3A_262 : memref<1x!tpu.dma_semaphore, #tpu.memory_space<semaphore_mem>> -> memref<!tpu.dma_semaphore, #tpu.memory_space<semaphore_mem>>
      tpu.enqueue_indirect_dma source(%dma_start3A_258 : memref<80x128xf32, #tpu.memory_space<vmem>>) target(%dma_start3A_261 : memref<10000x128xf32, #tpu.memory_space<vmem_shared>>) offsets(%arg11 : memref<80xi32, #tpu.memory_space<vmem>>) semaphore(%dma_start3A_263 : memref<!tpu.dma_semaphore, #tpu.memory_space<semaphore_mem>>) {add = true}
      %dma_wait3A_264 = arith.constant 1 : i32
      %dma_wait3A_265 = arith.constant 1 : i32
      %dma_wait3A_266 = arith.constant 0 : i32
      %dma_wait3A_267 = arith.constant 0 : i32
      %dma_wait3A_268 = tpu.memref_slice %arg15[%dma_wait3A_264, %dma_wait3A_266, %dma_wait3A_267] : memref<4x80x128xf32, #tpu.memory_space<vmem>> -> memref<1x80x128xf32, #tpu.memory_space<vmem>>
      %dma_wait3A_269 = tpu.memref_squeeze %dma_wait3A_268 : memref<1x80x128xf32, #tpu.memory_space<vmem>> -> memref<80x128xf32, #tpu.memory_space<vmem>>
      %dma_wait3A_270 = arith.constant 0 : i32
      %dma_wait3A_271 = arith.constant 0 : i32
      %dma_wait3A_272 = tpu.memref_slice %arg2[%dma_wait3A_270, %dma_wait3A_271] : memref<10000x128xf32, #tpu.memory_space<hbm>> -> memref<80x128xf32, #tpu.memory_space<hbm>>
      %dma_wait3A_273 = tpu.memref_slice %arg19[%dma_wait3A_265] : memref<4x!tpu.dma_semaphore, #tpu.memory_space<semaphore_mem>> -> memref<1x!tpu.dma_semaphore, #tpu.memory_space<semaphore_mem>>
      %dma_wait3A_274 = tpu.memref_squeeze %dma_wait3A_273 : memref<1x!tpu.dma_semaphore, #tpu.memory_space<semaphore_mem>> -> memref<!tpu.dma_semaphore, #tpu.memory_space<semaphore_mem>>
      %dma_wait3A_275 = arith.constant 0 : i32
      %dma_wait3A_276 = arith.constant 0 : i32
      %dma_wait3A_277 = tpu.memref_slice %arg15[%dma_wait3A_264, %dma_wait3A_275, %dma_wait3A_276] : memref<4x80x128xf32, #tpu.memory_space<vmem>> -> memref<1x80x128xf32, #tpu.memory_space<vmem>>
      %dma_wait3A_278 = tpu.memref_squeeze %dma_wait3A_277 : memref<1x80x128xf32, #tpu.memory_space<vmem>> -> memref<80x128xf32, #tpu.memory_space<vmem>>
      %dma_wait3A_279 = arith.constant 0 : i32
      %dma_wait3A_280 = arith.constant 0 : i32
      %dma_wait3A_281 = tpu.memref_slice %arg2[%dma_wait3A_279, %dma_wait3A_280] : memref<10000x128xf32, #tpu.memory_space<hbm>> -> memref<80x128xf32, #tpu.memory_space<hbm>>
      tpu.wait_dma2 semaphore(%dma_wait3A_274 : memref<!tpu.dma_semaphore, #tpu.memory_space<semaphore_mem>>) src(%dma_wait3A_281 : memref<80x128xf32, #tpu.memory_space<hbm>>) dst(%dma_wait3A_278 : memref<80x128xf32, #tpu.memory_space<vmem>>)
      %dma_wait3A_282 = arith.constant 1 : i32
      %dma_wait3A_283 = arith.constant 0 : i32
      %dma_wait3A_284 = tpu.memref_slice %arg3[%dma_wait3A_283] : memref<320000xi32, #tpu.memory_space<hbm>> -> memref<80xi32, #tpu.memory_space<hbm>>
      %dma_wait3A_285 = tpu.memref_slice %arg18[%dma_wait3A_282] : memref<4x!tpu.dma_semaphore, #tpu.memory_space<semaphore_mem>> -> memref<1x!tpu.dma_semaphore, #tpu.memory_space<semaphore_mem>>
      %dma_wait3A_286 = tpu.memref_squeeze %dma_wait3A_285 : memref<1x!tpu.dma_semaphore, #tpu.memory_space<semaphore_mem>> -> memref<!tpu.dma_semaphore, #tpu.memory_space<semaphore_mem>>
      %dma_wait3A_287 = arith.constant 0 : i32
      %dma_wait3A_288 = tpu.memref_slice %arg3[%dma_wait3A_287] : memref<320000xi32, #tpu.memory_space<hbm>> -> memref<80xi32, #tpu.memory_space<hbm>>
      tpu.wait_dma2 semaphore(%dma_wait3A_286 : memref<!tpu.dma_semaphore, #tpu.memory_space<semaphore_mem>>) src(%dma_wait3A_288 : memref<80xi32, #tpu.memory_space<hbm>>) dst(%arg12 : memref<80xi32, #tpu.memory_space<vmem>>)
      %dma_start3A_289 = arith.constant 1 : i32
      %dma_start3A_290 = arith.constant 1 : i32
      %dma_start3A_291 = arith.constant 0 : i32
      %dma_start3A_292 = arith.constant 0 : i32
      %dma_start3A_293 = tpu.memref_slice %arg15[%dma_start3A_289, %dma_start3A_291, %dma_start3A_292] : memref<4x80x128xf32, #tpu.memory_space<vmem>> -> memref<1x80x128xf32, #tpu.memory_space<vmem>>
      %dma_start3A_294 = tpu.memref_squeeze %dma_start3A_293 : memref<1x80x128xf32, #tpu.memory_space<vmem>> -> memref<80x128xf32, #tpu.memory_space<vmem>>
      %dma_start3A_295 = arith.constant 0 : i32
      %dma_start3A_296 = arith.constant 0 : i32
      %dma_start3A_297 = tpu.memref_slice %arg16[%dma_start3A_295, %dma_start3A_296] : memref<10000x128xf32, #tpu.memory_space<vmem_shared>> -> memref<10000x128xf32, #tpu.memory_space<vmem_shared>>
      %dma_start3A_298 = tpu.memref_slice %arg20[%dma_start3A_290] : memref<4x!tpu.dma_semaphore, #tpu.memory_space<semaphore_mem>> -> memref<1x!tpu.dma_semaphore, #tpu.memory_space<semaphore_mem>>
      %dma_start3A_299 = tpu.memref_squeeze %dma_start3A_298 : memref<1x!tpu.dma_semaphore, #tpu.memory_space<semaphore_mem>> -> memref<!tpu.dma_semaphore, #tpu.memory_space<semaphore_mem>>
      tpu.enqueue_indirect_dma source(%dma_start3A_294 : memref<80x128xf32, #tpu.memory_space<vmem>>) target(%dma_start3A_297 : memref<10000x128xf32, #tpu.memory_space<vmem_shared>>) offsets(%arg12 : memref<80xi32, #tpu.memory_space<vmem>>) semaphore(%dma_start3A_299 : memref<!tpu.dma_semaphore, #tpu.memory_space<semaphore_mem>>) {add = true}
      %dma_wait3A_300 = arith.constant 2 : i32
      %dma_wait3A_301 = arith.constant 2 : i32
      %dma_wait3A_302 = arith.constant 0 : i32
      %dma_wait3A_303 = arith.constant 0 : i32
      %dma_wait3A_304 = tpu.memref_slice %arg15[%dma_wait3A_300, %dma_wait3A_302, %dma_wait3A_303] : memref<4x80x128xf32, #tpu.memory_space<vmem>> -> memref<1x80x128xf32, #tpu.memory_space<vmem>>
      %dma_wait3A_305 = tpu.memref_squeeze %dma_wait3A_304 : memref<1x80x128xf32, #tpu.memory_space<vmem>> -> memref<80x128xf32, #tpu.memory_space<vmem>>
      %dma_wait3A_306 = arith.constant 0 : i32
      %dma_wait3A_307 = arith.constant 0 : i32
      %dma_wait3A_308 = tpu.memref_slice %arg2[%dma_wait3A_306, %dma_wait3A_307] : memref<10000x128xf32, #tpu.memory_space<hbm>> -> memref<80x128xf32, #tpu.memory_space<hbm>>
      %dma_wait3A_309 = tpu.memref_slice %arg19[%dma_wait3A_301] : memref<4x!tpu.dma_semaphore, #tpu.memory_space<semaphore_mem>> -> memref<1x!tpu.dma_semaphore, #tpu.memory_space<semaphore_mem>>
      %dma_wait3A_310 = tpu.memref_squeeze %dma_wait3A_309 : memref<1x!tpu.dma_semaphore, #tpu.memory_space<semaphore_mem>> -> memref<!tpu.dma_semaphore, #tpu.memory_space<semaphore_mem>>
      %dma_wait3A_311 = arith.constant 0 : i32
      %dma_wait3A_312 = arith.constant 0 : i32
      %dma_wait3A_313 = tpu.memref_slice %arg15[%dma_wait3A_300, %dma_wait3A_311, %dma_wait3A_312] : memref<4x80x128xf32, #tpu.memory_space<vmem>> -> memref<1x80x128xf32, #tpu.memory_space<vmem>>
      %dma_wait3A_314 = tpu.memref_squeeze %dma_wait3A_313 : memref<1x80x128xf32, #tpu.memory_space<vmem>> -> memref<80x128xf32, #tpu.memory_space<vmem>>
      %dma_wait3A_315 = arith.constant 0 : i32
      %dma_wait3A_316 = arith.constant 0 : i32
      %dma_wait3A_317 = tpu.memref_slice %arg2[%dma_wait3A_315, %dma_wait3A_316] : memref<10000x128xf32, #tpu.memory_space<hbm>> -> memref<80x128xf32, #tpu.memory_space<hbm>>
      tpu.wait_dma2 semaphore(%dma_wait3A_310 : memref<!tpu.dma_semaphore, #tpu.memory_space<semaphore_mem>>) src(%dma_wait3A_317 : memref<80x128xf32, #tpu.memory_space<hbm>>) dst(%dma_wait3A_314 : memref<80x128xf32, #tpu.memory_space<vmem>>)
      %dma_wait3A_318 = arith.constant 2 : i32
      %dma_wait3A_319 = arith.constant 0 : i32
      %dma_wait3A_320 = tpu.memref_slice %arg3[%dma_wait3A_319] : memref<320000xi32, #tpu.memory_space<hbm>> -> memref<80xi32, #tpu.memory_space<hbm>>
      %dma_wait3A_321 = tpu.memref_slice %arg18[%dma_wait3A_318] : memref<4x!tpu.dma_semaphore, #tpu.memory_space<semaphore_mem>> -> memref<1x!tpu.dma_semaphore, #tpu.memory_space<semaphore_mem>>
      %dma_wait3A_322 = tpu.memref_squeeze %dma_wait3A_321 : memref<1x!tpu.dma_semaphore, #tpu.memory_space<semaphore_mem>> -> memref<!tpu.dma_semaphore, #tpu.memory_space<semaphore_mem>>
      %dma_wait3A_323 = arith.constant 0 : i32
      %dma_wait3A_324 = tpu.memref_slice %arg3[%dma_wait3A_323] : memref<320000xi32, #tpu.memory_space<hbm>> -> memref<80xi32, #tpu.memory_space<hbm>>
      tpu.wait_dma2 semaphore(%dma_wait3A_322 : memref<!tpu.dma_semaphore, #tpu.memory_space<semaphore_mem>>) src(%dma_wait3A_324 : memref<80xi32, #tpu.memory_space<hbm>>) dst(%arg13 : memref<80xi32, #tpu.memory_space<vmem>>)
      %dma_start3A_325 = arith.constant 2 : i32
      %dma_start3A_326 = arith.constant 2 : i32
      %dma_start3A_327 = arith.constant 0 : i32
      %dma_start3A_328 = arith.constant 0 : i32
      %dma_start3A_329 = tpu.memref_slice %arg15[%dma_start3A_325, %dma_start3A_327, %dma_start3A_328] : memref<4x80x128xf32, #tpu.memory_space<vmem>> -> memref<1x80x128xf32, #tpu.memory_space<vmem>>
      %dma_start3A_330 = tpu.memref_squeeze %dma_start3A_329 : memref<1x80x128xf32, #tpu.memory_space<vmem>> -> memref<80x128xf32, #tpu.memory_space<vmem>>
      %dma_start3A_331 = arith.constant 0 : i32
      %dma_start3A_332 = arith.constant 0 : i32
      %dma_start3A_333 = tpu.memref_slice %arg16[%dma_start3A_331, %dma_start3A_332] : memref<10000x128xf32, #tpu.memory_space<vmem_shared>> -> memref<10000x128xf32, #tpu.memory_space<vmem_shared>>
      %dma_start3A_334 = tpu.memref_slice %arg20[%dma_start3A_326] : memref<4x!tpu.dma_semaphore, #tpu.memory_space<semaphore_mem>> -> memref<1x!tpu.dma_semaphore, #tpu.memory_space<semaphore_mem>>
      %dma_start3A_335 = tpu.memref_squeeze %dma_start3A_334 : memref<1x!tpu.dma_semaphore, #tpu.memory_space<semaphore_mem>> -> memref<!tpu.dma_semaphore, #tpu.memory_space<semaphore_mem>>
      tpu.enqueue_indirect_dma source(%dma_start3A_330 : memref<80x128xf32, #tpu.memory_space<vmem>>) target(%dma_start3A_333 : memref<10000x128xf32, #tpu.memory_space<vmem_shared>>) offsets(%arg13 : memref<80xi32, #tpu.memory_space<vmem>>) semaphore(%dma_start3A_335 : memref<!tpu.dma_semaphore, #tpu.memory_space<semaphore_mem>>) {add = true}
      %dma_wait3A_336 = arith.constant 3 : i32
      %dma_wait3A_337 = arith.constant 3 : i32
      %dma_wait3A_338 = arith.constant 0 : i32
      %dma_wait3A_339 = arith.constant 0 : i32
      %dma_wait3A_340 = tpu.memref_slice %arg15[%dma_wait3A_336, %dma_wait3A_338, %dma_wait3A_339] : memref<4x80x128xf32, #tpu.memory_space<vmem>> -> memref<1x80x128xf32, #tpu.memory_space<vmem>>
      %dma_wait3A_341 = tpu.memref_squeeze %dma_wait3A_340 : memref<1x80x128xf32, #tpu.memory_space<vmem>> -> memref<80x128xf32, #tpu.memory_space<vmem>>
      %dma_wait3A_342 = arith.constant 0 : i32
      %dma_wait3A_343 = arith.constant 0 : i32
      %dma_wait3A_344 = tpu.memref_slice %arg2[%dma_wait3A_342, %dma_wait3A_343] : memref<10000x128xf32, #tpu.memory_space<hbm>> -> memref<80x128xf32, #tpu.memory_space<hbm>>
      %dma_wait3A_345 = tpu.memref_slice %arg19[%dma_wait3A_337] : memref<4x!tpu.dma_semaphore, #tpu.memory_space<semaphore_mem>> -> memref<1x!tpu.dma_semaphore, #tpu.memory_space<semaphore_mem>>
      %dma_wait3A_346 = tpu.memref_squeeze %dma_wait3A_345 : memref<1x!tpu.dma_semaphore, #tpu.memory_space<semaphore_mem>> -> memref<!tpu.dma_semaphore, #tpu.memory_space<semaphore_mem>>
      %dma_wait3A_347 = arith.constant 0 : i32
      %dma_wait3A_348 = arith.constant 0 : i32
      %dma_wait3A_349 = tpu.memref_slice %arg15[%dma_wait3A_336, %dma_wait3A_347, %dma_wait3A_348] : memref<4x80x128xf32, #tpu.memory_space<vmem>> -> memref<1x80x128xf32, #tpu.memory_space<vmem>>
      %dma_wait3A_350 = tpu.memref_squeeze %dma_wait3A_349 : memref<1x80x128xf32, #tpu.memory_space<vmem>> -> memref<80x128xf32, #tpu.memory_space<vmem>>
      %dma_wait3A_351 = arith.constant 0 : i32
      %dma_wait3A_352 = arith.constant 0 : i32
      %dma_wait3A_353 = tpu.memref_slice %arg2[%dma_wait3A_351, %dma_wait3A_352] : memref<10000x128xf32, #tpu.memory_space<hbm>> -> memref<80x128xf32, #tpu.memory_space<hbm>>
      tpu.wait_dma2 semaphore(%dma_wait3A_346 : memref<!tpu.dma_semaphore, #tpu.memory_space<semaphore_mem>>) src(%dma_wait3A_353 : memref<80x128xf32, #tpu.memory_space<hbm>>) dst(%dma_wait3A_350 : memref<80x128xf32, #tpu.memory_space<vmem>>)
      %dma_wait3A_354 = arith.constant 3 : i32
      %dma_wait3A_355 = arith.constant 0 : i32
      %dma_wait3A_356 = tpu.memref_slice %arg3[%dma_wait3A_355] : memref<320000xi32, #tpu.memory_space<hbm>> -> memref<80xi32, #tpu.memory_space<hbm>>
      %dma_wait3A_357 = tpu.memref_slice %arg18[%dma_wait3A_354] : memref<4x!tpu.dma_semaphore, #tpu.memory_space<semaphore_mem>> -> memref<1x!tpu.dma_semaphore, #tpu.memory_space<semaphore_mem>>
      %dma_wait3A_358 = tpu.memref_squeeze %dma_wait3A_357 : memref<1x!tpu.dma_semaphore, #tpu.memory_space<semaphore_mem>> -> memref<!tpu.dma_semaphore, #tpu.memory_space<semaphore_mem>>
      %dma_wait3A_359 = arith.constant 0 : i32
      %dma_wait3A_360 = tpu.memref_slice %arg3[%dma_wait3A_359] : memref<320000xi32, #tpu.memory_space<hbm>> -> memref<80xi32, #tpu.memory_space<hbm>>
      tpu.wait_dma2 semaphore(%dma_wait3A_358 : memref<!tpu.dma_semaphore, #tpu.memory_space<semaphore_mem>>) src(%dma_wait3A_360 : memref<80xi32, #tpu.memory_space<hbm>>) dst(%arg14 : memref<80xi32, #tpu.memory_space<vmem>>)
      %dma_start3A_361 = arith.constant 3 : i32
      %dma_start3A_362 = arith.constant 3 : i32
      %dma_start3A_363 = arith.constant 0 : i32
      %dma_start3A_364 = arith.constant 0 : i32
      %dma_start3A_365 = tpu.memref_slice %arg15[%dma_start3A_361, %dma_start3A_363, %dma_start3A_364] : memref<4x80x128xf32, #tpu.memory_space<vmem>> -> memref<1x80x128xf32, #tpu.memory_space<vmem>>
      %dma_start3A_366 = tpu.memref_squeeze %dma_start3A_365 : memref<1x80x128xf32, #tpu.memory_space<vmem>> -> memref<80x128xf32, #tpu.memory_space<vmem>>
      %dma_start3A_367 = arith.constant 0 : i32
      %dma_start3A_368 = arith.constant 0 : i32
      %dma_start3A_369 = tpu.memref_slice %arg16[%dma_start3A_367, %dma_start3A_368] : memref<10000x128xf32, #tpu.memory_space<vmem_shared>> -> memref<10000x128xf32, #tpu.memory_space<vmem_shared>>
      %dma_start3A_370 = tpu.memref_slice %arg20[%dma_start3A_362] : memref<4x!tpu.dma_semaphore, #tpu.memory_space<semaphore_mem>> -> memref<1x!tpu.dma_semaphore, #tpu.memory_space<semaphore_mem>>
      %dma_start3A_371 = tpu.memref_squeeze %dma_start3A_370 : memref<1x!tpu.dma_semaphore, #tpu.memory_space<semaphore_mem>> -> memref<!tpu.dma_semaphore, #tpu.memory_space<semaphore_mem>>
      tpu.enqueue_indirect_dma source(%dma_start3A_366 : memref<80x128xf32, #tpu.memory_space<vmem>>) target(%dma_start3A_369 : memref<10000x128xf32, #tpu.memory_space<vmem_shared>>) offsets(%arg14 : memref<80xi32, #tpu.memory_space<vmem>>) semaphore(%dma_start3A_371 : memref<!tpu.dma_semaphore, #tpu.memory_space<semaphore_mem>>) {add = true}
      %dma_wait3A_372 = arith.constant 0 : i32
      %dma_wait3A_373 = arith.constant 0 : i32
      %dma_wait3A_374 = arith.constant 0 : i32
      %dma_wait3A_375 = arith.constant 0 : i32
      %dma_wait3A_376 = tpu.memref_slice %arg15[%dma_wait3A_372, %dma_wait3A_374, %dma_wait3A_375] : memref<4x80x128xf32, #tpu.memory_space<vmem>> -> memref<1x80x128xf32, #tpu.memory_space<vmem>>
      %dma_wait3A_377 = tpu.memref_squeeze %dma_wait3A_376 : memref<1x80x128xf32, #tpu.memory_space<vmem>> -> memref<80x128xf32, #tpu.memory_space<vmem>>
      %dma_wait3A_378 = arith.constant 0 : i32
      %dma_wait3A_379 = arith.constant 0 : i32
      %dma_wait3A_380 = tpu.memref_slice %arg2[%dma_wait3A_378, %dma_wait3A_379] : memref<10000x128xf32, #tpu.memory_space<hbm>> -> memref<80x128xf32, #tpu.memory_space<hbm>>
      %dma_wait3A_381 = tpu.memref_slice %arg20[%dma_wait3A_373] : memref<4x!tpu.dma_semaphore, #tpu.memory_space<semaphore_mem>> -> memref<1x!tpu.dma_semaphore, #tpu.memory_space<semaphore_mem>>
      %dma_wait3A_382 = tpu.memref_squeeze %dma_wait3A_381 : memref<1x!tpu.dma_semaphore, #tpu.memory_space<semaphore_mem>> -> memref<!tpu.dma_semaphore, #tpu.memory_space<semaphore_mem>>
      %dma_wait3A_383 = arith.constant 0 : i32
      %dma_wait3A_384 = arith.constant 0 : i32
      %dma_wait3A_385 = tpu.memref_slice %arg15[%dma_wait3A_372, %dma_wait3A_383, %dma_wait3A_384] : memref<4x80x128xf32, #tpu.memory_space<vmem>> -> memref<1x80x128xf32, #tpu.memory_space<vmem>>
      %dma_wait3A_386 = tpu.memref_squeeze %dma_wait3A_385 : memref<1x80x128xf32, #tpu.memory_space<vmem>> -> memref<80x128xf32, #tpu.memory_space<vmem>>
      %dma_wait3A_387 = arith.constant 0 : i32
      %dma_wait3A_388 = arith.constant 0 : i32
      %dma_wait3A_389 = tpu.memref_slice %arg2[%dma_wait3A_387, %dma_wait3A_388] : memref<10000x128xf32, #tpu.memory_space<hbm>> -> memref<80x128xf32, #tpu.memory_space<hbm>>
      tpu.wait_dma2 semaphore(%dma_wait3A_382 : memref<!tpu.dma_semaphore, #tpu.memory_space<semaphore_mem>>) src(%dma_wait3A_389 : memref<80x128xf32, #tpu.memory_space<hbm>>) dst(%dma_wait3A_386 : memref<80x128xf32, #tpu.memory_space<vmem>>)
      %add3A_390 = arith.constant 0 : i32
      %add3A_391 = arith.addi %mul3A_155, %add3A_390 : i32
      %add3A_392 = arith.constant 4 : i32
      %add3A_393 = arith.addi %add3A_391, %add3A_392 : i32
      %jit3A = arith.constant 125 : i32
      %eq3A_394 = arith.constant 0 : i32
      %eq3A_395 = arith.cmpi eq, %jit3A, %eq3A_394 : i32
      %jit3A_396 = arith.constant 1 : i32
      %select_n3A = arith.select %eq3A_395, %jit3A_396, %jit3A : i32
      %rem3A = arith.remsi %add3A_393, %select_n3A : i32
      %ne3A = arith.constant 0 : i32
      %ne3A_397 = arith.cmpi ne, %rem3A, %ne3A : i32
      %lt3A = arith.constant 0 : i32
      %lt3A_398 = arith.cmpi slt, %rem3A, %lt3A : i32
      %lt3A_399 = arith.constant 0 : i32
      %lt3A_400 = arith.cmpi slt, %select_n3A, %lt3A_399 : i32
      %ne3A_401 = arith.xori %lt3A_398, %lt3A_400 : i1
      %and3A = arith.andi %ne3A_401, %ne3A_397 : i1
      %add3A_402 = arith.addi %rem3A, %select_n3A : i32
      %select_n3A_403 = arith.select %and3A, %add3A_402, %rem3A : i32
      %mul3A_404 = arith.constant 80 : i32
      %mul3A_405 = arith.muli %select_n3A_403, %mul3A_404 : i32
      %add3A_406 = arith.addi %mul3A_2, %mul3A_405 : i32
      %multiple_of3A_407 = tpu.assume_multiple %add3A_406, 8 : i32
      %dma_start3A_408 = arith.constant 0 : i32
      %dma_start3A_409 = tpu.memref_slice %arg3[%multiple_of3A_407] : memref<320000xi32, #tpu.memory_space<hbm>> -> memref<80xi32, #tpu.memory_space<hbm>>
      %dma_start3A_410 = tpu.memref_slice %arg17[%dma_start3A_408] : memref<4x!tpu.dma_semaphore, #tpu.memory_space<semaphore_mem>> -> memref<1x!tpu.dma_semaphore, #tpu.memory_space<semaphore_mem>>
      %dma_start3A_411 = tpu.memref_squeeze %dma_start3A_410 : memref<1x!tpu.dma_semaphore, #tpu.memory_space<semaphore_mem>> -> memref<!tpu.dma_semaphore, #tpu.memory_space<semaphore_mem>>
      %dma_start3A_412 = tpu.memref_slice %arg3[%multiple_of3A_407] : memref<320000xi32, #tpu.memory_space<hbm>> -> memref<80xi32, #tpu.memory_space<hbm>>
      tpu.enqueue_dma source(%dma_start3A_412 : memref<80xi32, #tpu.memory_space<hbm>>) target(%arg7 : memref<80xi32, #tpu.memory_space<vmem>>) target_semaphore(%dma_start3A_411 : memref<!tpu.dma_semaphore, #tpu.memory_space<semaphore_mem>>)
      %dma_start3A_413 = arith.constant 0 : i32
      %dma_start3A_414 = tpu.memref_slice %arg4[%multiple_of3A_407] : memref<320000xi32, #tpu.memory_space<hbm>> -> memref<80xi32, #tpu.memory_space<hbm>>
      %dma_start3A_415 = tpu.memref_slice %arg18[%dma_start3A_413] : memref<4x!tpu.dma_semaphore, #tpu.memory_space<semaphore_mem>> -> memref<1x!tpu.dma_semaphore, #tpu.memory_space<semaphore_mem>>
      %dma_start3A_416 = tpu.memref_squeeze %dma_start3A_415 : memref<1x!tpu.dma_semaphore, #tpu.memory_space<semaphore_mem>> -> memref<!tpu.dma_semaphore, #tpu.memory_space<semaphore_mem>>
      %dma_start3A_417 = tpu.memref_slice %arg4[%multiple_of3A_407] : memref<320000xi32, #tpu.memory_space<hbm>> -> memref<80xi32, #tpu.memory_space<hbm>>
      tpu.enqueue_dma source(%dma_start3A_417 : memref<80xi32, #tpu.memory_space<hbm>>) target(%arg11 : memref<80xi32, #tpu.memory_space<vmem>>) target_semaphore(%dma_start3A_416 : memref<!tpu.dma_semaphore, #tpu.memory_space<semaphore_mem>>)
      %dma_wait3A_418 = arith.constant 1 : i32
      %dma_wait3A_419 = arith.constant 1 : i32
      %dma_wait3A_420 = arith.constant 0 : i32
      %dma_wait3A_421 = arith.constant 0 : i32
      %dma_wait3A_422 = tpu.memref_slice %arg15[%dma_wait3A_418, %dma_wait3A_420, %dma_wait3A_421] : memref<4x80x128xf32, #tpu.memory_space<vmem>> -> memref<1x80x128xf32, #tpu.memory_space<vmem>>
      %dma_wait3A_423 = tpu.memref_squeeze %dma_wait3A_422 : memref<1x80x128xf32, #tpu.memory_space<vmem>> -> memref<80x128xf32, #tpu.memory_space<vmem>>
      %dma_wait3A_424 = arith.constant 0 : i32
      %dma_wait3A_425 = arith.constant 0 : i32
      %dma_wait3A_426 = tpu.memref_slice %arg2[%dma_wait3A_424, %dma_wait3A_425] : memref<10000x128xf32, #tpu.memory_space<hbm>> -> memref<80x128xf32, #tpu.memory_space<hbm>>
      %dma_wait3A_427 = tpu.memref_slice %arg20[%dma_wait3A_419] : memref<4x!tpu.dma_semaphore, #tpu.memory_space<semaphore_mem>> -> memref<1x!tpu.dma_semaphore, #tpu.memory_space<semaphore_mem>>
      %dma_wait3A_428 = tpu.memref_squeeze %dma_wait3A_427 : memref<1x!tpu.dma_semaphore, #tpu.memory_space<semaphore_mem>> -> memref<!tpu.dma_semaphore, #tpu.memory_space<semaphore_mem>>
      %dma_wait3A_429 = arith.constant 0 : i32
      %dma_wait3A_430 = arith.constant 0 : i32
      %dma_wait3A_431 = tpu.memref_slice %arg15[%dma_wait3A_418, %dma_wait3A_429, %dma_wait3A_430] : memref<4x80x128xf32, #tpu.memory_space<vmem>> -> memref<1x80x128xf32, #tpu.memory_space<vmem>>
      %dma_wait3A_432 = tpu.memref_squeeze %dma_wait3A_431 : memref<1x80x128xf32, #tpu.memory_space<vmem>> -> memref<80x128xf32, #tpu.memory_space<vmem>>
      %dma_wait3A_433 = arith.constant 0 : i32
      %dma_wait3A_434 = arith.constant 0 : i32
      %dma_wait3A_435 = tpu.memref_slice %arg2[%dma_wait3A_433, %dma_wait3A_434] : memref<10000x128xf32, #tpu.memory_space<hbm>> -> memref<80x128xf32, #tpu.memory_space<hbm>>
      tpu.wait_dma2 semaphore(%dma_wait3A_428 : memref<!tpu.dma_semaphore, #tpu.memory_space<semaphore_mem>>) src(%dma_wait3A_435 : memref<80x128xf32, #tpu.memory_space<hbm>>) dst(%dma_wait3A_432 : memref<80x128xf32, #tpu.memory_space<vmem>>)
      %add3A_436 = arith.constant 1 : i32
      %add3A_437 = arith.addi %mul3A_155, %add3A_436 : i32
      %add3A_438 = arith.constant 4 : i32
      %add3A_439 = arith.addi %add3A_437, %add3A_438 : i32
      %jit3A_440 = arith.constant 125 : i32
      %eq3A_441 = arith.constant 0 : i32
      %eq3A_442 = arith.cmpi eq, %jit3A_440, %eq3A_441 : i32
      %jit3A_443 = arith.constant 1 : i32
      %select_n3A_444 = arith.select %eq3A_442, %jit3A_443, %jit3A_440 : i32
      %rem3A_445 = arith.remsi %add3A_439, %select_n3A_444 : i32
      %ne3A_446 = arith.constant 0 : i32
      %ne3A_447 = arith.cmpi ne, %rem3A_445, %ne3A_446 : i32
      %lt3A_448 = arith.constant 0 : i32
      %lt3A_449 = arith.cmpi slt, %rem3A_445, %lt3A_448 : i32
      %lt3A_450 = arith.constant 0 : i32
      %lt3A_451 = arith.cmpi slt, %select_n3A_444, %lt3A_450 : i32
      %ne3A_452 = arith.xori %lt3A_449, %lt3A_451 : i1
      %and3A_453 = arith.andi %ne3A_452, %ne3A_447 : i1
      %add3A_454 = arith.addi %rem3A_445, %select_n3A_444 : i32
      %select_n3A_455 = arith.select %and3A_453, %add3A_454, %rem3A_445 : i32
      %mul3A_456 = arith.constant 80 : i32
      %mul3A_457 = arith.muli %select_n3A_455, %mul3A_456 : i32
      %add3A_458 = arith.addi %mul3A_2, %mul3A_457 : i32
      %multiple_of3A_459 = tpu.assume_multiple %add3A_458, 8 : i32
      %dma_start3A_460 = arith.constant 1 : i32
      %dma_start3A_461 = tpu.memref_slice %arg3[%multiple_of3A_459] : memref<320000xi32, #tpu.memory_space<hbm>> -> memref<80xi32, #tpu.memory_space<hbm>>
      %dma_start3A_462 = tpu.memref_slice %arg17[%dma_start3A_460] : memref<4x!tpu.dma_semaphore, #tpu.memory_space<semaphore_mem>> -> memref<1x!tpu.dma_semaphore, #tpu.memory_space<semaphore_mem>>
      %dma_start3A_463 = tpu.memref_squeeze %dma_start3A_462 : memref<1x!tpu.dma_semaphore, #tpu.memory_space<semaphore_mem>> -> memref<!tpu.dma_semaphore, #tpu.memory_space<semaphore_mem>>
      %dma_start3A_464 = tpu.memref_slice %arg3[%multiple_of3A_459] : memref<320000xi32, #tpu.memory_space<hbm>> -> memref<80xi32, #tpu.memory_space<hbm>>
      tpu.enqueue_dma source(%dma_start3A_464 : memref<80xi32, #tpu.memory_space<hbm>>) target(%arg8 : memref<80xi32, #tpu.memory_space<vmem>>) target_semaphore(%dma_start3A_463 : memref<!tpu.dma_semaphore, #tpu.memory_space<semaphore_mem>>)
      %dma_start3A_465 = arith.constant 1 : i32
      %dma_start3A_466 = tpu.memref_slice %arg4[%multiple_of3A_459] : memref<320000xi32, #tpu.memory_space<hbm>> -> memref<80xi32, #tpu.memory_space<hbm>>
      %dma_start3A_467 = tpu.memref_slice %arg18[%dma_start3A_465] : memref<4x!tpu.dma_semaphore, #tpu.memory_space<semaphore_mem>> -> memref<1x!tpu.dma_semaphore, #tpu.memory_space<semaphore_mem>>
      %dma_start3A_468 = tpu.memref_squeeze %dma_start3A_467 : memref<1x!tpu.dma_semaphore, #tpu.memory_space<semaphore_mem>> -> memref<!tpu.dma_semaphore, #tpu.memory_space<semaphore_mem>>
      %dma_start3A_469 = tpu.memref_slice %arg4[%multiple_of3A_459] : memref<320000xi32, #tpu.memory_space<hbm>> -> memref<80xi32, #tpu.memory_space<hbm>>
      tpu.enqueue_dma source(%dma_start3A_469 : memref<80xi32, #tpu.memory_space<hbm>>) target(%arg12 : memref<80xi32, #tpu.memory_space<vmem>>) target_semaphore(%dma_start3A_468 : memref<!tpu.dma_semaphore, #tpu.memory_space<semaphore_mem>>)
      %dma_wait3A_470 = arith.constant 2 : i32
      %dma_wait3A_471 = arith.constant 2 : i32
      %dma_wait3A_472 = arith.constant 0 : i32
      %dma_wait3A_473 = arith.constant 0 : i32
      %dma_wait3A_474 = tpu.memref_slice %arg15[%dma_wait3A_470, %dma_wait3A_472, %dma_wait3A_473] : memref<4x80x128xf32, #tpu.memory_space<vmem>> -> memref<1x80x128xf32, #tpu.memory_space<vmem>>
      %dma_wait3A_475 = tpu.memref_squeeze %dma_wait3A_474 : memref<1x80x128xf32, #tpu.memory_space<vmem>> -> memref<80x128xf32, #tpu.memory_space<vmem>>
      %dma_wait3A_476 = arith.constant 0 : i32
      %dma_wait3A_477 = arith.constant 0 : i32
      %dma_wait3A_478 = tpu.memref_slice %arg2[%dma_wait3A_476, %dma_wait3A_477] : memref<10000x128xf32, #tpu.memory_space<hbm>> -> memref<80x128xf32, #tpu.memory_space<hbm>>
      %dma_wait3A_479 = tpu.memref_slice %arg20[%dma_wait3A_471] : memref<4x!tpu.dma_semaphore, #tpu.memory_space<semaphore_mem>> -> memref<1x!tpu.dma_semaphore, #tpu.memory_space<semaphore_mem>>
      %dma_wait3A_480 = tpu.memref_squeeze %dma_wait3A_479 : memref<1x!tpu.dma_semaphore, #tpu.memory_space<semaphore_mem>> -> memref<!tpu.dma_semaphore, #tpu.memory_space<semaphore_mem>>
      %dma_wait3A_481 = arith.constant 0 : i32
      %dma_wait3A_482 = arith.constant 0 : i32
      %dma_wait3A_483 = tpu.memref_slice %arg15[%dma_wait3A_470, %dma_wait3A_481, %dma_wait3A_482] : memref<4x80x128xf32, #tpu.memory_space<vmem>> -> memref<1x80x128xf32, #tpu.memory_space<vmem>>
      %dma_wait3A_484 = tpu.memref_squeeze %dma_wait3A_483 : memref<1x80x128xf32, #tpu.memory_space<vmem>> -> memref<80x128xf32, #tpu.memory_space<vmem>>
      %dma_wait3A_485 = arith.constant 0 : i32
      %dma_wait3A_486 = arith.constant 0 : i32
      %dma_wait3A_487 = tpu.memref_slice %arg2[%dma_wait3A_485, %dma_wait3A_486] : memref<10000x128xf32, #tpu.memory_space<hbm>> -> memref<80x128xf32, #tpu.memory_space<hbm>>
      tpu.wait_dma2 semaphore(%dma_wait3A_480 : memref<!tpu.dma_semaphore, #tpu.memory_space<semaphore_mem>>) src(%dma_wait3A_487 : memref<80x128xf32, #tpu.memory_space<hbm>>) dst(%dma_wait3A_484 : memref<80x128xf32, #tpu.memory_space<vmem>>)
      %add3A_488 = arith.constant 2 : i32
      %add3A_489 = arith.addi %mul3A_155, %add3A_488 : i32
      %add3A_490 = arith.constant 4 : i32
      %add3A_491 = arith.addi %add3A_489, %add3A_490 : i32
      %jit3A_492 = arith.constant 125 : i32
      %eq3A_493 = arith.constant 0 : i32
      %eq3A_494 = arith.cmpi eq, %jit3A_492, %eq3A_493 : i32
      %jit3A_495 = arith.constant 1 : i32
      %select_n3A_496 = arith.select %eq3A_494, %jit3A_495, %jit3A_492 : i32
      %rem3A_497 = arith.remsi %add3A_491, %select_n3A_496 : i32
      %ne3A_498 = arith.constant 0 : i32
      %ne3A_499 = arith.cmpi ne, %rem3A_497, %ne3A_498 : i32
      %lt3A_500 = arith.constant 0 : i32
      %lt3A_501 = arith.cmpi slt, %rem3A_497, %lt3A_500 : i32
      %lt3A_502 = arith.constant 0 : i32
      %lt3A_503 = arith.cmpi slt, %select_n3A_496, %lt3A_502 : i32
      %ne3A_504 = arith.xori %lt3A_501, %lt3A_503 : i1
      %and3A_505 = arith.andi %ne3A_504, %ne3A_499 : i1
      %add3A_506 = arith.addi %rem3A_497, %select_n3A_496 : i32
      %select_n3A_507 = arith.select %and3A_505, %add3A_506, %rem3A_497 : i32
      %mul3A_508 = arith.constant 80 : i32
      %mul3A_509 = arith.muli %select_n3A_507, %mul3A_508 : i32
      %add3A_510 = arith.addi %mul3A_2, %mul3A_509 : i32
      %multiple_of3A_511 = tpu.assume_multiple %add3A_510, 8 : i32
      %dma_start3A_512 = arith.constant 2 : i32
      %dma_start3A_513 = tpu.memref_slice %arg3[%multiple_of3A_511] : memref<320000xi32, #tpu.memory_space<hbm>> -> memref<80xi32, #tpu.memory_space<hbm>>
      %dma_start3A_514 = tpu.memref_slice %arg17[%dma_start3A_512] : memref<4x!tpu.dma_semaphore, #tpu.memory_space<semaphore_mem>> -> memref<1x!tpu.dma_semaphore, #tpu.memory_space<semaphore_mem>>
      %dma_start3A_515 = tpu.memref_squeeze %dma_start3A_514 : memref<1x!tpu.dma_semaphore, #tpu.memory_space<semaphore_mem>> -> memref<!tpu.dma_semaphore, #tpu.memory_space<semaphore_mem>>
      %dma_start3A_516 = tpu.memref_slice %arg3[%multiple_of3A_511] : memref<320000xi32, #tpu.memory_space<hbm>> -> memref<80xi32, #tpu.memory_space<hbm>>
      tpu.enqueue_dma source(%dma_start3A_516 : memref<80xi32, #tpu.memory_space<hbm>>) target(%arg9 : memref<80xi32, #tpu.memory_space<vmem>>) target_semaphore(%dma_start3A_515 : memref<!tpu.dma_semaphore, #tpu.memory_space<semaphore_mem>>)
      %dma_start3A_517 = arith.constant 2 : i32
      %dma_start3A_518 = tpu.memref_slice %arg4[%multiple_of3A_511] : memref<320000xi32, #tpu.memory_space<hbm>> -> memref<80xi32, #tpu.memory_space<hbm>>
      %dma_start3A_519 = tpu.memref_slice %arg18[%dma_start3A_517] : memref<4x!tpu.dma_semaphore, #tpu.memory_space<semaphore_mem>> -> memref<1x!tpu.dma_semaphore, #tpu.memory_space<semaphore_mem>>
      %dma_start3A_520 = tpu.memref_squeeze %dma_start3A_519 : memref<1x!tpu.dma_semaphore, #tpu.memory_space<semaphore_mem>> -> memref<!tpu.dma_semaphore, #tpu.memory_space<semaphore_mem>>
      %dma_start3A_521 = tpu.memref_slice %arg4[%multiple_of3A_511] : memref<320000xi32, #tpu.memory_space<hbm>> -> memref<80xi32, #tpu.memory_space<hbm>>
      tpu.enqueue_dma source(%dma_start3A_521 : memref<80xi32, #tpu.memory_space<hbm>>) target(%arg13 : memref<80xi32, #tpu.memory_space<vmem>>) target_semaphore(%dma_start3A_520 : memref<!tpu.dma_semaphore, #tpu.memory_space<semaphore_mem>>)
      %dma_wait3A_522 = arith.constant 3 : i32
      %dma_wait3A_523 = arith.constant 3 : i32
      %dma_wait3A_524 = arith.constant 0 : i32
      %dma_wait3A_525 = arith.constant 0 : i32
      %dma_wait3A_526 = tpu.memref_slice %arg15[%dma_wait3A_522, %dma_wait3A_524, %dma_wait3A_525] : memref<4x80x128xf32, #tpu.memory_space<vmem>> -> memref<1x80x128xf32, #tpu.memory_space<vmem>>
      %dma_wait3A_527 = tpu.memref_squeeze %dma_wait3A_526 : memref<1x80x128xf32, #tpu.memory_space<vmem>> -> memref<80x128xf32, #tpu.memory_space<vmem>>
      %dma_wait3A_528 = arith.constant 0 : i32
      %dma_wait3A_529 = arith.constant 0 : i32
      %dma_wait3A_530 = tpu.memref_slice %arg2[%dma_wait3A_528, %dma_wait3A_529] : memref<10000x128xf32, #tpu.memory_space<hbm>> -> memref<80x128xf32, #tpu.memory_space<hbm>>
      %dma_wait3A_531 = tpu.memref_slice %arg20[%dma_wait3A_523] : memref<4x!tpu.dma_semaphore, #tpu.memory_space<semaphore_mem>> -> memref<1x!tpu.dma_semaphore, #tpu.memory_space<semaphore_mem>>
      %dma_wait3A_532 = tpu.memref_squeeze %dma_wait3A_531 : memref<1x!tpu.dma_semaphore, #tpu.memory_space<semaphore_mem>> -> memref<!tpu.dma_semaphore, #tpu.memory_space<semaphore_mem>>
      %dma_wait3A_533 = arith.constant 0 : i32
      %dma_wait3A_534 = arith.constant 0 : i32
      %dma_wait3A_535 = tpu.memref_slice %arg15[%dma_wait3A_522, %dma_wait3A_533, %dma_wait3A_534] : memref<4x80x128xf32, #tpu.memory_space<vmem>> -> memref<1x80x128xf32, #tpu.memory_space<vmem>>
      %dma_wait3A_536 = tpu.memref_squeeze %dma_wait3A_535 : memref<1x80x128xf32, #tpu.memory_space<vmem>> -> memref<80x128xf32, #tpu.memory_space<vmem>>
      %dma_wait3A_537 = arith.constant 0 : i32
      %dma_wait3A_538 = arith.constant 0 : i32
      %dma_wait3A_539 = tpu.memref_slice %arg2[%dma_wait3A_537, %dma_wait3A_538] : memref<10000x128xf32, #tpu.memory_space<hbm>> -> memref<80x128xf32, #tpu.memory_space<hbm>>
      tpu.wait_dma2 semaphore(%dma_wait3A_532 : memref<!tpu.dma_semaphore, #tpu.memory_space<semaphore_mem>>) src(%dma_wait3A_539 : memref<80x128xf32, #tpu.memory_space<hbm>>) dst(%dma_wait3A_536 : memref<80x128xf32, #tpu.memory_space<vmem>>)
      %add3A_540 = arith.constant 3 : i32
      %add3A_541 = arith.addi %mul3A_155, %add3A_540 : i32
      %add3A_542 = arith.constant 4 : i32
      %add3A_543 = arith.addi %add3A_541, %add3A_542 : i32
      %jit3A_544 = arith.constant 125 : i32
      %eq3A_545 = arith.constant 0 : i32
      %eq3A_546 = arith.cmpi eq, %jit3A_544, %eq3A_545 : i32
      %jit3A_547 = arith.constant 1 : i32
      %select_n3A_548 = arith.select %eq3A_546, %jit3A_547, %jit3A_544 : i32
      %rem3A_549 = arith.remsi %add3A_543, %select_n3A_548 : i32
      %ne3A_550 = arith.constant 0 : i32
      %ne3A_551 = arith.cmpi ne, %rem3A_549, %ne3A_550 : i32
      %lt3A_552 = arith.constant 0 : i32
      %lt3A_553 = arith.cmpi slt, %rem3A_549, %lt3A_552 : i32
      %lt3A_554 = arith.constant 0 : i32
      %lt3A_555 = arith.cmpi slt, %select_n3A_548, %lt3A_554 : i32
      %ne3A_556 = arith.xori %lt3A_553, %lt3A_555 : i1
      %and3A_557 = arith.andi %ne3A_556, %ne3A_551 : i1
      %add3A_558 = arith.addi %rem3A_549, %select_n3A_548 : i32
      %select_n3A_559 = arith.select %and3A_557, %add3A_558, %rem3A_549 : i32
      %mul3A_560 = arith.constant 80 : i32
      %mul3A_561 = arith.muli %select_n3A_559, %mul3A_560 : i32
      %add3A_562 = arith.addi %mul3A_2, %mul3A_561 : i32
      %multiple_of3A_563 = tpu.assume_multiple %add3A_562, 8 : i32
      %dma_start3A_564 = arith.constant 3 : i32
      %dma_start3A_565 = tpu.memref_slice %arg3[%multiple_of3A_563] : memref<320000xi32, #tpu.memory_space<hbm>> -> memref<80xi32, #tpu.memory_space<hbm>>
      %dma_start3A_566 = tpu.memref_slice %arg17[%dma_start3A_564] : memref<4x!tpu.dma_semaphore, #tpu.memory_space<semaphore_mem>> -> memref<1x!tpu.dma_semaphore, #tpu.memory_space<semaphore_mem>>
      %dma_start3A_567 = tpu.memref_squeeze %dma_start3A_566 : memref<1x!tpu.dma_semaphore, #tpu.memory_space<semaphore_mem>> -> memref<!tpu.dma_semaphore, #tpu.memory_space<semaphore_mem>>
      %dma_start3A_568 = tpu.memref_slice %arg3[%multiple_of3A_563] : memref<320000xi32, #tpu.memory_space<hbm>> -> memref<80xi32, #tpu.memory_space<hbm>>
      tpu.enqueue_dma source(%dma_start3A_568 : memref<80xi32, #tpu.memory_space<hbm>>) target(%arg10 : memref<80xi32, #tpu.memory_space<vmem>>) target_semaphore(%dma_start3A_567 : memref<!tpu.dma_semaphore, #tpu.memory_space<semaphore_mem>>)
      %dma_start3A_569 = arith.constant 3 : i32
      %dma_start3A_570 = tpu.memref_slice %arg4[%multiple_of3A_563] : memref<320000xi32, #tpu.memory_space<hbm>> -> memref<80xi32, #tpu.memory_space<hbm>>
      %dma_start3A_571 = tpu.memref_slice %arg18[%dma_start3A_569] : memref<4x!tpu.dma_semaphore, #tpu.memory_space<semaphore_mem>> -> memref<1x!tpu.dma_semaphore, #tpu.memory_space<semaphore_mem>>
      %dma_start3A_572 = tpu.memref_squeeze %dma_start3A_571 : memref<1x!tpu.dma_semaphore, #tpu.memory_space<semaphore_mem>> -> memref<!tpu.dma_semaphore, #tpu.memory_space<semaphore_mem>>
      %dma_start3A_573 = tpu.memref_slice %arg4[%multiple_of3A_563] : memref<320000xi32, #tpu.memory_space<hbm>> -> memref<80xi32, #tpu.memory_space<hbm>>
      tpu.enqueue_dma source(%dma_start3A_573 : memref<80xi32, #tpu.memory_space<hbm>>) target(%arg14 : memref<80xi32, #tpu.memory_space<vmem>>) target_semaphore(%dma_start3A_572 : memref<!tpu.dma_semaphore, #tpu.memory_space<semaphore_mem>>)
    }
    %scan3A_62 = arith.constant 31 : i32
    %dma_wait3A = arith.constant 0 : i32
    %dma_wait3A_63 = arith.constant 0 : i32
    %dma_wait3A_64 = tpu.memref_slice %arg3[%dma_wait3A_63] : memref<320000xi32, #tpu.memory_space<hbm>> -> memref<80xi32, #tpu.memory_space<hbm>>
    %dma_wait3A_65 = tpu.memref_slice %arg17[%dma_wait3A] : memref<4x!tpu.dma_semaphore, #tpu.memory_space<semaphore_mem>> -> memref<1x!tpu.dma_semaphore, #tpu.memory_space<semaphore_mem>>
    %dma_wait3A_66 = tpu.memref_squeeze %dma_wait3A_65 : memref<1x!tpu.dma_semaphore, #tpu.memory_space<semaphore_mem>> -> memref<!tpu.dma_semaphore, #tpu.memory_space<semaphore_mem>>
    %dma_wait3A_67 = arith.constant 0 : i32
    %dma_wait3A_68 = tpu.memref_slice %arg3[%dma_wait3A_67] : memref<320000xi32, #tpu.memory_space<hbm>> -> memref<80xi32, #tpu.memory_space<hbm>>
    tpu.wait_dma2 semaphore(%dma_wait3A_66 : memref<!tpu.dma_semaphore, #tpu.memory_space<semaphore_mem>>) src(%dma_wait3A_68 : memref<80xi32, #tpu.memory_space<hbm>>) dst(%arg7 : memref<80xi32, #tpu.memory_space<vmem>>)
    %dma_wait3A_69 = arith.constant 0 : i32
    %dma_wait3A_70 = arith.constant 0 : i32
    %dma_wait3A_71 = tpu.memref_slice %arg3[%dma_wait3A_70] : memref<320000xi32, #tpu.memory_space<hbm>> -> memref<80xi32, #tpu.memory_space<hbm>>
    %dma_wait3A_72 = tpu.memref_slice %arg18[%dma_wait3A_69] : memref<4x!tpu.dma_semaphore, #tpu.memory_space<semaphore_mem>> -> memref<1x!tpu.dma_semaphore, #tpu.memory_space<semaphore_mem>>
    %dma_wait3A_73 = tpu.memref_squeeze %dma_wait3A_72 : memref<1x!tpu.dma_semaphore, #tpu.memory_space<semaphore_mem>> -> memref<!tpu.dma_semaphore, #tpu.memory_space<semaphore_mem>>
    %dma_wait3A_74 = arith.constant 0 : i32
    %dma_wait3A_75 = tpu.memref_slice %arg3[%dma_wait3A_74] : memref<320000xi32, #tpu.memory_space<hbm>> -> memref<80xi32, #tpu.memory_space<hbm>>
    tpu.wait_dma2 semaphore(%dma_wait3A_73 : memref<!tpu.dma_semaphore, #tpu.memory_space<semaphore_mem>>) src(%dma_wait3A_75 : memref<80xi32, #tpu.memory_space<hbm>>) dst(%arg11 : memref<80xi32, #tpu.memory_space<vmem>>)
    %dma_start3A_76 = arith.constant 0 : i32
    %dma_start3A_77 = arith.constant 0 : i32
    %dma_start3A_78 = arith.constant 0 : i32
    %dma_start3A_79 = arith.constant 0 : i32
    %dma_start3A_80 = tpu.memref_slice %arg15[%dma_start3A_76, %dma_start3A_78, %dma_start3A_79] : memref<4x80x128xf32, #tpu.memory_space<vmem>> -> memref<1x80x128xf32, #tpu.memory_space<vmem>>
    %dma_start3A_81 = tpu.memref_squeeze %dma_start3A_80 : memref<1x80x128xf32, #tpu.memory_space<vmem>> -> memref<80x128xf32, #tpu.memory_space<vmem>>
    %dma_start3A_82 = arith.constant 0 : i32
    %dma_start3A_83 = arith.constant 0 : i32
    %dma_start3A_84 = tpu.memref_slice %arg2[%dma_start3A_82, %dma_start3A_83] : memref<10000x128xf32, #tpu.memory_space<hbm>> -> memref<10000x128xf32, #tpu.memory_space<hbm>>
    %dma_start3A_85 = tpu.memref_slice %arg19[%dma_start3A_77] : memref<4x!tpu.dma_semaphore, #tpu.memory_space<semaphore_mem>> -> memref<1x!tpu.dma_semaphore, #tpu.memory_space<semaphore_mem>>
    %dma_start3A_86 = tpu.memref_squeeze %dma_start3A_85 : memref<1x!tpu.dma_semaphore, #tpu.memory_space<semaphore_mem>> -> memref<!tpu.dma_semaphore, #tpu.memory_space<semaphore_mem>>
    tpu.enqueue_indirect_dma source(%dma_start3A_84 : memref<10000x128xf32, #tpu.memory_space<hbm>>) target(%dma_start3A_81 : memref<80x128xf32, #tpu.memory_space<vmem>>) offsets(%arg7 : memref<80xi32, #tpu.memory_space<vmem>>) semaphore(%dma_start3A_86 : memref<!tpu.dma_semaphore, #tpu.memory_space<semaphore_mem>>)
    %dma_wait3A_87 = arith.constant 1 : i32
    %dma_wait3A_88 = arith.constant 0 : i32
    %dma_wait3A_89 = tpu.memref_slice %arg3[%dma_wait3A_88] : memref<320000xi32, #tpu.memory_space<hbm>> -> memref<80xi32, #tpu.memory_space<hbm>>
    %dma_wait3A_90 = tpu.memref_slice %arg17[%dma_wait3A_87] : memref<4x!tpu.dma_semaphore, #tpu.memory_space<semaphore_mem>> -> memref<1x!tpu.dma_semaphore, #tpu.memory_space<semaphore_mem>>
    %dma_wait3A_91 = tpu.memref_squeeze %dma_wait3A_90 : memref<1x!tpu.dma_semaphore, #tpu.memory_space<semaphore_mem>> -> memref<!tpu.dma_semaphore, #tpu.memory_space<semaphore_mem>>
    %dma_wait3A_92 = arith.constant 0 : i32
    %dma_wait3A_93 = tpu.memref_slice %arg3[%dma_wait3A_92] : memref<320000xi32, #tpu.memory_space<hbm>> -> memref<80xi32, #tpu.memory_space<hbm>>
    tpu.wait_dma2 semaphore(%dma_wait3A_91 : memref<!tpu.dma_semaphore, #tpu.memory_space<semaphore_mem>>) src(%dma_wait3A_93 : memref<80xi32, #tpu.memory_space<hbm>>) dst(%arg8 : memref<80xi32, #tpu.memory_space<vmem>>)
    %dma_wait3A_94 = arith.constant 1 : i32
    %dma_wait3A_95 = arith.constant 0 : i32
    %dma_wait3A_96 = tpu.memref_slice %arg3[%dma_wait3A_95] : memref<320000xi32, #tpu.memory_space<hbm>> -> memref<80xi32, #tpu.memory_space<hbm>>
    %dma_wait3A_97 = tpu.memref_slice %arg18[%dma_wait3A_94] : memref<4x!tpu.dma_semaphore, #tpu.memory_space<semaphore_mem>> -> memref<1x!tpu.dma_semaphore, #tpu.memory_space<semaphore_mem>>
    %dma_wait3A_98 = tpu.memref_squeeze %dma_wait3A_97 : memref<1x!tpu.dma_semaphore, #tpu.memory_space<semaphore_mem>> -> memref<!tpu.dma_semaphore, #tpu.memory_space<semaphore_mem>>
    %dma_wait3A_99 = arith.constant 0 : i32
    %dma_wait3A_100 = tpu.memref_slice %arg3[%dma_wait3A_99] : memref<320000xi32, #tpu.memory_space<hbm>> -> memref<80xi32, #tpu.memory_space<hbm>>
    tpu.wait_dma2 semaphore(%dma_wait3A_98 : memref<!tpu.dma_semaphore, #tpu.memory_space<semaphore_mem>>) src(%dma_wait3A_100 : memref<80xi32, #tpu.memory_space<hbm>>) dst(%arg12 : memref<80xi32, #tpu.memory_space<vmem>>)
    %dma_wait3A_101 = arith.constant 2 : i32
    %dma_wait3A_102 = arith.constant 0 : i32
    %dma_wait3A_103 = tpu.memref_slice %arg3[%dma_wait3A_102] : memref<320000xi32, #tpu.memory_space<hbm>> -> memref<80xi32, #tpu.memory_space<hbm>>
    %dma_wait3A_104 = tpu.memref_slice %arg17[%dma_wait3A_101] : memref<4x!tpu.dma_semaphore, #tpu.memory_space<semaphore_mem>> -> memref<1x!tpu.dma_semaphore, #tpu.memory_space<semaphore_mem>>
    %dma_wait3A_105 = tpu.memref_squeeze %dma_wait3A_104 : memref<1x!tpu.dma_semaphore, #tpu.memory_space<semaphore_mem>> -> memref<!tpu.dma_semaphore, #tpu.memory_space<semaphore_mem>>
    %dma_wait3A_106 = arith.constant 0 : i32
    %dma_wait3A_107 = tpu.memref_slice %arg3[%dma_wait3A_106] : memref<320000xi32, #tpu.memory_space<hbm>> -> memref<80xi32, #tpu.memory_space<hbm>>
    tpu.wait_dma2 semaphore(%dma_wait3A_105 : memref<!tpu.dma_semaphore, #tpu.memory_space<semaphore_mem>>) src(%dma_wait3A_107 : memref<80xi32, #tpu.memory_space<hbm>>) dst(%arg9 : memref<80xi32, #tpu.memory_space<vmem>>)
    %dma_wait3A_108 = arith.constant 2 : i32
    %dma_wait3A_109 = arith.constant 0 : i32
    %dma_wait3A_110 = tpu.memref_slice %arg3[%dma_wait3A_109] : memref<320000xi32, #tpu.memory_space<hbm>> -> memref<80xi32, #tpu.memory_space<hbm>>
    %dma_wait3A_111 = tpu.memref_slice %arg18[%dma_wait3A_108] : memref<4x!tpu.dma_semaphore, #tpu.memory_space<semaphore_mem>> -> memref<1x!tpu.dma_semaphore, #tpu.memory_space<semaphore_mem>>
    %dma_wait3A_112 = tpu.memref_squeeze %dma_wait3A_111 : memref<1x!tpu.dma_semaphore, #tpu.memory_space<semaphore_mem>> -> memref<!tpu.dma_semaphore, #tpu.memory_space<semaphore_mem>>
    %dma_wait3A_113 = arith.constant 0 : i32
    %dma_wait3A_114 = tpu.memref_slice %arg3[%dma_wait3A_113] : memref<320000xi32, #tpu.memory_space<hbm>> -> memref<80xi32, #tpu.memory_space<hbm>>
    tpu.wait_dma2 semaphore(%dma_wait3A_112 : memref<!tpu.dma_semaphore, #tpu.memory_space<semaphore_mem>>) src(%dma_wait3A_114 : memref<80xi32, #tpu.memory_space<hbm>>) dst(%arg13 : memref<80xi32, #tpu.memory_space<vmem>>)
    %dma_wait3A_115 = arith.constant 3 : i32
    %dma_wait3A_116 = arith.constant 0 : i32
    %dma_wait3A_117 = tpu.memref_slice %arg3[%dma_wait3A_116] : memref<320000xi32, #tpu.memory_space<hbm>> -> memref<80xi32, #tpu.memory_space<hbm>>
    %dma_wait3A_118 = tpu.memref_slice %arg17[%dma_wait3A_115] : memref<4x!tpu.dma_semaphore, #tpu.memory_space<semaphore_mem>> -> memref<1x!tpu.dma_semaphore, #tpu.memory_space<semaphore_mem>>
    %dma_wait3A_119 = tpu.memref_squeeze %dma_wait3A_118 : memref<1x!tpu.dma_semaphore, #tpu.memory_space<semaphore_mem>> -> memref<!tpu.dma_semaphore, #tpu.memory_space<semaphore_mem>>
    %dma_wait3A_120 = arith.constant 0 : i32
    %dma_wait3A_121 = tpu.memref_slice %arg3[%dma_wait3A_120] : memref<320000xi32, #tpu.memory_space<hbm>> -> memref<80xi32, #tpu.memory_space<hbm>>
    tpu.wait_dma2 semaphore(%dma_wait3A_119 : memref<!tpu.dma_semaphore, #tpu.memory_space<semaphore_mem>>) src(%dma_wait3A_121 : memref<80xi32, #tpu.memory_space<hbm>>) dst(%arg10 : memref<80xi32, #tpu.memory_space<vmem>>)
    %dma_wait3A_122 = arith.constant 3 : i32
    %dma_wait3A_123 = arith.constant 0 : i32
    %dma_wait3A_124 = tpu.memref_slice %arg3[%dma_wait3A_123] : memref<320000xi32, #tpu.memory_space<hbm>> -> memref<80xi32, #tpu.memory_space<hbm>>
    %dma_wait3A_125 = tpu.memref_slice %arg18[%dma_wait3A_122] : memref<4x!tpu.dma_semaphore, #tpu.memory_space<semaphore_mem>> -> memref<1x!tpu.dma_semaphore, #tpu.memory_space<semaphore_mem>>
    %dma_wait3A_126 = tpu.memref_squeeze %dma_wait3A_125 : memref<1x!tpu.dma_semaphore, #tpu.memory_space<semaphore_mem>> -> memref<!tpu.dma_semaphore, #tpu.memory_space<semaphore_mem>>
    %dma_wait3A_127 = arith.constant 0 : i32
    %dma_wait3A_128 = tpu.memref_slice %arg3[%dma_wait3A_127] : memref<320000xi32, #tpu.memory_space<hbm>> -> memref<80xi32, #tpu.memory_space<hbm>>
    tpu.wait_dma2 semaphore(%dma_wait3A_126 : memref<!tpu.dma_semaphore, #tpu.memory_space<semaphore_mem>>) src(%dma_wait3A_128 : memref<80xi32, #tpu.memory_space<hbm>>) dst(%arg14 : memref<80xi32, #tpu.memory_space<vmem>>)
    %dma_wait3A_129 = arith.constant 0 : i32
    %dma_wait3A_130 = arith.constant 0 : i32
    %dma_wait3A_131 = arith.constant 0 : i32
    %dma_wait3A_132 = arith.constant 0 : i32
    %dma_wait3A_133 = tpu.memref_slice %arg15[%dma_wait3A_129, %dma_wait3A_131, %dma_wait3A_132] : memref<4x80x128xf32, #tpu.memory_space<vmem>> -> memref<1x80x128xf32, #tpu.memory_space<vmem>>
    %dma_wait3A_134 = tpu.memref_squeeze %dma_wait3A_133 : memref<1x80x128xf32, #tpu.memory_space<vmem>> -> memref<80x128xf32, #tpu.memory_space<vmem>>
    %dma_wait3A_135 = arith.constant 0 : i32
    %dma_wait3A_136 = arith.constant 0 : i32
    %dma_wait3A_137 = tpu.memref_slice %arg2[%dma_wait3A_135, %dma_wait3A_136] : memref<10000x128xf32, #tpu.memory_space<hbm>> -> memref<80x128xf32, #tpu.memory_space<hbm>>
    %dma_wait3A_138 = tpu.memref_slice %arg19[%dma_wait3A_130] : memref<4x!tpu.dma_semaphore, #tpu.memory_space<semaphore_mem>> -> memref<1x!tpu.dma_semaphore, #tpu.memory_space<semaphore_mem>>
    %dma_wait3A_139 = tpu.memref_squeeze %dma_wait3A_138 : memref<1x!tpu.dma_semaphore, #tpu.memory_space<semaphore_mem>> -> memref<!tpu.dma_semaphore, #tpu.memory_space<semaphore_mem>>
    %dma_wait3A_140 = arith.constant 0 : i32
    %dma_wait3A_141 = arith.constant 0 : i32
    %dma_wait3A_142 = tpu.memref_slice %arg15[%dma_wait3A_129, %dma_wait3A_140, %dma_wait3A_141] : memref<4x80x128xf32, #tpu.memory_space<vmem>> -> memref<1x80x128xf32, #tpu.memory_space<vmem>>
    %dma_wait3A_143 = tpu.memref_squeeze %dma_wait3A_142 : memref<1x80x128xf32, #tpu.memory_space<vmem>> -> memref<80x128xf32, #tpu.memory_space<vmem>>
    %dma_wait3A_144 = arith.constant 0 : i32
    %dma_wait3A_145 = arith.constant 0 : i32
    %dma_wait3A_146 = tpu.memref_slice %arg2[%dma_wait3A_144, %dma_wait3A_145] : memref<10000x128xf32, #tpu.memory_space<hbm>> -> memref<80x128xf32, #tpu.memory_space<hbm>>
    tpu.wait_dma2 semaphore(%dma_wait3A_139 : memref<!tpu.dma_semaphore, #tpu.memory_space<semaphore_mem>>) src(%dma_wait3A_146 : memref<80x128xf32, #tpu.memory_space<hbm>>) dst(%dma_wait3A_143 : memref<80x128xf32, #tpu.memory_space<vmem>>)
    %run_scoped3A = arith.constant 0 : i32
    "tpu.region"() ({
      %run_scoped3A_153 = tpu.sem_alloc : memref<!tpu.dma_semaphore, #tpu.memory_space<semaphore_mem>>
      %dma_start3A_154 = arith.constant 0 : i32
      %dma_start3A_155 = arith.constant 0 : i32
      %dma_start3A_156 = tpu.memref_slice %arg15[%run_scoped3A, %dma_start3A_154, %dma_start3A_155] : memref<4x80x128xf32, #tpu.memory_space<vmem>> -> memref<1x80x128xf32, #tpu.memory_space<vmem>>
      %dma_start3A_157 = tpu.memref_squeeze %dma_start3A_156 : memref<1x80x128xf32, #tpu.memory_space<vmem>> -> memref<80x128xf32, #tpu.memory_space<vmem>>
      %dma_start3A_158 = arith.constant 0 : i32
      %dma_start3A_159 = arith.constant 0 : i32
      %dma_start3A_160 = tpu.memref_slice %arg16[%dma_start3A_158, %dma_start3A_159] : memref<10000x128xf32, #tpu.memory_space<vmem_shared>> -> memref<10000x128xf32, #tpu.memory_space<vmem_shared>>
      tpu.enqueue_indirect_dma source(%dma_start3A_157 : memref<80x128xf32, #tpu.memory_space<vmem>>) target(%dma_start3A_160 : memref<10000x128xf32, #tpu.memory_space<vmem_shared>>) offsets(%arg11 : memref<80xi32, #tpu.memory_space<vmem>>) semaphore(%run_scoped3A_153 : memref<!tpu.dma_semaphore, #tpu.memory_space<semaphore_mem>>) {add = true}
      %dma_wait3A_161 = arith.constant 0 : i32
      %dma_wait3A_162 = arith.constant 0 : i32
      %dma_wait3A_163 = tpu.memref_slice %arg15[%run_scoped3A, %dma_wait3A_161, %dma_wait3A_162] : memref<4x80x128xf32, #tpu.memory_space<vmem>> -> memref<1x80x128xf32, #tpu.memory_space<vmem>>
      %dma_wait3A_164 = tpu.memref_squeeze %dma_wait3A_163 : memref<1x80x128xf32, #tpu.memory_space<vmem>> -> memref<80x128xf32, #tpu.memory_space<vmem>>
      %dma_wait3A_165 = arith.constant 0 : i32
      %dma_wait3A_166 = arith.constant 0 : i32
      %dma_wait3A_167 = tpu.memref_slice %arg16[%dma_wait3A_165, %dma_wait3A_166] : memref<10000x128xf32, #tpu.memory_space<vmem_shared>> -> memref<10000x128xf32, #tpu.memory_space<vmem_shared>>
      tpu.wait_indirect_dma semaphore(%run_scoped3A_153 : memref<!tpu.dma_semaphore, #tpu.memory_space<semaphore_mem>>) src(%dma_wait3A_164 : memref<80x128xf32, #tpu.memory_space<vmem>>) dst(%dma_wait3A_167 : memref<10000x128xf32, #tpu.memory_space<vmem_shared>>)
      tpu.yield
    }) : () -> ()
    %barrier3A_147 = arith.constant 0 : index
    tpu.barrier barrier_id(%barrier3A_147)
    "tpu.region"() ({
      %run_scoped3A_153 = tpu.sem_alloc : memref<!tpu.dma_semaphore, #tpu.memory_space<semaphore_mem>>
      %dma_start3A_154 = arith.constant 0 : i32
      %dma_start3A_155 = tpu.memref_slice %arg6[%arg0, %multiple_of3A, %dma_start3A_154] : memref<2x10000x128xf32, #tpu.memory_space<hbm>> -> memref<1x624x128xf32, #tpu.memory_space<hbm>>
      %dma_start3A_156 = tpu.memref_squeeze %dma_start3A_155 : memref<1x624x128xf32, #tpu.memory_space<hbm>> -> memref<624x128xf32, #tpu.memory_space<hbm>>
      %dma_start3A_157 = arith.constant 0 : i32
      %dma_start3A_158 = tpu.memref_slice %arg16[%multiple_of3A, %dma_start3A_157] : memref<10000x128xf32, #tpu.memory_space<vmem_shared>> -> memref<624x128xf32, #tpu.memory_space<vmem_shared>>
      tpu.enqueue_dma source(%dma_start3A_158 : memref<624x128xf32, #tpu.memory_space<vmem_shared>>) target(%dma_start3A_156 : memref<624x128xf32, #tpu.memory_space<hbm>>) target_semaphore(%run_scoped3A_153 : memref<!tpu.dma_semaphore, #tpu.memory_space<semaphore_mem>>)
      %dma_wait3A_159 = arith.constant 0 : i32
      %dma_wait3A_160 = tpu.memref_slice %arg6[%arg0, %multiple_of3A, %dma_wait3A_159] : memref<2x10000x128xf32, #tpu.memory_space<hbm>> -> memref<1x624x128xf32, #tpu.memory_space<hbm>>
      %dma_wait3A_161 = tpu.memref_squeeze %dma_wait3A_160 : memref<1x624x128xf32, #tpu.memory_space<hbm>> -> memref<624x128xf32, #tpu.memory_space<hbm>>
      %dma_wait3A_162 = arith.constant 0 : i32
      %dma_wait3A_163 = tpu.memref_slice %arg16[%multiple_of3A, %dma_wait3A_162] : memref<10000x128xf32, #tpu.memory_space<vmem_shared>> -> memref<624x128xf32, #tpu.memory_space<vmem_shared>>
      tpu.wait_dma2 semaphore(%run_scoped3A_153 : memref<!tpu.dma_semaphore, #tpu.memory_space<semaphore_mem>>) src(%dma_wait3A_163 : memref<624x128xf32, #tpu.memory_space<vmem_shared>>) dst(%dma_wait3A_161 : memref<624x128xf32, #tpu.memory_space<hbm>>)
      tpu.yield
    }) : () -> ()
    %eq3A_148 = arith.constant 0 : i32
    %eq3A_149 = arith.cmpi eq, %arg1, %eq3A_148 : i32
    %convert_element_type3A_150 = arith.extui %eq3A_149 : i1 to i32
    %cond3A_151 = arith.constant 0 : i32
    %cond3A_152 = arith.cmpi ne, %convert_element_type3A_150, %cond3A_151 : i32
    scf.if %cond3A_152 {
      "tpu.region"() ({
        %run_scoped3A_153 = tpu.sem_alloc : memref<!tpu.dma_semaphore, #tpu.memory_space<semaphore_mem>>
        %dma_start3A_154 = arith.constant 9984 : i32
        %dma_start3A_155 = arith.constant 0 : i32
        %dma_start3A_156 = tpu.memref_slice %arg6[%arg0, %dma_start3A_154, %dma_start3A_155] : memref<2x10000x128xf32, #tpu.memory_space<hbm>> -> memref<1x16x128xf32, #tpu.memory_space<hbm>>
        %dma_start3A_157 = tpu.memref_squeeze %dma_start3A_156 : memref<1x16x128xf32, #tpu.memory_space<hbm>> -> memref<16x128xf32, #tpu.memory_space<hbm>>
        %dma_start3A_158 = arith.constant 9984 : i32
        %dma_start3A_159 = arith.constant 0 : i32
        %dma_start3A_160 = tpu.memref_slice %arg16[%dma_start3A_158, %dma_start3A_159] : memref<10000x128xf32, #tpu.memory_space<vmem_shared>> -> memref<16x128xf32, #tpu.memory_space<vmem_shared>>
        tpu.enqueue_dma source(%dma_start3A_160 : memref<16x128xf32, #tpu.memory_space<vmem_shared>>) target(%dma_start3A_157 : memref<16x128xf32, #tpu.memory_space<hbm>>) target_semaphore(%run_scoped3A_153 : memref<!tpu.dma_semaphore, #tpu.memory_space<semaphore_mem>>)
        %dma_wait3A_161 = arith.constant 9984 : i32
        %dma_wait3A_162 = arith.constant 0 : i32
        %dma_wait3A_163 = tpu.memref_slice %arg6[%arg0, %dma_wait3A_161, %dma_wait3A_162] : memref<2x10000x128xf32, #tpu.memory_space<hbm>> -> memref<1x16x128xf32, #tpu.memory_space<hbm>>
        %dma_wait3A_164 = tpu.memref_squeeze %dma_wait3A_163 : memref<1x16x128xf32, #tpu.memory_space<hbm>> -> memref<16x128xf32, #tpu.memory_space<hbm>>
        %dma_wait3A_165 = arith.constant 9984 : i32
        %dma_wait3A_166 = arith.constant 0 : i32
        %dma_wait3A_167 = tpu.memref_slice %arg16[%dma_wait3A_165, %dma_wait3A_166] : memref<10000x128xf32, #tpu.memory_space<vmem_shared>> -> memref<16x128xf32, #tpu.memory_space<vmem_shared>>
        tpu.wait_dma2 semaphore(%run_scoped3A_153 : memref<!tpu.dma_semaphore, #tpu.memory_space<semaphore_mem>>) src(%dma_wait3A_167 : memref<16x128xf32, #tpu.memory_space<vmem_shared>>) dst(%dma_wait3A_164 : memref<16x128xf32, #tpu.memory_space<hbm>>)
        tpu.yield
      }) : () -> ()
    } else {
    }
    return
  }
}

#map = affine_map<(d0, d1) -> (0, 0)>
#map1 = affine_map<(d0, d1) -> (0)>
#map2 = affine_map<(d0, d1) -> (0, 0, 0)>
module attributes {stable_mosaic.version = 14 : i64} {
  func.func @scatter(%arg0: i32, %arg1: i32, %arg2: memref<10000x128xf32, #tpu.memory_space<hbm>>, %arg3: memref<320000xi32, #tpu.memory_space<hbm>>, %arg4: memref<320000xi32, #tpu.memory_space<hbm>>, %arg5: memref<10000x128xf32, #tpu.memory_space<hbm>>, %arg6: memref<2x10000x128xf32, #tpu.memory_space<hbm>>, %arg7: memref<80xi32, #tpu.memory_space<vmem>>, %arg8: memref<80xi32, #tpu.memory_space<vmem>>, %arg9: memref<80xi32, #tpu.memory_space<vmem>>, %arg10: memref<80xi32, #tpu.memory_space<vmem>>, %arg11: memref<80xi32, #tpu.memory_space<vmem>>, %arg12: memref<80xi32, #tpu.memory_space<vmem>>, %arg13: memref<80xi32, #tpu.memory_space<vmem>>, %arg14: memref<80xi32, #tpu.memory_space<vmem>>, %arg15: memref<4x80x128xf32, #tpu.memory_space<vmem>>, %arg16: memref<10000x128xf32, #tpu.memory_space<vmem_shared>>, %arg17: memref<4x!tpu.dma_semaphore, #tpu.memory_space<semaphore_mem>>, %arg18: memref<4x!tpu.dma_semaphore, #tpu.memory_space<semaphore_mem>>, %arg19: memref<4x!tpu.dma_semaphore, #tpu.memory_space<semaphore_mem>>, %arg20: memref<4x!tpu.dma_semaphore, #tpu.memory_space<semaphore_mem>>) attributes {dimension_semantics = [#tpu.dimension_semantics<core_parallel>, #tpu.dimension_semantics<subcore_parallel>], iteration_bounds = array<i64: 2, 16>, scalar_prefetch = 0 : i64, scratch_operands = 14 : i64, tpu.core_type = #tpu.core_type<sc_vector_subcore>, window_params = [{transform_indices = #map}, {transform_indices = #map1}, {transform_indices = #map1}, {transform_indices = #map}, {transform_indices = #map2}]} {
    %mul3A = arith.constant 16 : i32
    %mul3A_0 = arith.muli %arg0, %mul3A : i32
    %add3A = arith.addi %mul3A_0, %arg1 : i32
    %mul3A_1 = arith.constant 10000 : i32
    %mul3A_2 = arith.muli %add3A, %mul3A_1 : i32
    %mul3A_3 = arith.constant 624 : i32
    %mul3A_4 = arith.muli %arg1, %mul3A_3 : i32
    %multiple_of3A = tpu.assume_multiple %mul3A_4, 8 : i32
    "tpu.region"() ({
      %run_scoped3A_153 = tpu.sem_alloc : memref<!tpu.dma_semaphore, #tpu.memory_space<semaphore_mem>>
      %dma_start3A_154 = arith.constant 0 : i32
      %dma_start3A_155 = tpu.memref_slice %arg16[%multiple_of3A, %dma_start3A_154] : memref<10000x128xf32, #tpu.memory_space<vmem_shared>> -> memref<624x128xf32, #tpu.memory_space<vmem_shared>>
      %dma_start3A_156 = arith.constant 0 : i32
      %dma_start3A_157 = tpu.memref_slice %arg5[%multiple_of3A, %dma_start3A_156] : memref<10000x128xf32, #tpu.memory_space<hbm>> -> memref<624x128xf32, #tpu.memory_space<hbm>>
      tpu.enqueue_dma source(%dma_start3A_157 : memref<624x128xf32, #tpu.memory_space<hbm>>) target(%dma_start3A_155 : memref<624x128xf32, #tpu.memory_space<vmem_shared>>) target_semaphore(%run_scoped3A_153 : memref<!tpu.dma_semaphore, #tpu.memory_space<semaphore_mem>>)
      %dma_wait3A_158 = arith.constant 0 : i32
      %dma_wait3A_159 = tpu.memref_slice %arg16[%multiple_of3A, %dma_wait3A_158] : memref<10000x128xf32, #tpu.memory_space<vmem_shared>> -> memref<624x128xf32, #tpu.memory_space<vmem_shared>>
      %dma_wait3A_160 = arith.constant 0 : i32
      %dma_wait3A_161 = tpu.memref_slice %arg5[%multiple_of3A, %dma_wait3A_160] : memref<10000x128xf32, #tpu.memory_space<hbm>> -> memref<624x128xf32, #tpu.memory_space<hbm>>
      tpu.wait_dma2 semaphore(%run_scoped3A_153 : memref<!tpu.dma_semaphore, #tpu.memory_space<semaphore_mem>>) src(%dma_wait3A_161 : memref<624x128xf32, #tpu.memory_space<hbm>>) dst(%dma_wait3A_159 : memref<624x128xf32, #tpu.memory_space<vmem_shared>>)
      tpu.yield
    }) : () -> ()
    %eq3A = arith.constant 0 : i32
    %eq3A_5 = arith.cmpi eq, %arg1, %eq3A : i32
    %convert_element_type3A = arith.extui %eq3A_5 : i1 to i32
    %cond3A = arith.constant 0 : i32
    %cond3A_6 = arith.cmpi ne, %convert_element_type3A, %cond3A : i32
    scf.if %cond3A_6 {
      "tpu.region"() ({
        %run_scoped3A_153 = tpu.sem_alloc : memref<!tpu.dma_semaphore, #tpu.memory_space<semaphore_mem>>
        %dma_start3A_154 = arith.constant 9984 : i32
        %dma_start3A_155 = arith.constant 0 : i32
        %dma_start3A_156 = tpu.memref_slice %arg16[%dma_start3A_154, %dma_start3A_155] : memref<10000x128xf32, #tpu.memory_space<vmem_shared>> -> memref<16x128xf32, #tpu.memory_space<vmem_shared>>
        %dma_start3A_157 = arith.constant 9984 : i32
        %dma_start3A_158 = arith.constant 0 : i32
        %dma_start3A_159 = tpu.memref_slice %arg5[%dma_start3A_157, %dma_start3A_158] : memref<10000x128xf32, #tpu.memory_space<hbm>> -> memref<16x128xf32, #tpu.memory_space<hbm>>
        tpu.enqueue_dma source(%dma_start3A_159 : memref<16x128xf32, #tpu.memory_space<hbm>>) target(%dma_start3A_156 : memref<16x128xf32, #tpu.memory_space<vmem_shared>>) target_semaphore(%run_scoped3A_153 : memref<!tpu.dma_semaphore, #tpu.memory_space<semaphore_mem>>)
        %dma_wait3A_160 = arith.constant 9984 : i32
        %dma_wait3A_161 = arith.constant 0 : i32
        %dma_wait3A_162 = tpu.memref_slice %arg16[%dma_wait3A_160, %dma_wait3A_161] : memref<10000x128xf32, #tpu.memory_space<vmem_shared>> -> memref<16x128xf32, #tpu.memory_space<vmem_shared>>
        %dma_wait3A_163 = arith.constant 9984 : i32
        %dma_wait3A_164 = arith.constant 0 : i32
        %dma_wait3A_165 = tpu.memref_slice %arg5[%dma_wait3A_163, %dma_wait3A_164] : memref<10000x128xf32, #tpu.memory_space<hbm>> -> memref<16x128xf32, #tpu.memory_space<hbm>>
        tpu.wait_dma2 semaphore(%run_scoped3A_153 : memref<!tpu.dma_semaphore, #tpu.memory_space<semaphore_mem>>) src(%dma_wait3A_165 : memref<16x128xf32, #tpu.memory_space<hbm>>) dst(%dma_wait3A_162 : memref<16x128xf32, #tpu.memory_space<vmem_shared>>)
        tpu.yield
      }) : () -> ()
    } else {
    }
    %barrier3A = arith.constant 0 : index
    tpu.barrier barrier_id(%barrier3A)
    %add3A_7 = arith.constant 0 : i32
    %add3A_8 = arith.addi %mul3A_2, %add3A_7 : i32
    %multiple_of3A_9 = tpu.assume_multiple %add3A_8, 8 : i32
    %dma_start3A = arith.constant 0 : i32
    %dma_start3A_10 = tpu.memref_slice %arg3[%multiple_of3A_9] : memref<320000xi32, #tpu.memory_space<hbm>> -> memref<80xi32, #tpu.memory_space<hbm>>
    %dma_start3A_11 = tpu.memref_slice %arg17[%dma_start3A] : memref<4x!tpu.dma_semaphore, #tpu.memory_space<semaphore_mem>> -> memref<1x!tpu.dma_semaphore, #tpu.memory_space<semaphore_mem>>
    %dma_start3A_12 = tpu.memref_squeeze %dma_start3A_11 : memref<1x!tpu.dma_semaphore, #tpu.memory_space<semaphore_mem>> -> memref<!tpu.dma_semaphore, #tpu.memory_space<semaphore_mem>>
    %dma_start3A_13 = tpu.memref_slice %arg3[%multiple_of3A_9] : memref<320000xi32, #tpu.memory_space<hbm>> -> memref<80xi32, #tpu.memory_space<hbm>>
    tpu.enqueue_dma source(%dma_start3A_13 : memref<80xi32, #tpu.memory_space<hbm>>) target(%arg7 : memref<80xi32, #tpu.memory_space<vmem>>) target_semaphore(%dma_start3A_12 : memref<!tpu.dma_semaphore, #tpu.memory_space<semaphore_mem>>)
    %dma_start3A_14 = arith.constant 0 : i32
    %dma_start3A_15 = tpu.memref_slice %arg4[%multiple_of3A_9] : memref<320000xi32, #tpu.memory_space<hbm>> -> memref<80xi32, #tpu.memory_space<hbm>>
    %dma_start3A_16 = tpu.memref_slice %arg18[%dma_start3A_14] : memref<4x!tpu.dma_semaphore, #tpu.memory_space<semaphore_mem>> -> memref<1x!tpu.dma_semaphore, #tpu.memory_space<semaphore_mem>>
    %dma_start3A_17 = tpu.memref_squeeze %dma_start3A_16 : memref<1x!tpu.dma_semaphore, #tpu.memory_space<semaphore_mem>> -> memref<!tpu.dma_semaphore, #tpu.memory_space<semaphore_mem>>
    %dma_start3A_18 = tpu.memref_slice %arg4[%multiple_of3A_9] : memref<320000xi32, #tpu.memory_space<hbm>> -> memref<80xi32, #tpu.memory_space<hbm>>
    tpu.enqueue_dma source(%dma_start3A_18 : memref<80xi32, #tpu.memory_space<hbm>>) target(%arg11 : memref<80xi32, #tpu.memory_space<vmem>>) target_semaphore(%dma_start3A_17 : memref<!tpu.dma_semaphore, #tpu.memory_space<semaphore_mem>>)
    %add3A_19 = arith.constant 80 : i32
    %add3A_20 = arith.addi %mul3A_2, %add3A_19 : i32
    %multiple_of3A_21 = tpu.assume_multiple %add3A_20, 8 : i32
    %dma_start3A_22 = arith.constant 1 : i32
    %dma_start3A_23 = tpu.memref_slice %arg3[%multiple_of3A_21] : memref<320000xi32, #tpu.memory_space<hbm>> -> memref<80xi32, #tpu.memory_space<hbm>>
    %dma_start3A_24 = tpu.memref_slice %arg17[%dma_start3A_22] : memref<4x!tpu.dma_semaphore, #tpu.memory_space<semaphore_mem>> -> memref<1x!tpu.dma_semaphore, #tpu.memory_space<semaphore_mem>>
    %dma_start3A_25 = tpu.memref_squeeze %dma_start3A_24 : memref<1x!tpu.dma_semaphore, #tpu.memory_space<semaphore_mem>> -> memref<!tpu.dma_semaphore, #tpu.memory_space<semaphore_mem>>
    %dma_start3A_26 = tpu.memref_slice %arg3[%multiple_of3A_21] : memref<320000xi32, #tpu.memory_space<hbm>> -> memref<80xi32, #tpu.memory_space<hbm>>
    tpu.enqueue_dma source(%dma_start3A_26 : memref<80xi32, #tpu.memory_space<hbm>>) target(%arg8 : memref<80xi32, #tpu.memory_space<vmem>>) target_semaphore(%dma_start3A_25 : memref<!tpu.dma_semaphore, #tpu.memory_space<semaphore_mem>>)
    %dma_start3A_27 = arith.constant 1 : i32
    %dma_start3A_28 = tpu.memref_slice %arg4[%multiple_of3A_21] : memref<320000xi32, #tpu.memory_space<hbm>> -> memref<80xi32, #tpu.memory_space<hbm>>
    %dma_start3A_29 = tpu.memref_slice %arg18[%dma_start3A_27] : memref<4x!tpu.dma_semaphore, #tpu.memory_space<semaphore_mem>> -> memref<1x!tpu.dma_semaphore, #tpu.memory_space<semaphore_mem>>
    %dma_start3A_30 = tpu.memref_squeeze %dma_start3A_29 : memref<1x!tpu.dma_semaphore, #tpu.memory_space<semaphore_mem>> -> memref<!tpu.dma_semaphore, #tpu.memory_space<semaphore_mem>>
    %dma_start3A_31 = tpu.memref_slice %arg4[%multiple_of3A_21] : memref<320000xi32, #tpu.memory_space<hbm>> -> memref<80xi32, #tpu.memory_space<hbm>>
    tpu.enqueue_dma source(%dma_start3A_31 : memref<80xi32, #tpu.memory_space<hbm>>) target(%arg12 : memref<80xi32, #tpu.memory_space<vmem>>) target_semaphore(%dma_start3A_30 : memref<!tpu.dma_semaphore, #tpu.memory_space<semaphore_mem>>)
    %add3A_32 = arith.constant 160 : i32
    %add3A_33 = arith.addi %mul3A_2, %add3A_32 : i32
    %multiple_of3A_34 = tpu.assume_multiple %add3A_33, 8 : i32
    %dma_start3A_35 = arith.constant 2 : i32
    %dma_start3A_36 = tpu.memref_slice %arg3[%multiple_of3A_34] : memref<320000xi32, #tpu.memory_space<hbm>> -> memref<80xi32, #tpu.memory_space<hbm>>
    %dma_start3A_37 = tpu.memref_slice %arg17[%dma_start3A_35] : memref<4x!tpu.dma_semaphore, #tpu.memory_space<semaphore_mem>> -> memref<1x!tpu.dma_semaphore, #tpu.memory_space<semaphore_mem>>
    %dma_start3A_38 = tpu.memref_squeeze %dma_start3A_37 : memref<1x!tpu.dma_semaphore, #tpu.memory_space<semaphore_mem>> -> memref<!tpu.dma_semaphore, #tpu.memory_space<semaphore_mem>>
    %dma_start3A_39 = tpu.memref_slice %arg3[%multiple_of3A_34] : memref<320000xi32, #tpu.memory_space<hbm>> -> memref<80xi32, #tpu.memory_space<hbm>>
    tpu.enqueue_dma source(%dma_start3A_39 : memref<80xi32, #tpu.memory_space<hbm>>) target(%arg9 : memref<80xi32, #tpu.memory_space<vmem>>) target_semaphore(%dma_start3A_38 : memref<!tpu.dma_semaphore, #tpu.memory_space<semaphore_mem>>)
    %dma_start3A_40 = arith.constant 2 : i32
    %dma_start3A_41 = tpu.memref_slice %arg4[%multiple_of3A_34] : memref<320000xi32, #tpu.memory_space<hbm>> -> memref<80xi32, #tpu.memory_space<hbm>>
    %dma_start3A_42 = tpu.memref_slice %arg18[%dma_start3A_40] : memref<4x!tpu.dma_semaphore, #tpu.memory_space<semaphore_mem>> -> memref<1x!tpu.dma_semaphore, #tpu.memory_space<semaphore_mem>>
    %dma_start3A_43 = tpu.memref_squeeze %dma_start3A_42 : memref<1x!tpu.dma_semaphore, #tpu.memory_space<semaphore_mem>> -> memref<!tpu.dma_semaphore, #tpu.memory_space<semaphore_mem>>
    %dma_start3A_44 = tpu.memref_slice %arg4[%multiple_of3A_34] : memref<320000xi32, #tpu.memory_space<hbm>> -> memref<80xi32, #tpu.memory_space<hbm>>
    tpu.enqueue_dma source(%dma_start3A_44 : memref<80xi32, #tpu.memory_space<hbm>>) target(%arg13 : memref<80xi32, #tpu.memory_space<vmem>>) target_semaphore(%dma_start3A_43 : memref<!tpu.dma_semaphore, #tpu.memory_space<semaphore_mem>>)
    %add3A_45 = arith.constant 240 : i32
    %add3A_46 = arith.addi %mul3A_2, %add3A_45 : i32
    %multiple_of3A_47 = tpu.assume_multiple %add3A_46, 8 : i32
    %dma_start3A_48 = arith.constant 3 : i32
    %dma_start3A_49 = tpu.memref_slice %arg3[%multiple_of3A_47] : memref<320000xi32, #tpu.memory_space<hbm>> -> memref<80xi32, #tpu.memory_space<hbm>>
    %dma_start3A_50 = tpu.memref_slice %arg17[%dma_start3A_48] : memref<4x!tpu.dma_semaphore, #tpu.memory_space<semaphore_mem>> -> memref<1x!tpu.dma_semaphore, #tpu.memory_space<semaphore_mem>>
    %dma_start3A_51 = tpu.memref_squeeze %dma_start3A_50 : memref<1x!tpu.dma_semaphore, #tpu.memory_space<semaphore_mem>> -> memref<!tpu.dma_semaphore, #tpu.memory_space<semaphore_mem>>
    %dma_start3A_52 = tpu.memref_slice %arg3[%multiple_of3A_47] : memref<320000xi32, #tpu.memory_space<hbm>> -> memref<80xi32, #tpu.memory_space<hbm>>
    tpu.enqueue_dma source(%dma_start3A_52 : memref<80xi32, #tpu.memory_space<hbm>>) target(%arg10 : memref<80xi32, #tpu.memory_space<vmem>>) target_semaphore(%dma_start3A_51 : memref<!tpu.dma_semaphore, #tpu.memory_space<semaphore_mem>>)
    %dma_start3A_53 = arith.constant 3 : i32
    %dma_start3A_54 = tpu.memref_slice %arg4[%multiple_of3A_47] : memref<320000xi32, #tpu.memory_space<hbm>> -> memref<80xi32, #tpu.memory_space<hbm>>
    %dma_start3A_55 = tpu.memref_slice %arg18[%dma_start3A_53] : memref<4x!tpu.dma_semaphore, #tpu.memory_space<semaphore_mem>> -> memref<1x!tpu.dma_semaphore, #tpu.memory_space<semaphore_mem>>
    %dma_start3A_56 = tpu.memref_squeeze %dma_start3A_55 : memref<1x!tpu.dma_semaphore, #tpu.memory_space<semaphore_mem>> -> memref<!tpu.dma_semaphore, #tpu.memory_space<semaphore_mem>>
    %dma_start3A_57 = tpu.memref_slice %arg4[%multiple_of3A_47] : memref<320000xi32, #tpu.memory_space<hbm>> -> memref<80xi32, #tpu.memory_space<hbm>>
    tpu.enqueue_dma source(%dma_start3A_57 : memref<80xi32, #tpu.memory_space<hbm>>) target(%arg14 : memref<80xi32, #tpu.memory_space<vmem>>) target_semaphore(%dma_start3A_56 : memref<!tpu.dma_semaphore, #tpu.memory_space<semaphore_mem>>)
    %scan3A = arith.constant 0 : i32
    %scan3A_58 = arith.constant 0 : i32
    %scan3A_59 = arith.constant 31 : i32
    %scan3A_60 = arith.addi %scan3A_58, %scan3A_59 : i32
    %scan3A_61 = arith.constant 1 : i32
    scf.for %scan3A_153 = %scan3A_58 to %scan3A_60 step %scan3A_61  : i32 {
      %mul3A_154 = arith.constant 4 : i32
      %mul3A_155 = arith.muli %scan3A_153, %mul3A_154 : i32
      %dma_wait3A_156 = arith.constant 0 : i32
      %dma_wait3A_157 = arith.constant 0 : i32
      %dma_wait3A_158 = tpu.memref_slice %arg3[%dma_wait3A_157] : memref<320000xi32, #tpu.memory_space<hbm>> -> memref<80xi32, #tpu.memory_space<hbm>>
      %dma_wait3A_159 = tpu.memref_slice %arg17[%dma_wait3A_156] : memref<4x!tpu.dma_semaphore, #tpu.memory_space<semaphore_mem>> -> memref<1x!tpu.dma_semaphore, #tpu.memory_space<semaphore_mem>>
      %dma_wait3A_160 = tpu.memref_squeeze %dma_wait3A_159 : memref<1x!tpu.dma_semaphore, #tpu.memory_space<semaphore_mem>> -> memref<!tpu.dma_semaphore, #tpu.memory_space<semaphore_mem>>
      %dma_wait3A_161 = arith.constant 0 : i32
      %dma_wait3A_162 = tpu.memref_slice %arg3[%dma_wait3A_161] : memref<320000xi32, #tpu.memory_space<hbm>> -> memref<80xi32, #tpu.memory_space<hbm>>
      tpu.wait_dma2 semaphore(%dma_wait3A_160 : memref<!tpu.dma_semaphore, #tpu.memory_space<semaphore_mem>>) src(%dma_wait3A_162 : memref<80xi32, #tpu.memory_space<hbm>>) dst(%arg7 : memref<80xi32, #tpu.memory_space<vmem>>)
      %dma_start3A_163 = arith.constant 0 : i32
      %dma_start3A_164 = arith.constant 0 : i32
      %dma_start3A_165 = arith.constant 0 : i32
      %dma_start3A_166 = arith.constant 0 : i32
      %dma_start3A_167 = tpu.memref_slice %arg15[%dma_start3A_163, %dma_start3A_165, %dma_start3A_166] : memref<4x80x128xf32, #tpu.memory_space<vmem>> -> memref<1x80x128xf32, #tpu.memory_space<vmem>>
      %dma_start3A_168 = tpu.memref_squeeze %dma_start3A_167 : memref<1x80x128xf32, #tpu.memory_space<vmem>> -> memref<80x128xf32, #tpu.memory_space<vmem>>
      %dma_start3A_169 = arith.constant 0 : i32
      %dma_start3A_170 = arith.constant 0 : i32
      %dma_start3A_171 = tpu.memref_slice %arg2[%dma_start3A_169, %dma_start3A_170] : memref<10000x128xf32, #tpu.memory_space<hbm>> -> memref<10000x128xf32, #tpu.memory_space<hbm>>
      %dma_start3A_172 = tpu.memref_slice %arg19[%dma_start3A_164] : memref<4x!tpu.dma_semaphore, #tpu.memory_space<semaphore_mem>> -> memref<1x!tpu.dma_semaphore, #tpu.memory_space<semaphore_mem>>
      %dma_start3A_173 = tpu.memref_squeeze %dma_start3A_172 : memref<1x!tpu.dma_semaphore, #tpu.memory_space<semaphore_mem>> -> memref<!tpu.dma_semaphore, #tpu.memory_space<semaphore_mem>>
      tpu.enqueue_indirect_dma source(%dma_start3A_171 : memref<10000x128xf32, #tpu.memory_space<hbm>>) target(%dma_start3A_168 : memref<80x128xf32, #tpu.memory_space<vmem>>) offsets(%arg7 : memref<80xi32, #tpu.memory_space<vmem>>) semaphore(%dma_start3A_173 : memref<!tpu.dma_semaphore, #tpu.memory_space<semaphore_mem>>)
      %dma_wait3A_174 = arith.constant 1 : i32
      %dma_wait3A_175 = arith.constant 0 : i32
      %dma_wait3A_176 = tpu.memref_slice %arg3[%dma_wait3A_175] : memref<320000xi32, #tpu.memory_space<hbm>> -> memref<80xi32, #tpu.memory_space<hbm>>
      %dma_wait3A_177 = tpu.memref_slice %arg17[%dma_wait3A_174] : memref<4x!tpu.dma_semaphore, #tpu.memory_space<semaphore_mem>> -> memref<1x!tpu.dma_semaphore, #tpu.memory_space<semaphore_mem>>
      %dma_wait3A_178 = tpu.memref_squeeze %dma_wait3A_177 : memref<1x!tpu.dma_semaphore, #tpu.memory_space<semaphore_mem>> -> memref<!tpu.dma_semaphore, #tpu.memory_space<semaphore_mem>>
      %dma_wait3A_179 = arith.constant 0 : i32
      %dma_wait3A_180 = tpu.memref_slice %arg3[%dma_wait3A_179] : memref<320000xi32, #tpu.memory_space<hbm>> -> memref<80xi32, #tpu.memory_space<hbm>>
      tpu.wait_dma2 semaphore(%dma_wait3A_178 : memref<!tpu.dma_semaphore, #tpu.memory_space<semaphore_mem>>) src(%dma_wait3A_180 : memref<80xi32, #tpu.memory_space<hbm>>) dst(%arg8 : memref<80xi32, #tpu.memory_space<vmem>>)
      %dma_start3A_181 = arith.constant 1 : i32
      %dma_start3A_182 = arith.constant 1 : i32
      %dma_start3A_183 = arith.constant 0 : i32
      %dma_start3A_184 = arith.constant 0 : i32
      %dma_start3A_185 = tpu.memref_slice %arg15[%dma_start3A_181, %dma_start3A_183, %dma_start3A_184] : memref<4x80x128xf32, #tpu.memory_space<vmem>> -> memref<1x80x128xf32, #tpu.memory_space<vmem>>
      %dma_start3A_186 = tpu.memref_squeeze %dma_start3A_185 : memref<1x80x128xf32, #tpu.memory_space<vmem>> -> memref<80x128xf32, #tpu.memory_space<vmem>>
      %dma_start3A_187 = arith.constant 0 : i32
      %dma_start3A_188 = arith.constant 0 : i32
      %dma_start3A_189 = tpu.memref_slice %arg2[%dma_start3A_187, %dma_start3A_188] : memref<10000x128xf32, #tpu.memory_space<hbm>> -> memref<10000x128xf32, #tpu.memory_space<hbm>>
      %dma_start3A_190 = tpu.memref_slice %arg19[%dma_start3A_182] : memref<4x!tpu.dma_semaphore, #tpu.memory_space<semaphore_mem>> -> memref<1x!tpu.dma_semaphore, #tpu.memory_space<semaphore_mem>>
      %dma_start3A_191 = tpu.memref_squeeze %dma_start3A_190 : memref<1x!tpu.dma_semaphore, #tpu.memory_space<semaphore_mem>> -> memref<!tpu.dma_semaphore, #tpu.memory_space<semaphore_mem>>
      tpu.enqueue_indirect_dma source(%dma_start3A_189 : memref<10000x128xf32, #tpu.memory_space<hbm>>) target(%dma_start3A_186 : memref<80x128xf32, #tpu.memory_space<vmem>>) offsets(%arg8 : memref<80xi32, #tpu.memory_space<vmem>>) semaphore(%dma_start3A_191 : memref<!tpu.dma_semaphore, #tpu.memory_space<semaphore_mem>>)
      %dma_wait3A_192 = arith.constant 2 : i32
      %dma_wait3A_193 = arith.constant 0 : i32
      %dma_wait3A_194 = tpu.memref_slice %arg3[%dma_wait3A_193] : memref<320000xi32, #tpu.memory_space<hbm>> -> memref<80xi32, #tpu.memory_space<hbm>>
      %dma_wait3A_195 = tpu.memref_slice %arg17[%dma_wait3A_192] : memref<4x!tpu.dma_semaphore, #tpu.memory_space<semaphore_mem>> -> memref<1x!tpu.dma_semaphore, #tpu.memory_space<semaphore_mem>>
      %dma_wait3A_196 = tpu.memref_squeeze %dma_wait3A_195 : memref<1x!tpu.dma_semaphore, #tpu.memory_space<semaphore_mem>> -> memref<!tpu.dma_semaphore, #tpu.memory_space<semaphore_mem>>
      %dma_wait3A_197 = arith.constant 0 : i32
      %dma_wait3A_198 = tpu.memref_slice %arg3[%dma_wait3A_197] : memref<320000xi32, #tpu.memory_space<hbm>> -> memref<80xi32, #tpu.memory_space<hbm>>
      tpu.wait_dma2 semaphore(%dma_wait3A_196 : memref<!tpu.dma_semaphore, #tpu.memory_space<semaphore_mem>>) src(%dma_wait3A_198 : memref<80xi32, #tpu.memory_space<hbm>>) dst(%arg9 : memref<80xi32, #tpu.memory_space<vmem>>)
      %dma_start3A_199 = arith.constant 2 : i32
      %dma_start3A_200 = arith.constant 2 : i32
      %dma_start3A_201 = arith.constant 0 : i32
      %dma_start3A_202 = arith.constant 0 : i32
      %dma_start3A_203 = tpu.memref_slice %arg15[%dma_start3A_199, %dma_start3A_201, %dma_start3A_202] : memref<4x80x128xf32, #tpu.memory_space<vmem>> -> memref<1x80x128xf32, #tpu.memory_space<vmem>>
      %dma_start3A_204 = tpu.memref_squeeze %dma_start3A_203 : memref<1x80x128xf32, #tpu.memory_space<vmem>> -> memref<80x128xf32, #tpu.memory_space<vmem>>
      %dma_start3A_205 = arith.constant 0 : i32
      %dma_start3A_206 = arith.constant 0 : i32
      %dma_start3A_207 = tpu.memref_slice %arg2[%dma_start3A_205, %dma_start3A_206] : memref<10000x128xf32, #tpu.memory_space<hbm>> -> memref<10000x128xf32, #tpu.memory_space<hbm>>
      %dma_start3A_208 = tpu.memref_slice %arg19[%dma_start3A_200] : memref<4x!tpu.dma_semaphore, #tpu.memory_space<semaphore_mem>> -> memref<1x!tpu.dma_semaphore, #tpu.memory_space<semaphore_mem>>
      %dma_start3A_209 = tpu.memref_squeeze %dma_start3A_208 : memref<1x!tpu.dma_semaphore, #tpu.memory_space<semaphore_mem>> -> memref<!tpu.dma_semaphore, #tpu.memory_space<semaphore_mem>>
      tpu.enqueue_indirect_dma source(%dma_start3A_207 : memref<10000x128xf32, #tpu.memory_space<hbm>>) target(%dma_start3A_204 : memref<80x128xf32, #tpu.memory_space<vmem>>) offsets(%arg9 : memref<80xi32, #tpu.memory_space<vmem>>) semaphore(%dma_start3A_209 : memref<!tpu.dma_semaphore, #tpu.memory_space<semaphore_mem>>)
      %dma_wait3A_210 = arith.constant 3 : i32
      %dma_wait3A_211 = arith.constant 0 : i32
      %dma_wait3A_212 = tpu.memref_slice %arg3[%dma_wait3A_211] : memref<320000xi32, #tpu.memory_space<hbm>> -> memref<80xi32, #tpu.memory_space<hbm>>
      %dma_wait3A_213 = tpu.memref_slice %arg17[%dma_wait3A_210] : memref<4x!tpu.dma_semaphore, #tpu.memory_space<semaphore_mem>> -> memref<1x!tpu.dma_semaphore, #tpu.memory_space<semaphore_mem>>
      %dma_wait3A_214 = tpu.memref_squeeze %dma_wait3A_213 : memref<1x!tpu.dma_semaphore, #tpu.memory_space<semaphore_mem>> -> memref<!tpu.dma_semaphore, #tpu.memory_space<semaphore_mem>>
      %dma_wait3A_215 = arith.constant 0 : i32
      %dma_wait3A_216 = tpu.memref_slice %arg3[%dma_wait3A_215] : memref<320000xi32, #tpu.memory_space<hbm>> -> memref<80xi32, #tpu.memory_space<hbm>>
      tpu.wait_dma2 semaphore(%dma_wait3A_214 : memref<!tpu.dma_semaphore, #tpu.memory_space<semaphore_mem>>) src(%dma_wait3A_216 : memref<80xi32, #tpu.memory_space<hbm>>) dst(%arg10 : memref<80xi32, #tpu.memory_space<vmem>>)
      %dma_start3A_217 = arith.constant 3 : i32
      %dma_start3A_218 = arith.constant 3 : i32
      %dma_start3A_219 = arith.constant 0 : i32
      %dma_start3A_220 = arith.constant 0 : i32
      %dma_start3A_221 = tpu.memref_slice %arg15[%dma_start3A_217, %dma_start3A_219, %dma_start3A_220] : memref<4x80x128xf32, #tpu.memory_space<vmem>> -> memref<1x80x128xf32, #tpu.memory_space<vmem>>
      %dma_start3A_222 = tpu.memref_squeeze %dma_start3A_221 : memref<1x80x128xf32, #tpu.memory_space<vmem>> -> memref<80x128xf32, #tpu.memory_space<vmem>>
      %dma_start3A_223 = arith.constant 0 : i32
      %dma_start3A_224 = arith.constant 0 : i32
      %dma_start3A_225 = tpu.memref_slice %arg2[%dma_start3A_223, %dma_start3A_224] : memref<10000x128xf32, #tpu.memory_space<hbm>> -> memref<10000x128xf32, #tpu.memory_space<hbm>>
      %dma_start3A_226 = tpu.memref_slice %arg19[%dma_start3A_218] : memref<4x!tpu.dma_semaphore, #tpu.memory_space<semaphore_mem>> -> memref<1x!tpu.dma_semaphore, #tpu.memory_space<semaphore_mem>>
      %dma_start3A_227 = tpu.memref_squeeze %dma_start3A_226 : memref<1x!tpu.dma_semaphore, #tpu.memory_space<semaphore_mem>> -> memref<!tpu.dma_semaphore, #tpu.memory_space<semaphore_mem>>
      tpu.enqueue_indirect_dma source(%dma_start3A_225 : memref<10000x128xf32, #tpu.memory_space<hbm>>) target(%dma_start3A_222 : memref<80x128xf32, #tpu.memory_space<vmem>>) offsets(%arg10 : memref<80xi32, #tpu.memory_space<vmem>>) semaphore(%dma_start3A_227 : memref<!tpu.dma_semaphore, #tpu.memory_space<semaphore_mem>>)
      %dma_wait3A_228 = arith.constant 0 : i32
      %dma_wait3A_229 = arith.constant 0 : i32
      %dma_wait3A_230 = arith.constant 0 : i32
      %dma_wait3A_231 = arith.constant 0 : i32
      %dma_wait3A_232 = tpu.memref_slice %arg15[%dma_wait3A_228, %dma_wait3A_230, %dma_wait3A_231] : memref<4x80x128xf32, #tpu.memory_space<vmem>> -> memref<1x80x128xf32, #tpu.memory_space<vmem>>
      %dma_wait3A_233 = tpu.memref_squeeze %dma_wait3A_232 : memref<1x80x128xf32, #tpu.memory_space<vmem>> -> memref<80x128xf32, #tpu.memory_space<vmem>>
      %dma_wait3A_234 = arith.constant 0 : i32
      %dma_wait3A_235 = arith.constant 0 : i32
      %dma_wait3A_236 = tpu.memref_slice %arg2[%dma_wait3A_234, %dma_wait3A_235] : memref<10000x128xf32, #tpu.memory_space<hbm>> -> memref<80x128xf32, #tpu.memory_space<hbm>>
      %dma_wait3A_237 = tpu.memref_slice %arg19[%dma_wait3A_229] : memref<4x!tpu.dma_semaphore, #tpu.memory_space<semaphore_mem>> -> memref<1x!tpu.dma_semaphore, #tpu.memory_space<semaphore_mem>>
      %dma_wait3A_238 = tpu.memref_squeeze %dma_wait3A_237 : memref<1x!tpu.dma_semaphore, #tpu.memory_space<semaphore_mem>> -> memref<!tpu.dma_semaphore, #tpu.memory_space<semaphore_mem>>
      %dma_wait3A_239 = arith.constant 0 : i32
      %dma_wait3A_240 = arith.constant 0 : i32
      %dma_wait3A_241 = tpu.memref_slice %arg15[%dma_wait3A_228, %dma_wait3A_239, %dma_wait3A_240] : memref<4x80x128xf32, #tpu.memory_space<vmem>> -> memref<1x80x128xf32, #tpu.memory_space<vmem>>
      %dma_wait3A_242 = tpu.memref_squeeze %dma_wait3A_241 : memref<1x80x128xf32, #tpu.memory_space<vmem>> -> memref<80x128xf32, #tpu.memory_space<vmem>>
      %dma_wait3A_243 = arith.constant 0 : i32
      %dma_wait3A_244 = arith.constant 0 : i32
      %dma_wait3A_245 = tpu.memref_slice %arg2[%dma_wait3A_243, %dma_wait3A_244] : memref<10000x128xf32, #tpu.memory_space<hbm>> -> memref<80x128xf32, #tpu.memory_space<hbm>>
      tpu.wait_dma2 semaphore(%dma_wait3A_238 : memref<!tpu.dma_semaphore, #tpu.memory_space<semaphore_mem>>) src(%dma_wait3A_245 : memref<80x128xf32, #tpu.memory_space<hbm>>) dst(%dma_wait3A_242 : memref<80x128xf32, #tpu.memory_space<vmem>>)
      %dma_wait3A_246 = arith.constant 0 : i32
      %dma_wait3A_247 = arith.constant 0 : i32
      %dma_wait3A_248 = tpu.memref_slice %arg3[%dma_wait3A_247] : memref<320000xi32, #tpu.memory_space<hbm>> -> memref<80xi32, #tpu.memory_space<hbm>>
      %dma_wait3A_249 = tpu.memref_slice %arg18[%dma_wait3A_246] : memref<4x!tpu.dma_semaphore, #tpu.memory_space<semaphore_mem>> -> memref<1x!tpu.dma_semaphore, #tpu.memory_space<semaphore_mem>>
      %dma_wait3A_250 = tpu.memref_squeeze %dma_wait3A_249 : memref<1x!tpu.dma_semaphore, #tpu.memory_space<semaphore_mem>> -> memref<!tpu.dma_semaphore, #tpu.memory_space<semaphore_mem>>
      %dma_wait3A_251 = arith.constant 0 : i32
      %dma_wait3A_252 = tpu.memref_slice %arg3[%dma_wait3A_251] : memref<320000xi32, #tpu.memory_space<hbm>> -> memref<80xi32, #tpu.memory_space<hbm>>
      tpu.wait_dma2 semaphore(%dma_wait3A_250 : memref<!tpu.dma_semaphore, #tpu.memory_space<semaphore_mem>>) src(%dma_wait3A_252 : memref<80xi32, #tpu.memory_space<hbm>>) dst(%arg11 : memref<80xi32, #tpu.memory_space<vmem>>)
      %dma_start3A_253 = arith.constant 0 : i32
      %dma_start3A_254 = arith.constant 0 : i32
      %dma_start3A_255 = arith.constant 0 : i32
      %dma_start3A_256 = arith.constant 0 : i32
      %dma_start3A_257 = tpu.memref_slice %arg15[%dma_start3A_253, %dma_start3A_255, %dma_start3A_256] : memref<4x80x128xf32, #tpu.memory_space<vmem>> -> memref<1x80x128xf32, #tpu.memory_space<vmem>>
      %dma_start3A_258 = tpu.memref_squeeze %dma_start3A_257 : memref<1x80x128xf32, #tpu.memory_space<vmem>> -> memref<80x128xf32, #tpu.memory_space<vmem>>
      %dma_start3A_259 = arith.constant 0 : i32
      %dma_start3A_260 = arith.constant 0 : i32
      %dma_start3A_261 = tpu.memref_slice %arg16[%dma_start3A_259, %dma_start3A_260] : memref<10000x128xf32, #tpu.memory_space<vmem_shared>> -> memref<10000x128xf32, #tpu.memory_space<vmem_shared>>
      %dma_start3A_262 = tpu.memref_slice %arg20[%dma_start3A_254] : memref<4x!tpu.dma_semaphore, #tpu.memory_space<semaphore_mem>> -> memref<1x!tpu.dma_semaphore, #tpu.memory_space<semaphore_mem>>
      %dma_start3A_263 = tpu.memref_squeeze %dma_start3A_262 : memref<1x!tpu.dma_semaphore, #tpu.memory_space<semaphore_mem>> -> memref<!tpu.dma_semaphore, #tpu.memory_space<semaphore_mem>>
      tpu.enqueue_indirect_dma source(%dma_start3A_258 : memref<80x128xf32, #tpu.memory_space<vmem>>) target(%dma_start3A_261 : memref<10000x128xf32, #tpu.memory_space<vmem_shared>>) offsets(%arg11 : memref<80xi32, #tpu.memory_space<vmem>>) semaphore(%dma_start3A_263 : memref<!tpu.dma_semaphore, #tpu.memory_space<semaphore_mem>>) {add = true}
      %dma_wait3A_264 = arith.constant 1 : i32
      %dma_wait3A_265 = arith.constant 1 : i32
      %dma_wait3A_266 = arith.constant 0 : i32
      %dma_wait3A_267 = arith.constant 0 : i32
      %dma_wait3A_268 = tpu.memref_slice %arg15[%dma_wait3A_264, %dma_wait3A_266, %dma_wait3A_267] : memref<4x80x128xf32, #tpu.memory_space<vmem>> -> memref<1x80x128xf32, #tpu.memory_space<vmem>>
      %dma_wait3A_269 = tpu.memref_squeeze %dma_wait3A_268 : memref<1x80x128xf32, #tpu.memory_space<vmem>> -> memref<80x128xf32, #tpu.memory_space<vmem>>
      %dma_wait3A_270 = arith.constant 0 : i32
      %dma_wait3A_271 = arith.constant 0 : i32
      %dma_wait3A_272 = tpu.memref_slice %arg2[%dma_wait3A_270, %dma_wait3A_271] : memref<10000x128xf32, #tpu.memory_space<hbm>> -> memref<80x128xf32, #tpu.memory_space<hbm>>
      %dma_wait3A_273 = tpu.memref_slice %arg19[%dma_wait3A_265] : memref<4x!tpu.dma_semaphore, #tpu.memory_space<semaphore_mem>> -> memref<1x!tpu.dma_semaphore, #tpu.memory_space<semaphore_mem>>
      %dma_wait3A_274 = tpu.memref_squeeze %dma_wait3A_273 : memref<1x!tpu.dma_semaphore, #tpu.memory_space<semaphore_mem>> -> memref<!tpu.dma_semaphore, #tpu.memory_space<semaphore_mem>>
      %dma_wait3A_275 = arith.constant 0 : i32
      %dma_wait3A_276 = arith.constant 0 : i32
      %dma_wait3A_277 = tpu.memref_slice %arg15[%dma_wait3A_264, %dma_wait3A_275, %dma_wait3A_276] : memref<4x80x128xf32, #tpu.memory_space<vmem>> -> memref<1x80x128xf32, #tpu.memory_space<vmem>>
      %dma_wait3A_278 = tpu.memref_squeeze %dma_wait3A_277 : memref<1x80x128xf32, #tpu.memory_space<vmem>> -> memref<80x128xf32, #tpu.memory_space<vmem>>
      %dma_wait3A_279 = arith.constant 0 : i32
      %dma_wait3A_280 = arith.constant 0 : i32
      %dma_wait3A_281 = tpu.memref_slice %arg2[%dma_wait3A_279, %dma_wait3A_280] : memref<10000x128xf32, #tpu.memory_space<hbm>> -> memref<80x128xf32, #tpu.memory_space<hbm>>
      tpu.wait_dma2 semaphore(%dma_wait3A_274 : memref<!tpu.dma_semaphore, #tpu.memory_space<semaphore_mem>>) src(%dma_wait3A_281 : memref<80x128xf32, #tpu.memory_space<hbm>>) dst(%dma_wait3A_278 : memref<80x128xf32, #tpu.memory_space<vmem>>)
      %dma_wait3A_282 = arith.constant 1 : i32
      %dma_wait3A_283 = arith.constant 0 : i32
      %dma_wait3A_284 = tpu.memref_slice %arg3[%dma_wait3A_283] : memref<320000xi32, #tpu.memory_space<hbm>> -> memref<80xi32, #tpu.memory_space<hbm>>
      %dma_wait3A_285 = tpu.memref_slice %arg18[%dma_wait3A_282] : memref<4x!tpu.dma_semaphore, #tpu.memory_space<semaphore_mem>> -> memref<1x!tpu.dma_semaphore, #tpu.memory_space<semaphore_mem>>
      %dma_wait3A_286 = tpu.memref_squeeze %dma_wait3A_285 : memref<1x!tpu.dma_semaphore, #tpu.memory_space<semaphore_mem>> -> memref<!tpu.dma_semaphore, #tpu.memory_space<semaphore_mem>>
      %dma_wait3A_287 = arith.constant 0 : i32
      %dma_wait3A_288 = tpu.memref_slice %arg3[%dma_wait3A_287] : memref<320000xi32, #tpu.memory_space<hbm>> -> memref<80xi32, #tpu.memory_space<hbm>>
      tpu.wait_dma2 semaphore(%dma_wait3A_286 : memref<!tpu.dma_semaphore, #tpu.memory_space<semaphore_mem>>) src(%dma_wait3A_288 : memref<80xi32, #tpu.memory_space<hbm>>) dst(%arg12 : memref<80xi32, #tpu.memory_space<vmem>>)
      %dma_start3A_289 = arith.constant 1 : i32
      %dma_start3A_290 = arith.constant 1 : i32
      %dma_start3A_291 = arith.constant 0 : i32
      %dma_start3A_292 = arith.constant 0 : i32
      %dma_start3A_293 = tpu.memref_slice %arg15[%dma_start3A_289, %dma_start3A_291, %dma_start3A_292] : memref<4x80x128xf32, #tpu.memory_space<vmem>> -> memref<1x80x128xf32, #tpu.memory_space<vmem>>
      %dma_start3A_294 = tpu.memref_squeeze %dma_start3A_293 : memref<1x80x128xf32, #tpu.memory_space<vmem>> -> memref<80x128xf32, #tpu.memory_space<vmem>>
      %dma_start3A_295 = arith.constant 0 : i32
      %dma_start3A_296 = arith.constant 0 : i32
      %dma_start3A_297 = tpu.memref_slice %arg16[%dma_start3A_295, %dma_start3A_296] : memref<10000x128xf32, #tpu.memory_space<vmem_shared>> -> memref<10000x128xf32, #tpu.memory_space<vmem_shared>>
      %dma_start3A_298 = tpu.memref_slice %arg20[%dma_start3A_290] : memref<4x!tpu.dma_semaphore, #tpu.memory_space<semaphore_mem>> -> memref<1x!tpu.dma_semaphore, #tpu.memory_space<semaphore_mem>>
      %dma_start3A_299 = tpu.memref_squeeze %dma_start3A_298 : memref<1x!tpu.dma_semaphore, #tpu.memory_space<semaphore_mem>> -> memref<!tpu.dma_semaphore, #tpu.memory_space<semaphore_mem>>
      tpu.enqueue_indirect_dma source(%dma_start3A_294 : memref<80x128xf32, #tpu.memory_space<vmem>>) target(%dma_start3A_297 : memref<10000x128xf32, #tpu.memory_space<vmem_shared>>) offsets(%arg12 : memref<80xi32, #tpu.memory_space<vmem>>) semaphore(%dma_start3A_299 : memref<!tpu.dma_semaphore, #tpu.memory_space<semaphore_mem>>) {add = true}
      %dma_wait3A_300 = arith.constant 2 : i32
      %dma_wait3A_301 = arith.constant 2 : i32
      %dma_wait3A_302 = arith.constant 0 : i32
      %dma_wait3A_303 = arith.constant 0 : i32
      %dma_wait3A_304 = tpu.memref_slice %arg15[%dma_wait3A_300, %dma_wait3A_302, %dma_wait3A_303] : memref<4x80x128xf32, #tpu.memory_space<vmem>> -> memref<1x80x128xf32, #tpu.memory_space<vmem>>
      %dma_wait3A_305 = tpu.memref_squeeze %dma_wait3A_304 : memref<1x80x128xf32, #tpu.memory_space<vmem>> -> memref<80x128xf32, #tpu.memory_space<vmem>>
      %dma_wait3A_306 = arith.constant 0 : i32
      %dma_wait3A_307 = arith.constant 0 : i32
      %dma_wait3A_308 = tpu.memref_slice %arg2[%dma_wait3A_306, %dma_wait3A_307] : memref<10000x128xf32, #tpu.memory_space<hbm>> -> memref<80x128xf32, #tpu.memory_space<hbm>>
      %dma_wait3A_309 = tpu.memref_slice %arg19[%dma_wait3A_301] : memref<4x!tpu.dma_semaphore, #tpu.memory_space<semaphore_mem>> -> memref<1x!tpu.dma_semaphore, #tpu.memory_space<semaphore_mem>>
      %dma_wait3A_310 = tpu.memref_squeeze %dma_wait3A_309 : memref<1x!tpu.dma_semaphore, #tpu.memory_space<semaphore_mem>> -> memref<!tpu.dma_semaphore, #tpu.memory_space<semaphore_mem>>
      %dma_wait3A_311 = arith.constant 0 : i32
      %dma_wait3A_312 = arith.constant 0 : i32
      %dma_wait3A_313 = tpu.memref_slice %arg15[%dma_wait3A_300, %dma_wait3A_311, %dma_wait3A_312] : memref<4x80x128xf32, #tpu.memory_space<vmem>> -> memref<1x80x128xf32, #tpu.memory_space<vmem>>
      %dma_wait3A_314 = tpu.memref_squeeze %dma_wait3A_313 : memref<1x80x128xf32, #tpu.memory_space<vmem>> -> memref<80x128xf32, #tpu.memory_space<vmem>>
      %dma_wait3A_315 = arith.constant 0 : i32
      %dma_wait3A_316 = arith.constant 0 : i32
      %dma_wait3A_317 = tpu.memref_slice %arg2[%dma_wait3A_315, %dma_wait3A_316] : memref<10000x128xf32, #tpu.memory_space<hbm>> -> memref<80x128xf32, #tpu.memory_space<hbm>>
      tpu.wait_dma2 semaphore(%dma_wait3A_310 : memref<!tpu.dma_semaphore, #tpu.memory_space<semaphore_mem>>) src(%dma_wait3A_317 : memref<80x128xf32, #tpu.memory_space<hbm>>) dst(%dma_wait3A_314 : memref<80x128xf32, #tpu.memory_space<vmem>>)
      %dma_wait3A_318 = arith.constant 2 : i32
      %dma_wait3A_319 = arith.constant 0 : i32
      %dma_wait3A_320 = tpu.memref_slice %arg3[%dma_wait3A_319] : memref<320000xi32, #tpu.memory_space<hbm>> -> memref<80xi32, #tpu.memory_space<hbm>>
      %dma_wait3A_321 = tpu.memref_slice %arg18[%dma_wait3A_318] : memref<4x!tpu.dma_semaphore, #tpu.memory_space<semaphore_mem>> -> memref<1x!tpu.dma_semaphore, #tpu.memory_space<semaphore_mem>>
      %dma_wait3A_322 = tpu.memref_squeeze %dma_wait3A_321 : memref<1x!tpu.dma_semaphore, #tpu.memory_space<semaphore_mem>> -> memref<!tpu.dma_semaphore, #tpu.memory_space<semaphore_mem>>
      %dma_wait3A_323 = arith.constant 0 : i32
      %dma_wait3A_324 = tpu.memref_slice %arg3[%dma_wait3A_323] : memref<320000xi32, #tpu.memory_space<hbm>> -> memref<80xi32, #tpu.memory_space<hbm>>
      tpu.wait_dma2 semaphore(%dma_wait3A_322 : memref<!tpu.dma_semaphore, #tpu.memory_space<semaphore_mem>>) src(%dma_wait3A_324 : memref<80xi32, #tpu.memory_space<hbm>>) dst(%arg13 : memref<80xi32, #tpu.memory_space<vmem>>)
      %dma_start3A_325 = arith.constant 2 : i32
      %dma_start3A_326 = arith.constant 2 : i32
      %dma_start3A_327 = arith.constant 0 : i32
      %dma_start3A_328 = arith.constant 0 : i32
      %dma_start3A_329 = tpu.memref_slice %arg15[%dma_start3A_325, %dma_start3A_327, %dma_start3A_328] : memref<4x80x128xf32, #tpu.memory_space<vmem>> -> memref<1x80x128xf32, #tpu.memory_space<vmem>>
      %dma_start3A_330 = tpu.memref_squeeze %dma_start3A_329 : memref<1x80x128xf32, #tpu.memory_space<vmem>> -> memref<80x128xf32, #tpu.memory_space<vmem>>
      %dma_start3A_331 = arith.constant 0 : i32
      %dma_start3A_332 = arith.constant 0 : i32
      %dma_start3A_333 = tpu.memref_slice %arg16[%dma_start3A_331, %dma_start3A_332] : memref<10000x128xf32, #tpu.memory_space<vmem_shared>> -> memref<10000x128xf32, #tpu.memory_space<vmem_shared>>
      %dma_start3A_334 = tpu.memref_slice %arg20[%dma_start3A_326] : memref<4x!tpu.dma_semaphore, #tpu.memory_space<semaphore_mem>> -> memref<1x!tpu.dma_semaphore, #tpu.memory_space<semaphore_mem>>
      %dma_start3A_335 = tpu.memref_squeeze %dma_start3A_334 : memref<1x!tpu.dma_semaphore, #tpu.memory_space<semaphore_mem>> -> memref<!tpu.dma_semaphore, #tpu.memory_space<semaphore_mem>>
      tpu.enqueue_indirect_dma source(%dma_start3A_330 : memref<80x128xf32, #tpu.memory_space<vmem>>) target(%dma_start3A_333 : memref<10000x128xf32, #tpu.memory_space<vmem_shared>>) offsets(%arg13 : memref<80xi32, #tpu.memory_space<vmem>>) semaphore(%dma_start3A_335 : memref<!tpu.dma_semaphore, #tpu.memory_space<semaphore_mem>>) {add = true}
      %dma_wait3A_336 = arith.constant 3 : i32
      %dma_wait3A_337 = arith.constant 3 : i32
      %dma_wait3A_338 = arith.constant 0 : i32
      %dma_wait3A_339 = arith.constant 0 : i32
      %dma_wait3A_340 = tpu.memref_slice %arg15[%dma_wait3A_336, %dma_wait3A_338, %dma_wait3A_339] : memref<4x80x128xf32, #tpu.memory_space<vmem>> -> memref<1x80x128xf32, #tpu.memory_space<vmem>>
      %dma_wait3A_341 = tpu.memref_squeeze %dma_wait3A_340 : memref<1x80x128xf32, #tpu.memory_space<vmem>> -> memref<80x128xf32, #tpu.memory_space<vmem>>
      %dma_wait3A_342 = arith.constant 0 : i32
      %dma_wait3A_343 = arith.constant 0 : i32
      %dma_wait3A_344 = tpu.memref_slice %arg2[%dma_wait3A_342, %dma_wait3A_343] : memref<10000x128xf32, #tpu.memory_space<hbm>> -> memref<80x128xf32, #tpu.memory_space<hbm>>
      %dma_wait3A_345 = tpu.memref_slice %arg19[%dma_wait3A_337] : memref<4x!tpu.dma_semaphore, #tpu.memory_space<semaphore_mem>> -> memref<1x!tpu.dma_semaphore, #tpu.memory_space<semaphore_mem>>
      %dma_wait3A_346 = tpu.memref_squeeze %dma_wait3A_345 : memref<1x!tpu.dma_semaphore, #tpu.memory_space<semaphore_mem>> -> memref<!tpu.dma_semaphore, #tpu.memory_space<semaphore_mem>>
      %dma_wait3A_347 = arith.constant 0 : i32
      %dma_wait3A_348 = arith.constant 0 : i32
      %dma_wait3A_349 = tpu.memref_slice %arg15[%dma_wait3A_336, %dma_wait3A_347, %dma_wait3A_348] : memref<4x80x128xf32, #tpu.memory_space<vmem>> -> memref<1x80x128xf32, #tpu.memory_space<vmem>>
      %dma_wait3A_350 = tpu.memref_squeeze %dma_wait3A_349 : memref<1x80x128xf32, #tpu.memory_space<vmem>> -> memref<80x128xf32, #tpu.memory_space<vmem>>
      %dma_wait3A_351 = arith.constant 0 : i32
      %dma_wait3A_352 = arith.constant 0 : i32
      %dma_wait3A_353 = tpu.memref_slice %arg2[%dma_wait3A_351, %dma_wait3A_352] : memref<10000x128xf32, #tpu.memory_space<hbm>> -> memref<80x128xf32, #tpu.memory_space<hbm>>
      tpu.wait_dma2 semaphore(%dma_wait3A_346 : memref<!tpu.dma_semaphore, #tpu.memory_space<semaphore_mem>>) src(%dma_wait3A_353 : memref<80x128xf32, #tpu.memory_space<hbm>>) dst(%dma_wait3A_350 : memref<80x128xf32, #tpu.memory_space<vmem>>)
      %dma_wait3A_354 = arith.constant 3 : i32
      %dma_wait3A_355 = arith.constant 0 : i32
      %dma_wait3A_356 = tpu.memref_slice %arg3[%dma_wait3A_355] : memref<320000xi32, #tpu.memory_space<hbm>> -> memref<80xi32, #tpu.memory_space<hbm>>
      %dma_wait3A_357 = tpu.memref_slice %arg18[%dma_wait3A_354] : memref<4x!tpu.dma_semaphore, #tpu.memory_space<semaphore_mem>> -> memref<1x!tpu.dma_semaphore, #tpu.memory_space<semaphore_mem>>
      %dma_wait3A_358 = tpu.memref_squeeze %dma_wait3A_357 : memref<1x!tpu.dma_semaphore, #tpu.memory_space<semaphore_mem>> -> memref<!tpu.dma_semaphore, #tpu.memory_space<semaphore_mem>>
      %dma_wait3A_359 = arith.constant 0 : i32
      %dma_wait3A_360 = tpu.memref_slice %arg3[%dma_wait3A_359] : memref<320000xi32, #tpu.memory_space<hbm>> -> memref<80xi32, #tpu.memory_space<hbm>>
      tpu.wait_dma2 semaphore(%dma_wait3A_358 : memref<!tpu.dma_semaphore, #tpu.memory_space<semaphore_mem>>) src(%dma_wait3A_360 : memref<80xi32, #tpu.memory_space<hbm>>) dst(%arg14 : memref<80xi32, #tpu.memory_space<vmem>>)
      %dma_start3A_361 = arith.constant 3 : i32
      %dma_start3A_362 = arith.constant 3 : i32
      %dma_start3A_363 = arith.constant 0 : i32
      %dma_start3A_364 = arith.constant 0 : i32
      %dma_start3A_365 = tpu.memref_slice %arg15[%dma_start3A_361, %dma_start3A_363, %dma_start3A_364] : memref<4x80x128xf32, #tpu.memory_space<vmem>> -> memref<1x80x128xf32, #tpu.memory_space<vmem>>
      %dma_start3A_366 = tpu.memref_squeeze %dma_start3A_365 : memref<1x80x128xf32, #tpu.memory_space<vmem>> -> memref<80x128xf32, #tpu.memory_space<vmem>>
      %dma_start3A_367 = arith.constant 0 : i32
      %dma_start3A_368 = arith.constant 0 : i32
      %dma_start3A_369 = tpu.memref_slice %arg16[%dma_start3A_367, %dma_start3A_368] : memref<10000x128xf32, #tpu.memory_space<vmem_shared>> -> memref<10000x128xf32, #tpu.memory_space<vmem_shared>>
      %dma_start3A_370 = tpu.memref_slice %arg20[%dma_start3A_362] : memref<4x!tpu.dma_semaphore, #tpu.memory_space<semaphore_mem>> -> memref<1x!tpu.dma_semaphore, #tpu.memory_space<semaphore_mem>>
      %dma_start3A_371 = tpu.memref_squeeze %dma_start3A_370 : memref<1x!tpu.dma_semaphore, #tpu.memory_space<semaphore_mem>> -> memref<!tpu.dma_semaphore, #tpu.memory_space<semaphore_mem>>
      tpu.enqueue_indirect_dma source(%dma_start3A_366 : memref<80x128xf32, #tpu.memory_space<vmem>>) target(%dma_start3A_369 : memref<10000x128xf32, #tpu.memory_space<vmem_shared>>) offsets(%arg14 : memref<80xi32, #tpu.memory_space<vmem>>) semaphore(%dma_start3A_371 : memref<!tpu.dma_semaphore, #tpu.memory_space<semaphore_mem>>) {add = true}
      %dma_wait3A_372 = arith.constant 0 : i32
      %dma_wait3A_373 = arith.constant 0 : i32
      %dma_wait3A_374 = arith.constant 0 : i32
      %dma_wait3A_375 = arith.constant 0 : i32
      %dma_wait3A_376 = tpu.memref_slice %arg15[%dma_wait3A_372, %dma_wait3A_374, %dma_wait3A_375] : memref<4x80x128xf32, #tpu.memory_space<vmem>> -> memref<1x80x128xf32, #tpu.memory_space<vmem>>
      %dma_wait3A_377 = tpu.memref_squeeze %dma_wait3A_376 : memref<1x80x128xf32, #tpu.memory_space<vmem>> -> memref<80x128xf32, #tpu.memory_space<vmem>>
      %dma_wait3A_378 = arith.constant 0 : i32
      %dma_wait3A_379 = arith.constant 0 : i32
      %dma_wait3A_380 = tpu.memref_slice %arg2[%dma_wait3A_378, %dma_wait3A_379] : memref<10000x128xf32, #tpu.memory_space<hbm>> -> memref<80x128xf32, #tpu.memory_space<hbm>>
      %dma_wait3A_381 = tpu.memref_slice %arg20[%dma_wait3A_373] : memref<4x!tpu.dma_semaphore, #tpu.memory_space<semaphore_mem>> -> memref<1x!tpu.dma_semaphore, #tpu.memory_space<semaphore_mem>>
      %dma_wait3A_382 = tpu.memref_squeeze %dma_wait3A_381 : memref<1x!tpu.dma_semaphore, #tpu.memory_space<semaphore_mem>> -> memref<!tpu.dma_semaphore, #tpu.memory_space<semaphore_mem>>
      %dma_wait3A_383 = arith.constant 0 : i32
      %dma_wait3A_384 = arith.constant 0 : i32
      %dma_wait3A_385 = tpu.memref_slice %arg15[%dma_wait3A_372, %dma_wait3A_383, %dma_wait3A_384] : memref<4x80x128xf32, #tpu.memory_space<vmem>> -> memref<1x80x128xf32, #tpu.memory_space<vmem>>
      %dma_wait3A_386 = tpu.memref_squeeze %dma_wait3A_385 : memref<1x80x128xf32, #tpu.memory_space<vmem>> -> memref<80x128xf32, #tpu.memory_space<vmem>>
      %dma_wait3A_387 = arith.constant 0 : i32
      %dma_wait3A_388 = arith.constant 0 : i32
      %dma_wait3A_389 = tpu.memref_slice %arg2[%dma_wait3A_387, %dma_wait3A_388] : memref<10000x128xf32, #tpu.memory_space<hbm>> -> memref<80x128xf32, #tpu.memory_space<hbm>>
      tpu.wait_dma2 semaphore(%dma_wait3A_382 : memref<!tpu.dma_semaphore, #tpu.memory_space<semaphore_mem>>) src(%dma_wait3A_389 : memref<80x128xf32, #tpu.memory_space<hbm>>) dst(%dma_wait3A_386 : memref<80x128xf32, #tpu.memory_space<vmem>>)
      %add3A_390 = arith.constant 0 : i32
      %add3A_391 = arith.addi %mul3A_155, %add3A_390 : i32
      %add3A_392 = arith.constant 4 : i32
      %add3A_393 = arith.addi %add3A_391, %add3A_392 : i32
      %jit3A = arith.constant 125 : i32
      %eq3A_394 = arith.constant 0 : i32
      %eq3A_395 = arith.cmpi eq, %jit3A, %eq3A_394 : i32
      %jit3A_396 = arith.constant 1 : i32
      %select_n3A = arith.select %eq3A_395, %jit3A_396, %jit3A : i32
      %rem3A = arith.remsi %add3A_393, %select_n3A : i32
      %ne3A = arith.constant 0 : i32
      %ne3A_397 = arith.cmpi ne, %rem3A, %ne3A : i32
      %lt3A = arith.constant 0 : i32
      %lt3A_398 = arith.cmpi slt, %rem3A, %lt3A : i32
      %lt3A_399 = arith.constant 0 : i32
      %lt3A_400 = arith.cmpi slt, %select_n3A, %lt3A_399 : i32
      %ne3A_401 = arith.xori %lt3A_398, %lt3A_400 : i1
      %and3A = arith.andi %ne3A_401, %ne3A_397 : i1
      %add3A_402 = arith.addi %rem3A, %select_n3A : i32
      %select_n3A_403 = arith.select %and3A, %add3A_402, %rem3A : i32
      %mul3A_404 = arith.constant 80 : i32
      %mul3A_405 = arith.muli %select_n3A_403, %mul3A_404 : i32
      %add3A_406 = arith.addi %mul3A_2, %mul3A_405 : i32
      %multiple_of3A_407 = tpu.assume_multiple %add3A_406, 8 : i32
      %dma_start3A_408 = arith.constant 0 : i32
      %dma_start3A_409 = tpu.memref_slice %arg3[%multiple_of3A_407] : memref<320000xi32, #tpu.memory_space<hbm>> -> memref<80xi32, #tpu.memory_space<hbm>>
      %dma_start3A_410 = tpu.memref_slice %arg17[%dma_start3A_408] : memref<4x!tpu.dma_semaphore, #tpu.memory_space<semaphore_mem>> -> memref<1x!tpu.dma_semaphore, #tpu.memory_space<semaphore_mem>>
      %dma_start3A_411 = tpu.memref_squeeze %dma_start3A_410 : memref<1x!tpu.dma_semaphore, #tpu.memory_space<semaphore_mem>> -> memref<!tpu.dma_semaphore, #tpu.memory_space<semaphore_mem>>
      %dma_start3A_412 = tpu.memref_slice %arg3[%multiple_of3A_407] : memref<320000xi32, #tpu.memory_space<hbm>> -> memref<80xi32, #tpu.memory_space<hbm>>
      tpu.enqueue_dma source(%dma_start3A_412 : memref<80xi32, #tpu.memory_space<hbm>>) target(%arg7 : memref<80xi32, #tpu.memory_space<vmem>>) target_semaphore(%dma_start3A_411 : memref<!tpu.dma_semaphore, #tpu.memory_space<semaphore_mem>>)
      %dma_start3A_413 = arith.constant 0 : i32
      %dma_start3A_414 = tpu.memref_slice %arg4[%multiple_of3A_407] : memref<320000xi32, #tpu.memory_space<hbm>> -> memref<80xi32, #tpu.memory_space<hbm>>
      %dma_start3A_415 = tpu.memref_slice %arg18[%dma_start3A_413] : memref<4x!tpu.dma_semaphore, #tpu.memory_space<semaphore_mem>> -> memref<1x!tpu.dma_semaphore, #tpu.memory_space<semaphore_mem>>
      %dma_start3A_416 = tpu.memref_squeeze %dma_start3A_415 : memref<1x!tpu.dma_semaphore, #tpu.memory_space<semaphore_mem>> -> memref<!tpu.dma_semaphore, #tpu.memory_space<semaphore_mem>>
      %dma_start3A_417 = tpu.memref_slice %arg4[%multiple_of3A_407] : memref<320000xi32, #tpu.memory_space<hbm>> -> memref<80xi32, #tpu.memory_space<hbm>>
      tpu.enqueue_dma source(%dma_start3A_417 : memref<80xi32, #tpu.memory_space<hbm>>) target(%arg11 : memref<80xi32, #tpu.memory_space<vmem>>) target_semaphore(%dma_start3A_416 : memref<!tpu.dma_semaphore, #tpu.memory_space<semaphore_mem>>)
      %dma_wait3A_418 = arith.constant 1 : i32
      %dma_wait3A_419 = arith.constant 1 : i32
      %dma_wait3A_420 = arith.constant 0 : i32
      %dma_wait3A_421 = arith.constant 0 : i32
      %dma_wait3A_422 = tpu.memref_slice %arg15[%dma_wait3A_418, %dma_wait3A_420, %dma_wait3A_421] : memref<4x80x128xf32, #tpu.memory_space<vmem>> -> memref<1x80x128xf32, #tpu.memory_space<vmem>>
      %dma_wait3A_423 = tpu.memref_squeeze %dma_wait3A_422 : memref<1x80x128xf32, #tpu.memory_space<vmem>> -> memref<80x128xf32, #tpu.memory_space<vmem>>
      %dma_wait3A_424 = arith.constant 0 : i32
      %dma_wait3A_425 = arith.constant 0 : i32
      %dma_wait3A_426 = tpu.memref_slice %arg2[%dma_wait3A_424, %dma_wait3A_425] : memref<10000x128xf32, #tpu.memory_space<hbm>> -> memref<80x128xf32, #tpu.memory_space<hbm>>
      %dma_wait3A_427 = tpu.memref_slice %arg20[%dma_wait3A_419] : memref<4x!tpu.dma_semaphore, #tpu.memory_space<semaphore_mem>> -> memref<1x!tpu.dma_semaphore, #tpu.memory_space<semaphore_mem>>
      %dma_wait3A_428 = tpu.memref_squeeze %dma_wait3A_427 : memref<1x!tpu.dma_semaphore, #tpu.memory_space<semaphore_mem>> -> memref<!tpu.dma_semaphore, #tpu.memory_space<semaphore_mem>>
      %dma_wait3A_429 = arith.constant 0 : i32
      %dma_wait3A_430 = arith.constant 0 : i32
      %dma_wait3A_431 = tpu.memref_slice %arg15[%dma_wait3A_418, %dma_wait3A_429, %dma_wait3A_430] : memref<4x80x128xf32, #tpu.memory_space<vmem>> -> memref<1x80x128xf32, #tpu.memory_space<vmem>>
      %dma_wait3A_432 = tpu.memref_squeeze %dma_wait3A_431 : memref<1x80x128xf32, #tpu.memory_space<vmem>> -> memref<80x128xf32, #tpu.memory_space<vmem>>
      %dma_wait3A_433 = arith.constant 0 : i32
      %dma_wait3A_434 = arith.constant 0 : i32
      %dma_wait3A_435 = tpu.memref_slice %arg2[%dma_wait3A_433, %dma_wait3A_434] : memref<10000x128xf32, #tpu.memory_space<hbm>> -> memref<80x128xf32, #tpu.memory_space<hbm>>
      tpu.wait_dma2 semaphore(%dma_wait3A_428 : memref<!tpu.dma_semaphore, #tpu.memory_space<semaphore_mem>>) src(%dma_wait3A_435 : memref<80x128xf32, #tpu.memory_space<hbm>>) dst(%dma_wait3A_432 : memref<80x128xf32, #tpu.memory_space<vmem>>)
      %add3A_436 = arith.constant 1 : i32
      %add3A_437 = arith.addi %mul3A_155, %add3A_436 : i32
      %add3A_438 = arith.constant 4 : i32
      %add3A_439 = arith.addi %add3A_437, %add3A_438 : i32
      %jit3A_440 = arith.constant 125 : i32
      %eq3A_441 = arith.constant 0 : i32
      %eq3A_442 = arith.cmpi eq, %jit3A_440, %eq3A_441 : i32
      %jit3A_443 = arith.constant 1 : i32
      %select_n3A_444 = arith.select %eq3A_442, %jit3A_443, %jit3A_440 : i32
      %rem3A_445 = arith.remsi %add3A_439, %select_n3A_444 : i32
      %ne3A_446 = arith.constant 0 : i32
      %ne3A_447 = arith.cmpi ne, %rem3A_445, %ne3A_446 : i32
      %lt3A_448 = arith.constant 0 : i32
      %lt3A_449 = arith.cmpi slt, %rem3A_445, %lt3A_448 : i32
      %lt3A_450 = arith.constant 0 : i32
      %lt3A_451 = arith.cmpi slt, %select_n3A_444, %lt3A_450 : i32
      %ne3A_452 = arith.xori %lt3A_449, %lt3A_451 : i1
      %and3A_453 = arith.andi %ne3A_452, %ne3A_447 : i1
      %add3A_454 = arith.addi %rem3A_445, %select_n3A_444 : i32
      %select_n3A_455 = arith.select %and3A_453, %add3A_454, %rem3A_445 : i32
      %mul3A_456 = arith.constant 80 : i32
      %mul3A_457 = arith.muli %select_n3A_455, %mul3A_456 : i32
      %add3A_458 = arith.addi %mul3A_2, %mul3A_457 : i32
      %multiple_of3A_459 = tpu.assume_multiple %add3A_458, 8 : i32
      %dma_start3A_460 = arith.constant 1 : i32
      %dma_start3A_461 = tpu.memref_slice %arg3[%multiple_of3A_459] : memref<320000xi32, #tpu.memory_space<hbm>> -> memref<80xi32, #tpu.memory_space<hbm>>
      %dma_start3A_462 = tpu.memref_slice %arg17[%dma_start3A_460] : memref<4x!tpu.dma_semaphore, #tpu.memory_space<semaphore_mem>> -> memref<1x!tpu.dma_semaphore, #tpu.memory_space<semaphore_mem>>
      %dma_start3A_463 = tpu.memref_squeeze %dma_start3A_462 : memref<1x!tpu.dma_semaphore, #tpu.memory_space<semaphore_mem>> -> memref<!tpu.dma_semaphore, #tpu.memory_space<semaphore_mem>>
      %dma_start3A_464 = tpu.memref_slice %arg3[%multiple_of3A_459] : memref<320000xi32, #tpu.memory_space<hbm>> -> memref<80xi32, #tpu.memory_space<hbm>>
      tpu.enqueue_dma source(%dma_start3A_464 : memref<80xi32, #tpu.memory_space<hbm>>) target(%arg8 : memref<80xi32, #tpu.memory_space<vmem>>) target_semaphore(%dma_start3A_463 : memref<!tpu.dma_semaphore, #tpu.memory_space<semaphore_mem>>)
      %dma_start3A_465 = arith.constant 1 : i32
      %dma_start3A_466 = tpu.memref_slice %arg4[%multiple_of3A_459] : memref<320000xi32, #tpu.memory_space<hbm>> -> memref<80xi32, #tpu.memory_space<hbm>>
      %dma_start3A_467 = tpu.memref_slice %arg18[%dma_start3A_465] : memref<4x!tpu.dma_semaphore, #tpu.memory_space<semaphore_mem>> -> memref<1x!tpu.dma_semaphore, #tpu.memory_space<semaphore_mem>>
      %dma_start3A_468 = tpu.memref_squeeze %dma_start3A_467 : memref<1x!tpu.dma_semaphore, #tpu.memory_space<semaphore_mem>> -> memref<!tpu.dma_semaphore, #tpu.memory_space<semaphore_mem>>
      %dma_start3A_469 = tpu.memref_slice %arg4[%multiple_of3A_459] : memref<320000xi32, #tpu.memory_space<hbm>> -> memref<80xi32, #tpu.memory_space<hbm>>
      tpu.enqueue_dma source(%dma_start3A_469 : memref<80xi32, #tpu.memory_space<hbm>>) target(%arg12 : memref<80xi32, #tpu.memory_space<vmem>>) target_semaphore(%dma_start3A_468 : memref<!tpu.dma_semaphore, #tpu.memory_space<semaphore_mem>>)
      %dma_wait3A_470 = arith.constant 2 : i32
      %dma_wait3A_471 = arith.constant 2 : i32
      %dma_wait3A_472 = arith.constant 0 : i32
      %dma_wait3A_473 = arith.constant 0 : i32
      %dma_wait3A_474 = tpu.memref_slice %arg15[%dma_wait3A_470, %dma_wait3A_472, %dma_wait3A_473] : memref<4x80x128xf32, #tpu.memory_space<vmem>> -> memref<1x80x128xf32, #tpu.memory_space<vmem>>
      %dma_wait3A_475 = tpu.memref_squeeze %dma_wait3A_474 : memref<1x80x128xf32, #tpu.memory_space<vmem>> -> memref<80x128xf32, #tpu.memory_space<vmem>>
      %dma_wait3A_476 = arith.constant 0 : i32
      %dma_wait3A_477 = arith.constant 0 : i32
      %dma_wait3A_478 = tpu.memref_slice %arg2[%dma_wait3A_476, %dma_wait3A_477] : memref<10000x128xf32, #tpu.memory_space<hbm>> -> memref<80x128xf32, #tpu.memory_space<hbm>>
      %dma_wait3A_479 = tpu.memref_slice %arg20[%dma_wait3A_471] : memref<4x!tpu.dma_semaphore, #tpu.memory_space<semaphore_mem>> -> memref<1x!tpu.dma_semaphore, #tpu.memory_space<semaphore_mem>>
      %dma_wait3A_480 = tpu.memref_squeeze %dma_wait3A_479 : memref<1x!tpu.dma_semaphore, #tpu.memory_space<semaphore_mem>> -> memref<!tpu.dma_semaphore, #tpu.memory_space<semaphore_mem>>
      %dma_wait3A_481 = arith.constant 0 : i32
      %dma_wait3A_482 = arith.constant 0 : i32
      %dma_wait3A_483 = tpu.memref_slice %arg15[%dma_wait3A_470, %dma_wait3A_481, %dma_wait3A_482] : memref<4x80x128xf32, #tpu.memory_space<vmem>> -> memref<1x80x128xf32, #tpu.memory_space<vmem>>
      %dma_wait3A_484 = tpu.memref_squeeze %dma_wait3A_483 : memref<1x80x128xf32, #tpu.memory_space<vmem>> -> memref<80x128xf32, #tpu.memory_space<vmem>>
      %dma_wait3A_485 = arith.constant 0 : i32
      %dma_wait3A_486 = arith.constant 0 : i32
      %dma_wait3A_487 = tpu.memref_slice %arg2[%dma_wait3A_485, %dma_wait3A_486] : memref<10000x128xf32, #tpu.memory_space<hbm>> -> memref<80x128xf32, #tpu.memory_space<hbm>>
      tpu.wait_dma2 semaphore(%dma_wait3A_480 : memref<!tpu.dma_semaphore, #tpu.memory_space<semaphore_mem>>) src(%dma_wait3A_487 : memref<80x128xf32, #tpu.memory_space<hbm>>) dst(%dma_wait3A_484 : memref<80x128xf32, #tpu.memory_space<vmem>>)
      %add3A_488 = arith.constant 2 : i32
      %add3A_489 = arith.addi %mul3A_155, %add3A_488 : i32
      %add3A_490 = arith.constant 4 : i32
      %add3A_491 = arith.addi %add3A_489, %add3A_490 : i32
      %jit3A_492 = arith.constant 125 : i32
      %eq3A_493 = arith.constant 0 : i32
      %eq3A_494 = arith.cmpi eq, %jit3A_492, %eq3A_493 : i32
      %jit3A_495 = arith.constant 1 : i32
      %select_n3A_496 = arith.select %eq3A_494, %jit3A_495, %jit3A_492 : i32
      %rem3A_497 = arith.remsi %add3A_491, %select_n3A_496 : i32
      %ne3A_498 = arith.constant 0 : i32
      %ne3A_499 = arith.cmpi ne, %rem3A_497, %ne3A_498 : i32
      %lt3A_500 = arith.constant 0 : i32
      %lt3A_501 = arith.cmpi slt, %rem3A_497, %lt3A_500 : i32
      %lt3A_502 = arith.constant 0 : i32
      %lt3A_503 = arith.cmpi slt, %select_n3A_496, %lt3A_502 : i32
      %ne3A_504 = arith.xori %lt3A_501, %lt3A_503 : i1
      %and3A_505 = arith.andi %ne3A_504, %ne3A_499 : i1
      %add3A_506 = arith.addi %rem3A_497, %select_n3A_496 : i32
      %select_n3A_507 = arith.select %and3A_505, %add3A_506, %rem3A_497 : i32
      %mul3A_508 = arith.constant 80 : i32
      %mul3A_509 = arith.muli %select_n3A_507, %mul3A_508 : i32
      %add3A_510 = arith.addi %mul3A_2, %mul3A_509 : i32
      %multiple_of3A_511 = tpu.assume_multiple %add3A_510, 8 : i32
      %dma_start3A_512 = arith.constant 2 : i32
      %dma_start3A_513 = tpu.memref_slice %arg3[%multiple_of3A_511] : memref<320000xi32, #tpu.memory_space<hbm>> -> memref<80xi32, #tpu.memory_space<hbm>>
      %dma_start3A_514 = tpu.memref_slice %arg17[%dma_start3A_512] : memref<4x!tpu.dma_semaphore, #tpu.memory_space<semaphore_mem>> -> memref<1x!tpu.dma_semaphore, #tpu.memory_space<semaphore_mem>>
      %dma_start3A_515 = tpu.memref_squeeze %dma_start3A_514 : memref<1x!tpu.dma_semaphore, #tpu.memory_space<semaphore_mem>> -> memref<!tpu.dma_semaphore, #tpu.memory_space<semaphore_mem>>
      %dma_start3A_516 = tpu.memref_slice %arg3[%multiple_of3A_511] : memref<320000xi32, #tpu.memory_space<hbm>> -> memref<80xi32, #tpu.memory_space<hbm>>
      tpu.enqueue_dma source(%dma_start3A_516 : memref<80xi32, #tpu.memory_space<hbm>>) target(%arg9 : memref<80xi32, #tpu.memory_space<vmem>>) target_semaphore(%dma_start3A_515 : memref<!tpu.dma_semaphore, #tpu.memory_space<semaphore_mem>>)
      %dma_start3A_517 = arith.constant 2 : i32
      %dma_start3A_518 = tpu.memref_slice %arg4[%multiple_of3A_511] : memref<320000xi32, #tpu.memory_space<hbm>> -> memref<80xi32, #tpu.memory_space<hbm>>
      %dma_start3A_519 = tpu.memref_slice %arg18[%dma_start3A_517] : memref<4x!tpu.dma_semaphore, #tpu.memory_space<semaphore_mem>> -> memref<1x!tpu.dma_semaphore, #tpu.memory_space<semaphore_mem>>
      %dma_start3A_520 = tpu.memref_squeeze %dma_start3A_519 : memref<1x!tpu.dma_semaphore, #tpu.memory_space<semaphore_mem>> -> memref<!tpu.dma_semaphore, #tpu.memory_space<semaphore_mem>>
      %dma_start3A_521 = tpu.memref_slice %arg4[%multiple_of3A_511] : memref<320000xi32, #tpu.memory_space<hbm>> -> memref<80xi32, #tpu.memory_space<hbm>>
      tpu.enqueue_dma source(%dma_start3A_521 : memref<80xi32, #tpu.memory_space<hbm>>) target(%arg13 : memref<80xi32, #tpu.memory_space<vmem>>) target_semaphore(%dma_start3A_520 : memref<!tpu.dma_semaphore, #tpu.memory_space<semaphore_mem>>)
      %dma_wait3A_522 = arith.constant 3 : i32
      %dma_wait3A_523 = arith.constant 3 : i32
      %dma_wait3A_524 = arith.constant 0 : i32
      %dma_wait3A_525 = arith.constant 0 : i32
      %dma_wait3A_526 = tpu.memref_slice %arg15[%dma_wait3A_522, %dma_wait3A_524, %dma_wait3A_525] : memref<4x80x128xf32, #tpu.memory_space<vmem>> -> memref<1x80x128xf32, #tpu.memory_space<vmem>>
      %dma_wait3A_527 = tpu.memref_squeeze %dma_wait3A_526 : memref<1x80x128xf32, #tpu.memory_space<vmem>> -> memref<80x128xf32, #tpu.memory_space<vmem>>
      %dma_wait3A_528 = arith.constant 0 : i32
      %dma_wait3A_529 = arith.constant 0 : i32
      %dma_wait3A_530 = tpu.memref_slice %arg2[%dma_wait3A_528, %dma_wait3A_529] : memref<10000x128xf32, #tpu.memory_space<hbm>> -> memref<80x128xf32, #tpu.memory_space<hbm>>
      %dma_wait3A_531 = tpu.memref_slice %arg20[%dma_wait3A_523] : memref<4x!tpu.dma_semaphore, #tpu.memory_space<semaphore_mem>> -> memref<1x!tpu.dma_semaphore, #tpu.memory_space<semaphore_mem>>
      %dma_wait3A_532 = tpu.memref_squeeze %dma_wait3A_531 : memref<1x!tpu.dma_semaphore, #tpu.memory_space<semaphore_mem>> -> memref<!tpu.dma_semaphore, #tpu.memory_space<semaphore_mem>>
      %dma_wait3A_533 = arith.constant 0 : i32
      %dma_wait3A_534 = arith.constant 0 : i32
      %dma_wait3A_535 = tpu.memref_slice %arg15[%dma_wait3A_522, %dma_wait3A_533, %dma_wait3A_534] : memref<4x80x128xf32, #tpu.memory_space<vmem>> -> memref<1x80x128xf32, #tpu.memory_space<vmem>>
      %dma_wait3A_536 = tpu.memref_squeeze %dma_wait3A_535 : memref<1x80x128xf32, #tpu.memory_space<vmem>> -> memref<80x128xf32, #tpu.memory_space<vmem>>
      %dma_wait3A_537 = arith.constant 0 : i32
      %dma_wait3A_538 = arith.constant 0 : i32
      %dma_wait3A_539 = tpu.memref_slice %arg2[%dma_wait3A_537, %dma_wait3A_538] : memref<10000x128xf32, #tpu.memory_space<hbm>> -> memref<80x128xf32, #tpu.memory_space<hbm>>
      tpu.wait_dma2 semaphore(%dma_wait3A_532 : memref<!tpu.dma_semaphore, #tpu.memory_space<semaphore_mem>>) src(%dma_wait3A_539 : memref<80x128xf32, #tpu.memory_space<hbm>>) dst(%dma_wait3A_536 : memref<80x128xf32, #tpu.memory_space<vmem>>)
      %add3A_540 = arith.constant 3 : i32
      %add3A_541 = arith.addi %mul3A_155, %add3A_540 : i32
      %add3A_542 = arith.constant 4 : i32
      %add3A_543 = arith.addi %add3A_541, %add3A_542 : i32
      %jit3A_544 = arith.constant 125 : i32
      %eq3A_545 = arith.constant 0 : i32
      %eq3A_546 = arith.cmpi eq, %jit3A_544, %eq3A_545 : i32
      %jit3A_547 = arith.constant 1 : i32
      %select_n3A_548 = arith.select %eq3A_546, %jit3A_547, %jit3A_544 : i32
      %rem3A_549 = arith.remsi %add3A_543, %select_n3A_548 : i32
      %ne3A_550 = arith.constant 0 : i32
      %ne3A_551 = arith.cmpi ne, %rem3A_549, %ne3A_550 : i32
      %lt3A_552 = arith.constant 0 : i32
      %lt3A_553 = arith.cmpi slt, %rem3A_549, %lt3A_552 : i32
      %lt3A_554 = arith.constant 0 : i32
      %lt3A_555 = arith.cmpi slt, %select_n3A_548, %lt3A_554 : i32
      %ne3A_556 = arith.xori %lt3A_553, %lt3A_555 : i1
      %and3A_557 = arith.andi %ne3A_556, %ne3A_551 : i1
      %add3A_558 = arith.addi %rem3A_549, %select_n3A_548 : i32
      %select_n3A_559 = arith.select %and3A_557, %add3A_558, %rem3A_549 : i32
      %mul3A_560 = arith.constant 80 : i32
      %mul3A_561 = arith.muli %select_n3A_559, %mul3A_560 : i32
      %add3A_562 = arith.addi %mul3A_2, %mul3A_561 : i32
      %multiple_of3A_563 = tpu.assume_multiple %add3A_562, 8 : i32
      %dma_start3A_564 = arith.constant 3 : i32
      %dma_start3A_565 = tpu.memref_slice %arg3[%multiple_of3A_563] : memref<320000xi32, #tpu.memory_space<hbm>> -> memref<80xi32, #tpu.memory_space<hbm>>
      %dma_start3A_566 = tpu.memref_slice %arg17[%dma_start3A_564] : memref<4x!tpu.dma_semaphore, #tpu.memory_space<semaphore_mem>> -> memref<1x!tpu.dma_semaphore, #tpu.memory_space<semaphore_mem>>
      %dma_start3A_567 = tpu.memref_squeeze %dma_start3A_566 : memref<1x!tpu.dma_semaphore, #tpu.memory_space<semaphore_mem>> -> memref<!tpu.dma_semaphore, #tpu.memory_space<semaphore_mem>>
      %dma_start3A_568 = tpu.memref_slice %arg3[%multiple_of3A_563] : memref<320000xi32, #tpu.memory_space<hbm>> -> memref<80xi32, #tpu.memory_space<hbm>>
      tpu.enqueue_dma source(%dma_start3A_568 : memref<80xi32, #tpu.memory_space<hbm>>) target(%arg10 : memref<80xi32, #tpu.memory_space<vmem>>) target_semaphore(%dma_start3A_567 : memref<!tpu.dma_semaphore, #tpu.memory_space<semaphore_mem>>)
      %dma_start3A_569 = arith.constant 3 : i32
      %dma_start3A_570 = tpu.memref_slice %arg4[%multiple_of3A_563] : memref<320000xi32, #tpu.memory_space<hbm>> -> memref<80xi32, #tpu.memory_space<hbm>>
      %dma_start3A_571 = tpu.memref_slice %arg18[%dma_start3A_569] : memref<4x!tpu.dma_semaphore, #tpu.memory_space<semaphore_mem>> -> memref<1x!tpu.dma_semaphore, #tpu.memory_space<semaphore_mem>>
      %dma_start3A_572 = tpu.memref_squeeze %dma_start3A_571 : memref<1x!tpu.dma_semaphore, #tpu.memory_space<semaphore_mem>> -> memref<!tpu.dma_semaphore, #tpu.memory_space<semaphore_mem>>
      %dma_start3A_573 = tpu.memref_slice %arg4[%multiple_of3A_563] : memref<320000xi32, #tpu.memory_space<hbm>> -> memref<80xi32, #tpu.memory_space<hbm>>
      tpu.enqueue_dma source(%dma_start3A_573 : memref<80xi32, #tpu.memory_space<hbm>>) target(%arg14 : memref<80xi32, #tpu.memory_space<vmem>>) target_semaphore(%dma_start3A_572 : memref<!tpu.dma_semaphore, #tpu.memory_space<semaphore_mem>>)
    }
    %scan3A_62 = arith.constant 31 : i32
    %dma_wait3A = arith.constant 0 : i32
    %dma_wait3A_63 = arith.constant 0 : i32
    %dma_wait3A_64 = tpu.memref_slice %arg3[%dma_wait3A_63] : memref<320000xi32, #tpu.memory_space<hbm>> -> memref<80xi32, #tpu.memory_space<hbm>>
    %dma_wait3A_65 = tpu.memref_slice %arg17[%dma_wait3A] : memref<4x!tpu.dma_semaphore, #tpu.memory_space<semaphore_mem>> -> memref<1x!tpu.dma_semaphore, #tpu.memory_space<semaphore_mem>>
    %dma_wait3A_66 = tpu.memref_squeeze %dma_wait3A_65 : memref<1x!tpu.dma_semaphore, #tpu.memory_space<semaphore_mem>> -> memref<!tpu.dma_semaphore, #tpu.memory_space<semaphore_mem>>
    %dma_wait3A_67 = arith.constant 0 : i32
    %dma_wait3A_68 = tpu.memref_slice %arg3[%dma_wait3A_67] : memref<320000xi32, #tpu.memory_space<hbm>> -> memref<80xi32, #tpu.memory_space<hbm>>
    tpu.wait_dma2 semaphore(%dma_wait3A_66 : memref<!tpu.dma_semaphore, #tpu.memory_space<semaphore_mem>>) src(%dma_wait3A_68 : memref<80xi32, #tpu.memory_space<hbm>>) dst(%arg7 : memref<80xi32, #tpu.memory_space<vmem>>)
    %dma_wait3A_69 = arith.constant 0 : i32
    %dma_wait3A_70 = arith.constant 0 : i32
    %dma_wait3A_71 = tpu.memref_slice %arg3[%dma_wait3A_70] : memref<320000xi32, #tpu.memory_space<hbm>> -> memref<80xi32, #tpu.memory_space<hbm>>
    %dma_wait3A_72 = tpu.memref_slice %arg18[%dma_wait3A_69] : memref<4x!tpu.dma_semaphore, #tpu.memory_space<semaphore_mem>> -> memref<1x!tpu.dma_semaphore, #tpu.memory_space<semaphore_mem>>
    %dma_wait3A_73 = tpu.memref_squeeze %dma_wait3A_72 : memref<1x!tpu.dma_semaphore, #tpu.memory_space<semaphore_mem>> -> memref<!tpu.dma_semaphore, #tpu.memory_space<semaphore_mem>>
    %dma_wait3A_74 = arith.constant 0 : i32
    %dma_wait3A_75 = tpu.memref_slice %arg3[%dma_wait3A_74] : memref<320000xi32, #tpu.memory_space<hbm>> -> memref<80xi32, #tpu.memory_space<hbm>>
    tpu.wait_dma2 semaphore(%dma_wait3A_73 : memref<!tpu.dma_semaphore, #tpu.memory_space<semaphore_mem>>) src(%dma_wait3A_75 : memref<80xi32, #tpu.memory_space<hbm>>) dst(%arg11 : memref<80xi32, #tpu.memory_space<vmem>>)
    %dma_start3A_76 = arith.constant 0 : i32
    %dma_start3A_77 = arith.constant 0 : i32
    %dma_start3A_78 = arith.constant 0 : i32
    %dma_start3A_79 = arith.constant 0 : i32
    %dma_start3A_80 = tpu.memref_slice %arg15[%dma_start3A_76, %dma_start3A_78, %dma_start3A_79] : memref<4x80x128xf32, #tpu.memory_space<vmem>> -> memref<1x80x128xf32, #tpu.memory_space<vmem>>
    %dma_start3A_81 = tpu.memref_squeeze %dma_start3A_80 : memref<1x80x128xf32, #tpu.memory_space<vmem>> -> memref<80x128xf32, #tpu.memory_space<vmem>>
    %dma_start3A_82 = arith.constant 0 : i32
    %dma_start3A_83 = arith.constant 0 : i32
    %dma_start3A_84 = tpu.memref_slice %arg2[%dma_start3A_82, %dma_start3A_83] : memref<10000x128xf32, #tpu.memory_space<hbm>> -> memref<10000x128xf32, #tpu.memory_space<hbm>>
    %dma_start3A_85 = tpu.memref_slice %arg19[%dma_start3A_77] : memref<4x!tpu.dma_semaphore, #tpu.memory_space<semaphore_mem>> -> memref<1x!tpu.dma_semaphore, #tpu.memory_space<semaphore_mem>>
    %dma_start3A_86 = tpu.memref_squeeze %dma_start3A_85 : memref<1x!tpu.dma_semaphore, #tpu.memory_space<semaphore_mem>> -> memref<!tpu.dma_semaphore, #tpu.memory_space<semaphore_mem>>
    tpu.enqueue_indirect_dma source(%dma_start3A_84 : memref<10000x128xf32, #tpu.memory_space<hbm>>) target(%dma_start3A_81 : memref<80x128xf32, #tpu.memory_space<vmem>>) offsets(%arg7 : memref<80xi32, #tpu.memory_space<vmem>>) semaphore(%dma_start3A_86 : memref<!tpu.dma_semaphore, #tpu.memory_space<semaphore_mem>>)
    %dma_wait3A_87 = arith.constant 1 : i32
    %dma_wait3A_88 = arith.constant 0 : i32
    %dma_wait3A_89 = tpu.memref_slice %arg3[%dma_wait3A_88] : memref<320000xi32, #tpu.memory_space<hbm>> -> memref<80xi32, #tpu.memory_space<hbm>>
    %dma_wait3A_90 = tpu.memref_slice %arg17[%dma_wait3A_87] : memref<4x!tpu.dma_semaphore, #tpu.memory_space<semaphore_mem>> -> memref<1x!tpu.dma_semaphore, #tpu.memory_space<semaphore_mem>>
    %dma_wait3A_91 = tpu.memref_squeeze %dma_wait3A_90 : memref<1x!tpu.dma_semaphore, #tpu.memory_space<semaphore_mem>> -> memref<!tpu.dma_semaphore, #tpu.memory_space<semaphore_mem>>
    %dma_wait3A_92 = arith.constant 0 : i32
    %dma_wait3A_93 = tpu.memref_slice %arg3[%dma_wait3A_92] : memref<320000xi32, #tpu.memory_space<hbm>> -> memref<80xi32, #tpu.memory_space<hbm>>
    tpu.wait_dma2 semaphore(%dma_wait3A_91 : memref<!tpu.dma_semaphore, #tpu.memory_space<semaphore_mem>>) src(%dma_wait3A_93 : memref<80xi32, #tpu.memory_space<hbm>>) dst(%arg8 : memref<80xi32, #tpu.memory_space<vmem>>)
    %dma_wait3A_94 = arith.constant 1 : i32
    %dma_wait3A_95 = arith.constant 0 : i32
    %dma_wait3A_96 = tpu.memref_slice %arg3[%dma_wait3A_95] : memref<320000xi32, #tpu.memory_space<hbm>> -> memref<80xi32, #tpu.memory_space<hbm>>
    %dma_wait3A_97 = tpu.memref_slice %arg18[%dma_wait3A_94] : memref<4x!tpu.dma_semaphore, #tpu.memory_space<semaphore_mem>> -> memref<1x!tpu.dma_semaphore, #tpu.memory_space<semaphore_mem>>
    %dma_wait3A_98 = tpu.memref_squeeze %dma_wait3A_97 : memref<1x!tpu.dma_semaphore, #tpu.memory_space<semaphore_mem>> -> memref<!tpu.dma_semaphore, #tpu.memory_space<semaphore_mem>>
    %dma_wait3A_99 = arith.constant 0 : i32
    %dma_wait3A_100 = tpu.memref_slice %arg3[%dma_wait3A_99] : memref<320000xi32, #tpu.memory_space<hbm>> -> memref<80xi32, #tpu.memory_space<hbm>>
    tpu.wait_dma2 semaphore(%dma_wait3A_98 : memref<!tpu.dma_semaphore, #tpu.memory_space<semaphore_mem>>) src(%dma_wait3A_100 : memref<80xi32, #tpu.memory_space<hbm>>) dst(%arg12 : memref<80xi32, #tpu.memory_space<vmem>>)
    %dma_wait3A_101 = arith.constant 2 : i32
    %dma_wait3A_102 = arith.constant 0 : i32
    %dma_wait3A_103 = tpu.memref_slice %arg3[%dma_wait3A_102] : memref<320000xi32, #tpu.memory_space<hbm>> -> memref<80xi32, #tpu.memory_space<hbm>>
    %dma_wait3A_104 = tpu.memref_slice %arg17[%dma_wait3A_101] : memref<4x!tpu.dma_semaphore, #tpu.memory_space<semaphore_mem>> -> memref<1x!tpu.dma_semaphore, #tpu.memory_space<semaphore_mem>>
    %dma_wait3A_105 = tpu.memref_squeeze %dma_wait3A_104 : memref<1x!tpu.dma_semaphore, #tpu.memory_space<semaphore_mem>> -> memref<!tpu.dma_semaphore, #tpu.memory_space<semaphore_mem>>
    %dma_wait3A_106 = arith.constant 0 : i32
    %dma_wait3A_107 = tpu.memref_slice %arg3[%dma_wait3A_106] : memref<320000xi32, #tpu.memory_space<hbm>> -> memref<80xi32, #tpu.memory_space<hbm>>
    tpu.wait_dma2 semaphore(%dma_wait3A_105 : memref<!tpu.dma_semaphore, #tpu.memory_space<semaphore_mem>>) src(%dma_wait3A_107 : memref<80xi32, #tpu.memory_space<hbm>>) dst(%arg9 : memref<80xi32, #tpu.memory_space<vmem>>)
    %dma_wait3A_108 = arith.constant 2 : i32
    %dma_wait3A_109 = arith.constant 0 : i32
    %dma_wait3A_110 = tpu.memref_slice %arg3[%dma_wait3A_109] : memref<320000xi32, #tpu.memory_space<hbm>> -> memref<80xi32, #tpu.memory_space<hbm>>
    %dma_wait3A_111 = tpu.memref_slice %arg18[%dma_wait3A_108] : memref<4x!tpu.dma_semaphore, #tpu.memory_space<semaphore_mem>> -> memref<1x!tpu.dma_semaphore, #tpu.memory_space<semaphore_mem>>
    %dma_wait3A_112 = tpu.memref_squeeze %dma_wait3A_111 : memref<1x!tpu.dma_semaphore, #tpu.memory_space<semaphore_mem>> -> memref<!tpu.dma_semaphore, #tpu.memory_space<semaphore_mem>>
    %dma_wait3A_113 = arith.constant 0 : i32
    %dma_wait3A_114 = tpu.memref_slice %arg3[%dma_wait3A_113] : memref<320000xi32, #tpu.memory_space<hbm>> -> memref<80xi32, #tpu.memory_space<hbm>>
    tpu.wait_dma2 semaphore(%dma_wait3A_112 : memref<!tpu.dma_semaphore, #tpu.memory_space<semaphore_mem>>) src(%dma_wait3A_114 : memref<80xi32, #tpu.memory_space<hbm>>) dst(%arg13 : memref<80xi32, #tpu.memory_space<vmem>>)
    %dma_wait3A_115 = arith.constant 3 : i32
    %dma_wait3A_116 = arith.constant 0 : i32
    %dma_wait3A_117 = tpu.memref_slice %arg3[%dma_wait3A_116] : memref<320000xi32, #tpu.memory_space<hbm>> -> memref<80xi32, #tpu.memory_space<hbm>>
    %dma_wait3A_118 = tpu.memref_slice %arg17[%dma_wait3A_115] : memref<4x!tpu.dma_semaphore, #tpu.memory_space<semaphore_mem>> -> memref<1x!tpu.dma_semaphore, #tpu.memory_space<semaphore_mem>>
    %dma_wait3A_119 = tpu.memref_squeeze %dma_wait3A_118 : memref<1x!tpu.dma_semaphore, #tpu.memory_space<semaphore_mem>> -> memref<!tpu.dma_semaphore, #tpu.memory_space<semaphore_mem>>
    %dma_wait3A_120 = arith.constant 0 : i32
    %dma_wait3A_121 = tpu.memref_slice %arg3[%dma_wait3A_120] : memref<320000xi32, #tpu.memory_space<hbm>> -> memref<80xi32, #tpu.memory_space<hbm>>
    tpu.wait_dma2 semaphore(%dma_wait3A_119 : memref<!tpu.dma_semaphore, #tpu.memory_space<semaphore_mem>>) src(%dma_wait3A_121 : memref<80xi32, #tpu.memory_space<hbm>>) dst(%arg10 : memref<80xi32, #tpu.memory_space<vmem>>)
    %dma_wait3A_122 = arith.constant 3 : i32
    %dma_wait3A_123 = arith.constant 0 : i32
    %dma_wait3A_124 = tpu.memref_slice %arg3[%dma_wait3A_123] : memref<320000xi32, #tpu.memory_space<hbm>> -> memref<80xi32, #tpu.memory_space<hbm>>
    %dma_wait3A_125 = tpu.memref_slice %arg18[%dma_wait3A_122] : memref<4x!tpu.dma_semaphore, #tpu.memory_space<semaphore_mem>> -> memref<1x!tpu.dma_semaphore, #tpu.memory_space<semaphore_mem>>
    %dma_wait3A_126 = tpu.memref_squeeze %dma_wait3A_125 : memref<1x!tpu.dma_semaphore, #tpu.memory_space<semaphore_mem>> -> memref<!tpu.dma_semaphore, #tpu.memory_space<semaphore_mem>>
    %dma_wait3A_127 = arith.constant 0 : i32
    %dma_wait3A_128 = tpu.memref_slice %arg3[%dma_wait3A_127] : memref<320000xi32, #tpu.memory_space<hbm>> -> memref<80xi32, #tpu.memory_space<hbm>>
    tpu.wait_dma2 semaphore(%dma_wait3A_126 : memref<!tpu.dma_semaphore, #tpu.memory_space<semaphore_mem>>) src(%dma_wait3A_128 : memref<80xi32, #tpu.memory_space<hbm>>) dst(%arg14 : memref<80xi32, #tpu.memory_space<vmem>>)
    %dma_wait3A_129 = arith.constant 0 : i32
    %dma_wait3A_130 = arith.constant 0 : i32
    %dma_wait3A_131 = arith.constant 0 : i32
    %dma_wait3A_132 = arith.constant 0 : i32
    %dma_wait3A_133 = tpu.memref_slice %arg15[%dma_wait3A_129, %dma_wait3A_131, %dma_wait3A_132] : memref<4x80x128xf32, #tpu.memory_space<vmem>> -> memref<1x80x128xf32, #tpu.memory_space<vmem>>
    %dma_wait3A_134 = tpu.memref_squeeze %dma_wait3A_133 : memref<1x80x128xf32, #tpu.memory_space<vmem>> -> memref<80x128xf32, #tpu.memory_space<vmem>>
    %dma_wait3A_135 = arith.constant 0 : i32
    %dma_wait3A_136 = arith.constant 0 : i32
    %dma_wait3A_137 = tpu.memref_slice %arg2[%dma_wait3A_135, %dma_wait3A_136] : memref<10000x128xf32, #tpu.memory_space<hbm>> -> memref<80x128xf32, #tpu.memory_space<hbm>>
    %dma_wait3A_138 = tpu.memref_slice %arg19[%dma_wait3A_130] : memref<4x!tpu.dma_semaphore, #tpu.memory_space<semaphore_mem>> -> memref<1x!tpu.dma_semaphore, #tpu.memory_space<semaphore_mem>>
    %dma_wait3A_139 = tpu.memref_squeeze %dma_wait3A_138 : memref<1x!tpu.dma_semaphore, #tpu.memory_space<semaphore_mem>> -> memref<!tpu.dma_semaphore, #tpu.memory_space<semaphore_mem>>
    %dma_wait3A_140 = arith.constant 0 : i32
    %dma_wait3A_141 = arith.constant 0 : i32
    %dma_wait3A_142 = tpu.memref_slice %arg15[%dma_wait3A_129, %dma_wait3A_140, %dma_wait3A_141] : memref<4x80x128xf32, #tpu.memory_space<vmem>> -> memref<1x80x128xf32, #tpu.memory_space<vmem>>
    %dma_wait3A_143 = tpu.memref_squeeze %dma_wait3A_142 : memref<1x80x128xf32, #tpu.memory_space<vmem>> -> memref<80x128xf32, #tpu.memory_space<vmem>>
    %dma_wait3A_144 = arith.constant 0 : i32
    %dma_wait3A_145 = arith.constant 0 : i32
    %dma_wait3A_146 = tpu.memref_slice %arg2[%dma_wait3A_144, %dma_wait3A_145] : memref<10000x128xf32, #tpu.memory_space<hbm>> -> memref<80x128xf32, #tpu.memory_space<hbm>>
    tpu.wait_dma2 semaphore(%dma_wait3A_139 : memref<!tpu.dma_semaphore, #tpu.memory_space<semaphore_mem>>) src(%dma_wait3A_146 : memref<80x128xf32, #tpu.memory_space<hbm>>) dst(%dma_wait3A_143 : memref<80x128xf32, #tpu.memory_space<vmem>>)
    %run_scoped3A = arith.constant 0 : i32
    "tpu.region"() ({
      %run_scoped3A_153 = tpu.sem_alloc : memref<!tpu.dma_semaphore, #tpu.memory_space<semaphore_mem>>
      %dma_start3A_154 = arith.constant 0 : i32
      %dma_start3A_155 = arith.constant 0 : i32
      %dma_start3A_156 = tpu.memref_slice %arg15[%run_scoped3A, %dma_start3A_154, %dma_start3A_155] : memref<4x80x128xf32, #tpu.memory_space<vmem>> -> memref<1x80x128xf32, #tpu.memory_space<vmem>>
      %dma_start3A_157 = tpu.memref_squeeze %dma_start3A_156 : memref<1x80x128xf32, #tpu.memory_space<vmem>> -> memref<80x128xf32, #tpu.memory_space<vmem>>
      %dma_start3A_158 = arith.constant 0 : i32
      %dma_start3A_159 = arith.constant 0 : i32
      %dma_start3A_160 = tpu.memref_slice %arg16[%dma_start3A_158, %dma_start3A_159] : memref<10000x128xf32, #tpu.memory_space<vmem_shared>> -> memref<10000x128xf32, #tpu.memory_space<vmem_shared>>
      tpu.enqueue_indirect_dma source(%dma_start3A_157 : memref<80x128xf32, #tpu.memory_space<vmem>>) target(%dma_start3A_160 : memref<10000x128xf32, #tpu.memory_space<vmem_shared>>) offsets(%arg11 : memref<80xi32, #tpu.memory_space<vmem>>) semaphore(%run_scoped3A_153 : memref<!tpu.dma_semaphore, #tpu.memory_space<semaphore_mem>>) {add = true}
      %dma_wait3A_161 = arith.constant 0 : i32
      %dma_wait3A_162 = arith.constant 0 : i32
      %dma_wait3A_163 = tpu.memref_slice %arg15[%run_scoped3A, %dma_wait3A_161, %dma_wait3A_162] : memref<4x80x128xf32, #tpu.memory_space<vmem>> -> memref<1x80x128xf32, #tpu.memory_space<vmem>>
      %dma_wait3A_164 = tpu.memref_squeeze %dma_wait3A_163 : memref<1x80x128xf32, #tpu.memory_space<vmem>> -> memref<80x128xf32, #tpu.memory_space<vmem>>
      %dma_wait3A_165 = arith.constant 0 : i32
      %dma_wait3A_166 = arith.constant 0 : i32
      %dma_wait3A_167 = tpu.memref_slice %arg16[%dma_wait3A_165, %dma_wait3A_166] : memref<10000x128xf32, #tpu.memory_space<vmem_shared>> -> memref<10000x128xf32, #tpu.memory_space<vmem_shared>>
      tpu.wait_indirect_dma semaphore(%run_scoped3A_153 : memref<!tpu.dma_semaphore, #tpu.memory_space<semaphore_mem>>) src(%dma_wait3A_164 : memref<80x128xf32, #tpu.memory_space<vmem>>) dst(%dma_wait3A_167 : memref<10000x128xf32, #tpu.memory_space<vmem_shared>>)
      tpu.yield
    }) : () -> ()
    %barrier3A_147 = arith.constant 0 : index
    tpu.barrier barrier_id(%barrier3A_147)
    "tpu.region"() ({
      %run_scoped3A_153 = tpu.sem_alloc : memref<!tpu.dma_semaphore, #tpu.memory_space<semaphore_mem>>
      %dma_start3A_154 = arith.constant 0 : i32
      %dma_start3A_155 = tpu.memref_slice %arg6[%arg0, %multiple_of3A, %dma_start3A_154] : memref<2x10000x128xf32, #tpu.memory_space<hbm>> -> memref<1x624x128xf32, #tpu.memory_space<hbm>>
      %dma_start3A_156 = tpu.memref_squeeze %dma_start3A_155 : memref<1x624x128xf32, #tpu.memory_space<hbm>> -> memref<624x128xf32, #tpu.memory_space<hbm>>
      %dma_start3A_157 = arith.constant 0 : i32
      %dma_start3A_158 = tpu.memref_slice %arg16[%multiple_of3A, %dma_start3A_157] : memref<10000x128xf32, #tpu.memory_space<vmem_shared>> -> memref<624x128xf32, #tpu.memory_space<vmem_shared>>
      tpu.enqueue_dma source(%dma_start3A_158 : memref<624x128xf32, #tpu.memory_space<vmem_shared>>) target(%dma_start3A_156 : memref<624x128xf32, #tpu.memory_space<hbm>>) target_semaphore(%run_scoped3A_153 : memref<!tpu.dma_semaphore, #tpu.memory_space<semaphore_mem>>)
      %dma_wait3A_159 = arith.constant 0 : i32
      %dma_wait3A_160 = tpu.memref_slice %arg6[%arg0, %multiple_of3A, %dma_wait3A_159] : memref<2x10000x128xf32, #tpu.memory_space<hbm>> -> memref<1x624x128xf32, #tpu.memory_space<hbm>>
      %dma_wait3A_161 = tpu.memref_squeeze %dma_wait3A_160 : memref<1x624x128xf32, #tpu.memory_space<hbm>> -> memref<624x128xf32, #tpu.memory_space<hbm>>
      %dma_wait3A_162 = arith.constant 0 : i32
      %dma_wait3A_163 = tpu.memref_slice %arg16[%multiple_of3A, %dma_wait3A_162] : memref<10000x128xf32, #tpu.memory_space<vmem_shared>> -> memref<624x128xf32, #tpu.memory_space<vmem_shared>>
      tpu.wait_dma2 semaphore(%run_scoped3A_153 : memref<!tpu.dma_semaphore, #tpu.memory_space<semaphore_mem>>) src(%dma_wait3A_163 : memref<624x128xf32, #tpu.memory_space<vmem_shared>>) dst(%dma_wait3A_161 : memref<624x128xf32, #tpu.memory_space<hbm>>)
      tpu.yield
    }) : () -> ()
    %eq3A_148 = arith.constant 0 : i32
    %eq3A_149 = arith.cmpi eq, %arg1, %eq3A_148 : i32
    %convert_element_type3A_150 = arith.extui %eq3A_149 : i1 to i32
    %cond3A_151 = arith.constant 0 : i32
    %cond3A_152 = arith.cmpi ne, %convert_element_type3A_150, %cond3A_151 : i32
    scf.if %cond3A_152 {
      "tpu.region"() ({
        %run_scoped3A_153 = tpu.sem_alloc : memref<!tpu.dma_semaphore, #tpu.memory_space<semaphore_mem>>
        %dma_start3A_154 = arith.constant 9984 : i32
        %dma_start3A_155 = arith.constant 0 : i32
        %dma_start3A_156 = tpu.memref_slice %arg6[%arg0, %dma_start3A_154, %dma_start3A_155] : memref<2x10000x128xf32, #tpu.memory_space<hbm>> -> memref<1x16x128xf32, #tpu.memory_space<hbm>>
        %dma_start3A_157 = tpu.memref_squeeze %dma_start3A_156 : memref<1x16x128xf32, #tpu.memory_space<hbm>> -> memref<16x128xf32, #tpu.memory_space<hbm>>
        %dma_start3A_158 = arith.constant 9984 : i32
        %dma_start3A_159 = arith.constant 0 : i32
        %dma_start3A_160 = tpu.memref_slice %arg16[%dma_start3A_158, %dma_start3A_159] : memref<10000x128xf32, #tpu.memory_space<vmem_shared>> -> memref<16x128xf32, #tpu.memory_space<vmem_shared>>
        tpu.enqueue_dma source(%dma_start3A_160 : memref<16x128xf32, #tpu.memory_space<vmem_shared>>) target(%dma_start3A_157 : memref<16x128xf32, #tpu.memory_space<hbm>>) target_semaphore(%run_scoped3A_153 : memref<!tpu.dma_semaphore, #tpu.memory_space<semaphore_mem>>)
        %dma_wait3A_161 = arith.constant 9984 : i32
        %dma_wait3A_162 = arith.constant 0 : i32
        %dma_wait3A_163 = tpu.memref_slice %arg6[%arg0, %dma_wait3A_161, %dma_wait3A_162] : memref<2x10000x128xf32, #tpu.memory_space<hbm>> -> memref<1x16x128xf32, #tpu.memory_space<hbm>>
        %dma_wait3A_164 = tpu.memref_squeeze %dma_wait3A_163 : memref<1x16x128xf32, #tpu.memory_space<hbm>> -> memref<16x128xf32, #tpu.memory_space<hbm>>
        %dma_wait3A_165 = arith.constant 9984 : i32
        %dma_wait3A_166 = arith.constant 0 : i32
        %dma_wait3A_167 = tpu.memref_slice %arg16[%dma_wait3A_165, %dma_wait3A_166] : memref<10000x128xf32, #tpu.memory_space<vmem_shared>> -> memref<16x128xf32, #tpu.memory_space<vmem_shared>>
        tpu.wait_dma2 semaphore(%run_scoped3A_153 : memref<!tpu.dma_semaphore, #tpu.memory_space<semaphore_mem>>) src(%dma_wait3A_167 : memref<16x128xf32, #tpu.memory_space<vmem_shared>>) dst(%dma_wait3A_164 : memref<16x128xf32, #tpu.memory_space<hbm>>)
        tpu.yield
      }) : () -> ()
    } else {
    }
    return
  }
}

module attributes {stable_mosaic.version = 14 : i64} {
  func.func @_linear_body(%arg0: i32, %arg1: memref<2000x128xf32, #tpu.memory_space<vmem>>, %arg2: memref<128x128xf32, #tpu.memory_space<vmem>>, %arg3: memref<1x128xf32, #tpu.memory_space<vmem>>, %arg4: memref<2000x128xf32, #tpu.memory_space<vmem>>) attributes {dimension_semantics = [#tpu.dimension_semantics<arbitrary>], iteration_bounds = array<i64: 5>, scalar_prefetch = 0 : i64, scratch_operands = 0 : i64, tpu.core_type = #tpu.core_type<tc>, window_params = [{transform_indices = @transform_0, window_bounds = array<i64: 2000, 128>}, {pipeline_mode = #tpu.pipeline_mode<synchronous>, transform_indices = @transform_1, window_bounds = array<i64: 128, 128>}, {pipeline_mode = #tpu.pipeline_mode<synchronous>, transform_indices = @transform_2, window_bounds = array<i64: 1, 128>}, {transform_indices = @transform_3, window_bounds = array<i64: 2000, 128>}]} {
    %get3A = arith.constant 0 : index
    %get3A_0 = arith.constant 0 : index
    %get3A_1 = vector.load %arg1[%get3A, %get3A_0] : memref<2000x128xf32, #tpu.memory_space<vmem>>, vector<2000x128xf32>
    %get3A_2 = arith.constant 0 : index
    %get3A_3 = arith.constant 0 : index
    %get3A_4 = vector.load %arg2[%get3A_2, %get3A_3] : memref<128x128xf32, #tpu.memory_space<vmem>>, vector<128x128xf32>
    %dot_general3A = arith.constant dense<0.000000e+00> : vector<2000x128xf32>
    %dot_general3A_5 = tpu.matmul %get3A_1, %get3A_4, %dot_general3A {dimension_numbers = #tpu.dot_dimension_numbers<[1], [1], [0], [0], [0, 0, 1, 0], [], []>, precision = #tpu.contract_precision<fp32>, transpose_lhs_hint = false} : vector<2000x128xf32>, vector<128x128xf32>, vector<2000x128xf32> -> vector<2000x128xf32>
    %get3A_6 = arith.constant 0 : index
    %get3A_7 = arith.constant 0 : index
    %get3A_8 = vector.load %arg3[%get3A_6, %get3A_7] : memref<1x128xf32, #tpu.memory_space<vmem>>, vector<1x128xf32>
    %add3A = vector.broadcast %get3A_8 : vector<1x128xf32> to vector<2000x128xf32>
    %add3A_9 = arith.addf %dot_general3A_5, %add3A : vector<2000x128xf32>
    %swap3A = arith.constant 0 : index
    %swap3A_10 = arith.constant 0 : index
    %swap3A_11 = vector.load %arg4[%swap3A, %swap3A_10] : memref<2000x128xf32, #tpu.memory_space<vmem>>, vector<2000x128xf32>
    tpu.vector_store %arg4[%swap3A, %swap3A_10], %add3A_9 {strides = array<i32>} : memref<2000x128xf32, #tpu.memory_space<vmem>>, vector<2000x128xf32>,
    return
  }
  func.func @transform_0(%arg0: i32) -> (i32, i32) {
    %c0_i32 = arith.constant 0 : i32
    %c0_i32_0 = arith.constant 0 : i32
    return %arg0, %c0_i32 : i32, i32
  }
  func.func @transform_1(%arg0: i32) -> (i32, i32) {
    %c0_i32 = arith.constant 0 : i32
    %c0_i32_0 = arith.constant 0 : i32
    %c0_i32_1 = arith.constant 0 : i32
    return %c0_i32, %c0_i32_0 : i32, i32
  }
  func.func @transform_2(%arg0: i32) -> (i32, i32) {
    %c0_i32 = arith.constant 0 : i32
    %c0_i32_0 = arith.constant 0 : i32
    %c0_i32_1 = arith.constant 0 : i32
    return %c0_i32, %c0_i32_0 : i32, i32
  }
  func.func @transform_3(%arg0: i32) -> (i32, i32) {
    %c0_i32 = arith.constant 0 : i32
    %c0_i32_0 = arith.constant 0 : i32
    return %arg0, %c0_i32 : i32, i32
  }
}

module attributes {stable_mosaic.version = 14 : i64} {
  func.func @_mid_body(%arg0: i32, %arg1: memref<2x2000x128xf32, #tpu.memory_space<vmem>>, %arg2: memref<2000x128xf32, #tpu.memory_space<vmem>>, %arg3: memref<128x128xf32, #tpu.memory_space<vmem>>, %arg4: memref<1x128xf32, #tpu.memory_space<vmem>>, %arg5: memref<2000x128xf32, #tpu.memory_space<vmem>>) attributes {dimension_semantics = [#tpu.dimension_semantics<arbitrary>], iteration_bounds = array<i64: 5>, scalar_prefetch = 0 : i64, scratch_operands = 0 : i64, tpu.core_type = #tpu.core_type<tc>, window_params = [{transform_indices = @transform_0, window_bounds = array<i64: 2, 2000, 128>}, {transform_indices = @transform_1, window_bounds = array<i64: 2000, 128>}, {pipeline_mode = #tpu.pipeline_mode<synchronous>, transform_indices = @transform_2, window_bounds = array<i64: 128, 128>}, {pipeline_mode = #tpu.pipeline_mode<synchronous>, transform_indices = @transform_3, window_bounds = array<i64: 1, 128>}, {transform_indices = @transform_4, window_bounds = array<i64: 2000, 128>}]} {
    %get3A = arith.constant 0 : index
    %get3A_0 = arith.constant 0 : index
    %get3A_1 = arith.constant 0 : index
    %get3A_2 = vector.load %arg1[%get3A, %get3A_0, %get3A_1] : memref<2x2000x128xf32, #tpu.memory_space<vmem>>, vector<1x2000x128xf32>
    %get3A_3 = vector.shape_cast %get3A_2 : vector<1x2000x128xf32> to vector<2000x128xf32>
    %get3A_4 = arith.constant 1 : index
    %get3A_5 = arith.constant 0 : index
    %get3A_6 = arith.constant 0 : index
    %get3A_7 = vector.load %arg1[%get3A_4, %get3A_5, %get3A_6] : memref<2x2000x128xf32, #tpu.memory_space<vmem>>, vector<1x2000x128xf32>
    %get3A_8 = vector.shape_cast %get3A_7 : vector<1x2000x128xf32> to vector<2000x128xf32>
    %add3A = arith.addf %get3A_3, %get3A_8 : vector<2000x128xf32>
    %get3A_9 = arith.constant 0 : index
    %get3A_10 = arith.constant 0 : index
    %get3A_11 = vector.load %arg2[%get3A_9, %get3A_10] : memref<2000x128xf32, #tpu.memory_space<vmem>>, vector<2000x128xf32>
    %add3A_12 = arith.addf %add3A, %get3A_11 : vector<2000x128xf32>
    %max3A = arith.constant 0.000000e+00 : f32
    %max3A_13 = vector.broadcast %max3A : f32 to vector<2000x128xf32>
    %max3A_14 = arith.maximumf %add3A_12, %max3A_13 : vector<2000x128xf32>
    %get3A_15 = arith.constant 0 : index
    %get3A_16 = arith.constant 0 : index
    %get3A_17 = vector.load %arg3[%get3A_15, %get3A_16] : memref<128x128xf32, #tpu.memory_space<vmem>>, vector<128x128xf32>
    %dot_general3A = arith.constant dense<0.000000e+00> : vector<2000x128xf32>
    %dot_general3A_18 = tpu.matmul %max3A_14, %get3A_17, %dot_general3A {dimension_numbers = #tpu.dot_dimension_numbers<[1], [1], [0], [0], [0, 0, 1, 0], [], []>, precision = #tpu.contract_precision<fp32>, transpose_lhs_hint = false} : vector<2000x128xf32>, vector<128x128xf32>, vector<2000x128xf32> -> vector<2000x128xf32>
    %get3A_19 = arith.constant 0 : index
    %get3A_20 = arith.constant 0 : index
    %get3A_21 = vector.load %arg4[%get3A_19, %get3A_20] : memref<1x128xf32, #tpu.memory_space<vmem>>, vector<1x128xf32>
    %add3A_22 = vector.broadcast %get3A_21 : vector<1x128xf32> to vector<2000x128xf32>
    %add3A_23 = arith.addf %dot_general3A_18, %add3A_22 : vector<2000x128xf32>
    %swap3A = arith.constant 0 : index
    %swap3A_24 = arith.constant 0 : index
    %swap3A_25 = vector.load %arg5[%swap3A, %swap3A_24] : memref<2000x128xf32, #tpu.memory_space<vmem>>, vector<2000x128xf32>
    tpu.vector_store %arg5[%swap3A, %swap3A_24], %add3A_23 {strides = array<i32>} : memref<2000x128xf32, #tpu.memory_space<vmem>>, vector<2000x128xf32>,
    return
  }
  func.func @transform_0(%arg0: i32) -> (i32, i32, i32) {
    %c0_i32 = arith.constant 0 : i32
    %c0_i32_0 = arith.constant 0 : i32
    %c0_i32_1 = arith.constant 0 : i32
    return %c0_i32, %arg0, %c0_i32_0 : i32, i32, i32
  }
  func.func @transform_1(%arg0: i32) -> (i32, i32) {
    %c0_i32 = arith.constant 0 : i32
    %c0_i32_0 = arith.constant 0 : i32
    return %arg0, %c0_i32 : i32, i32
  }
  func.func @transform_2(%arg0: i32) -> (i32, i32) {
    %c0_i32 = arith.constant 0 : i32
    %c0_i32_0 = arith.constant 0 : i32
    %c0_i32_1 = arith.constant 0 : i32
    return %c0_i32, %c0_i32_0 : i32, i32
  }
  func.func @transform_3(%arg0: i32) -> (i32, i32) {
    %c0_i32 = arith.constant 0 : i32
    %c0_i32_0 = arith.constant 0 : i32
    %c0_i32_1 = arith.constant 0 : i32
    return %c0_i32, %c0_i32_0 : i32, i32
  }
  func.func @transform_4(%arg0: i32) -> (i32, i32) {
    %c0_i32 = arith.constant 0 : i32
    %c0_i32_0 = arith.constant 0 : i32
    return %arg0, %c0_i32 : i32, i32
  }
}

module attributes {stable_mosaic.version = 14 : i64} {
  func.func @_final_body(%arg0: i32, %arg1: memref<2x2000x128xf32, #tpu.memory_space<vmem>>, %arg2: memref<2000x128xf32, #tpu.memory_space<vmem>>, %arg3: memref<2000x128xf32, #tpu.memory_space<vmem>>) attributes {dimension_semantics = [#tpu.dimension_semantics<arbitrary>], iteration_bounds = array<i64: 5>, scalar_prefetch = 0 : i64, scratch_operands = 0 : i64, tpu.core_type = #tpu.core_type<tc>, window_params = [{transform_indices = @transform_0, window_bounds = array<i64: 2, 2000, 128>}, {transform_indices = @transform_1, window_bounds = array<i64: 2000, 128>}, {transform_indices = @transform_2, window_bounds = array<i64: 2000, 128>}]} {
    %get3A = arith.constant 0 : index
    %get3A_0 = arith.constant 0 : index
    %get3A_1 = arith.constant 0 : index
    %get3A_2 = vector.load %arg1[%get3A, %get3A_0, %get3A_1] : memref<2x2000x128xf32, #tpu.memory_space<vmem>>, vector<1x2000x128xf32>
    %get3A_3 = vector.shape_cast %get3A_2 : vector<1x2000x128xf32> to vector<2000x128xf32>
    %get3A_4 = arith.constant 1 : index
    %get3A_5 = arith.constant 0 : index
    %get3A_6 = arith.constant 0 : index
    %get3A_7 = vector.load %arg1[%get3A_4, %get3A_5, %get3A_6] : memref<2x2000x128xf32, #tpu.memory_space<vmem>>, vector<1x2000x128xf32>
    %get3A_8 = vector.shape_cast %get3A_7 : vector<1x2000x128xf32> to vector<2000x128xf32>
    %add3A = arith.addf %get3A_3, %get3A_8 : vector<2000x128xf32>
    %get3A_9 = arith.constant 0 : index
    %get3A_10 = arith.constant 0 : index
    %get3A_11 = vector.load %arg2[%get3A_9, %get3A_10] : memref<2000x128xf32, #tpu.memory_space<vmem>>, vector<2000x128xf32>
    %add3A_12 = arith.addf %add3A, %get3A_11 : vector<2000x128xf32>
    %reduce_max3A = arith.constant dense<0xFF800000> : vector<2000xf32>
    %reduce_max3A_13 = vector.multi_reduction <maximumf>, %add3A_12, %reduce_max3A [1] : vector<2000x128xf32> to vector<2000xf32>
    %broadcast_in_dim3A = vector.shape_cast %reduce_max3A_13 : vector<2000xf32> to vector<2000x1xf32>
    %sub3A = vector.broadcast %broadcast_in_dim3A : vector<2000x1xf32> to vector<2000x128xf32>
    %sub3A_14 = arith.subf %add3A_12, %sub3A : vector<2000x128xf32>
    %exp3A = math.exp %sub3A_14 : vector<2000x128xf32>
    %reduce_sum3A = arith.constant dense<0.000000e+00> : vector<2000xf32>
    %reduce_sum3A_15 = vector.multi_reduction <add>, %exp3A, %reduce_sum3A [1] : vector<2000x128xf32> to vector<2000xf32>
    %broadcast_in_dim3A_16 = vector.shape_cast %reduce_sum3A_15 : vector<2000xf32> to vector<2000x1xf32>
    %log3A = math.log %broadcast_in_dim3A_16 : vector<2000x1xf32>
    %sub3A_17 = vector.broadcast %log3A : vector<2000x1xf32> to vector<2000x128xf32>
    %sub3A_18 = arith.subf %sub3A_14, %sub3A_17 : vector<2000x128xf32>
    %swap3A = arith.constant 0 : index
    %swap3A_19 = arith.constant 0 : index
    %swap3A_20 = vector.load %arg3[%swap3A, %swap3A_19] : memref<2000x128xf32, #tpu.memory_space<vmem>>, vector<2000x128xf32>
    tpu.vector_store %arg3[%swap3A, %swap3A_19], %sub3A_18 {strides = array<i32>} : memref<2000x128xf32, #tpu.memory_space<vmem>>, vector<2000x128xf32>,
    return
  }
  func.func @transform_0(%arg0: i32) -> (i32, i32, i32) {
    %c0_i32 = arith.constant 0 : i32
    %c0_i32_0 = arith.constant 0 : i32
    %c0_i32_1 = arith.constant 0 : i32
    return %c0_i32, %arg0, %c0_i32_0 : i32, i32, i32
  }
  func.func @transform_1(%arg0: i32) -> (i32, i32) {
    %c0_i32 = arith.constant 0 : i32
    %c0_i32_0 = arith.constant 0 : i32
    return %arg0, %c0_i32 : i32, i32
  }
  func.func @transform_2(%arg0: i32) -> (i32, i32) {
    %c0_i32 = arith.constant 0 : i32
    %c0_i32_0 = arith.constant 0 : i32
    return %arg0, %c0_i32 : i32, i32
  }
}

</mosaic_0001>

<sc_bundles>
// kernel: kernel.10.cloned.1.call-start
scs
__scs_entry_jumppad:
0x0: {  	(pc) =	sbr.rel $0x88, $3  }
0x1: {  	(tag) =	ssettag $0x0;
	lr =	simm.s32 $0x1  }
0x2: {  	[smem:$0x3F9B] =	sst lr;
	_ =	strace $0xD0000000  }
0x3: {  	_ = 	snop  }
0x4: {  	_ = 	snop  }
0x5: {  	_ = 	snop  }
0x6: {  	_ = 	snop  }
0x7: {  	_ = 	snop  }
__scs_overlays_trampoline_lowered:
0x8: {  	[smem:$0x3FAA] =	sst s0  }
0x9: {  	[smem:$0x3FAB] =	sst s1  }
0xa: {  	[smem:$0x3FAC] =	sst s2  }
0xb: {  	[smem:$0x3FAD] =	sst s3  }
0xc: {  	[smem:$0x3FAE] =	sst s4  }
0xd: {  	[smem:$0x3FAF] =	sst s5  }
0xe: {  	[smem:$0x3FB0] =	sst s6  }
0xf: {  	[smem:$0x3FB1] =	sst s7  }
0x10: {  	[smem:$0x3FB2] =	sst s8  }
0x11: {  	[smem:$0x3FB3] =	sst s9;
	s0 =	simm.s32 @!p0 $0x0  }
0x12: {  	s1 =	sld [smem:$0x3F99];
	s0 =	simm.s32 @p0 $0x1  }
0x13: {  	[smem:$0x3FB4] =	sst s0;
	s0 =	simm.s32 @!p1 $0x0  }
0x14: {  	s2 =	sld [smem:$0x3F98];
	s0 =	simm.s32 @p1 $0x1  }
0x15: {  	[smem:$0x3FB5] =	sst s0;
	s0 =	simm.s32 @!p2 $0x0  }
0x16: {  	s3 =	sld [smem:$0x3FDB];
	s0 =	simm.s32 @p2 $0x1  }
0x17: {  	s4 =	simm.s32 $0x1BF5;
	[smem:$0x3FB7] =	sst s0  }
0x18: {  	s0 =	sld [smem:$0x3F9A];
	_ =	swait.ge [sflag:s4], $0x0  }
0x19: {  	s7 =	sld [smem:$0x3F9B]  }
0x1a: {  	s8 =	sadd.s32 $0xFFFFE003, lr  }
0x1b: {  	s9 =	sadd.s32 $0xFFFFFEF7, lr;
	s5 =	simm.s32 $0xFFFFFFFF;
	p2 =	slt.u32 s8, $0xFFFFF086  }
0x1c: {  	p1 =	slt.u32 s9, $0xF7A;
	s5 =	simm.s32 @!p2 $0x0  }
0x1d: {  	s5 =	simm.s32 @p1 $0x1;
	p0 =	seq.s32 s7, s2  }
0x1e: {  	s7 =	smul.u32 @!p0 $0xF7A, s2;
	p2 =	seq.s32 @!p0 s5, $0x0  }
0x1f: {  	s9 =	smul.u32 $0xF7A, s1;
	s8 =	simm.s32 @!p0 $0x1BF5;
	p2 =	por !p2, p0  }
0x20: {  	[sflag:s8] =	ssyncset.s32 @!p0 $0xFFFFF086;
	s6 =	sadd.s32 @!p0 s3, s7;
	s7 =	simm.s32 @!p0 $0x108  }
0x21: {  	s3 =	sadd.s32 s3, s9;
	s6 =	sadd.s32 @!p0 $0x88, s6;
	s7 =	simm.s32 @p2 $0x1082  }
0x22: {  	[simem:s7], [sflag:s8] =	dma.local @!p0 [hbm:s6], $0xF7A  }
0x23: {  	s9 =	sor.u32 $0xD0000000, s2;
	s6 =	simm.s32 $0x108;
	_ =	swait.ge @!p0 [sflag:s8], $0x0  }
0x24: {  	s3 =	sadd.s32 $0x88, s3;
	s6 =	simm.s32 @!p1 $0x1082;
	[sflag:s4] =	ssyncset.s32 $0xFFFFF086  }
0x25: {  	[simem:s6], [sflag:s4] =	dma.local [hbm:s3], $0xF7A  }
0x26: {  	[smem:$0x3F9B] =	sst s1;
	(tag) =	ssettag s2;
	_ =	strace s9  }
0x27: {  	s1 =	sld [smem:$0x3FAB]  }
0x28: {  	s2 =	sld [smem:$0x3FAC]  }
0x29: {  	s4 =	sld [smem:$0x3FAE]  }
0x2a: {  	p0 =	seq.s32 s5, $0x0;
	s5 =	sld [smem:$0x3FAF]  }
0x2b: {  	s6 =	sld [smem:$0x3FB0]  }
0x2c: {  	s7 =	sld [smem:$0x3FB1]  }
0x2d: {  	s3 =	simm.s32 $0x108;
	s8 =	sld [smem:$0x3FB2]  }
0x2e: {  	s3 =	simm.s32 @!p0 $0x1082;
	s9 =	sld [smem:$0x3FB3]  }
0x2f: {  	lr =	sadd.s32 s0, s3;
	s0 =	sld [smem:$0x3FAA]  }
0x30: {  	s3 =	sld [smem:$0x3FAD]  }
0x31: {  	[smem:$0x3FB6] =	sst s10  }
0x32: {  	s10 =	sld [smem:$0x3FB4];
	_ =	sdelay $0x3  }
0x33: {  	p0 =	seq.s32 s10, $0x1;
	s10 =	sld [smem:$0x3FB6];
	_ =	sdelay $0x3  }
0x34: {  	[smem:$0x3FB6] =	sst s10  }
0x35: {  	s10 =	sld [smem:$0x3FB5];
	_ =	sdelay $0x3  }
0x36: {  	p1 =	seq.s32 s10, $0x1;
	s10 =	sld [smem:$0x3FB6];
	_ =	sdelay $0x3  }
0x37: {  	[smem:$0x3FB6] =	sst s10  }
0x38: {  	s10 =	sld [smem:$0x3FB7]  }
0x39: {  	_ = 	snop;
	(pc) =	sbr.ind lr, $3  }
0x3a: {  	_ = 	snop  }
0x3b: {  	_ = 	snop  }
0x3c: {  	p2 =	seq.s32 s10, $0x1;
	s10 =	sld [smem:$0x3FB6]  }
0x3d: {  	_ =	shalt  }
0x3e: {  	_ =	shalt  }
0x3f: {  	_ =	shalt  }
0x40: {  	_ =	shalt  }
0x41: {  	_ =	shalt  }
0x42: {  	_ =	shalt  }
0x43: {  	_ =	shalt  }
0x44: {  	_ =	shalt  }
0x45: {  	_ =	shalt  }
0x46: {  	_ =	shalt  }
0x47: {  	_ =	shalt  }
0x48: {  	_ =	shalt  }
0x49: {  	_ =	shalt  }
0x4a: {  	_ =	shalt  }
0x4b: {  	_ =	shalt  }
0x4c: {  	_ =	shalt  }
0x4d: {  	_ =	shalt  }
0x4e: {  	_ =	shalt  }
0x4f: {  	_ =	shalt  }
0x50: {  	_ =	shalt  }
0x51: {  	_ =	shalt  }
0x52: {  	_ =	shalt  }
0x53: {  	_ =	shalt  }
0x54: {  	_ =	shalt  }
0x55: {  	_ =	shalt  }
0x56: {  	_ =	shalt  }
0x57: {  	_ =	shalt  }
0x58: {  	_ =	shalt  }
0x59: {  	_ =	shalt  }
0x5a: {  	_ =	shalt  }
0x5b: {  	_ =	shalt  }
0x5c: {  	_ =	shalt  }
0x5d: {  	_ =	shalt  }
0x5e: {  	_ =	shalt  }
0x5f: {  	_ =	shalt  }
0x60: {  	_ =	shalt  }
0x61: {  	_ =	shalt  }
0x62: {  	_ =	shalt  }
0x63: {  	_ =	shalt  }
0x64: {  	_ =	shalt  }
0x65: {  	_ =	shalt  }
0x66: {  	_ =	shalt  }
0x67: {  	_ =	shalt  }
0x68: {  	_ =	shalt  }
0x69: {  	_ =	shalt  }
0x6a: {  	_ =	shalt  }
0x6b: {  	_ =	shalt  }
0x6c: {  	_ =	shalt  }
0x6d: {  	_ =	shalt  }
0x6e: {  	_ =	shalt  }
0x6f: {  	_ =	shalt  }
0x70: {  	_ =	shalt  }
0x71: {  	_ =	shalt  }
0x72: {  	_ =	shalt  }
0x73: {  	_ =	shalt  }
0x74: {  	_ =	shalt  }
0x75: {  	_ =	shalt  }
0x76: {  	_ =	shalt  }
0x77: {  	_ =	shalt  }
0x78: {  	_ =	shalt  }
0x79: {  	_ =	shalt  }
0x7a: {  	_ =	shalt  }
0x7b: {  	_ =	shalt  }
0x7c: {  	_ =	shalt  }
0x7d: {  	_ =	shalt  }
0x7e: {  	_ =	shalt  }
0x7f: {  	_ =	shalt  }
0x80: {  	_ =	shalt  }
0x81: {  	_ =	shalt  }
0x82: {  	_ =	shalt  }
0x83: {  	_ =	shalt  }
0x84: {  	_ =	shalt  }
0x85: {  	_ =	shalt  }
0x86: {  	_ =	shalt  }
0x87: {  	_ =	shalt  }
.Lfunc_end0:
.L_simem_size_0:
called_computation.1_lowered:
.L_overlay_start_0:
0x88: {  	s2 =	sld [smem:$0x3FD9]  }
0x89: {  	s3 =	sld [smem:$0x3FFE];
	_ =	sdelay $0x1  }
0x8a: {  	s1 =	srdreg.scid  }
0x8b: {  	s0 =	sand.u32 $0x1, s1  }
0x8c: {  	s17 =	sshll.u32 s0, $0xA;
	s2 =	sadd.s32 s3, s2  }
0x8d: {  	s2 =	sadd.s32 s2, s17  }
0x8e: {  	[smem:$0x3FC2] =	sst s2  }
0x8f: {  	_ = 	snop  }
0x90: {  	s2 =	sld [smem:$0x3FD0];
	(tm) =	ssettm $0x1  }
0x91: {  	s18 =	sld [smem:$0x3FFB];
	_ =	sdelay $0x3  }
0x92: {  	_ =	strace s18  }
0x93: {  	s3 =	sld [smem:$0x3FFC];
	_ =	sdelay $0x3  }
0x94: {  	_ =	strace s3  }
0x95: {  	s3 =	sld [smem:$0x3FFD];
	_ =	sdelay $0x3  }
0x96: {  	_ =	strace s3  }
0x97: {  	_ =	strace $0x8FFFFFFF  }
0x98: {  	s19 =	sld [smem:$0x3FDB];
	_ =	sdelay $0x1  }
0x99: {  	s4 =	simm.s32 $_scs_section_size  }
0x9a: {  	s5 =	simm.s32 $_size__tile_overlayer_lowered;
	s6 =	simm.s32 $_tile_overlayer_lowered  }
0x9b: {  	s22 =	simm.s32 $0x1BFF;
	s21 =	sshll.u32 s6, $0x1;
	s3 =	sadd.s32 s4, s19  }
0x9c: {  	s7 =	simm.s32 $0x0;
	s20 =	sshll.u32 s5, $0x1;
	s5 =	sadd.s32 s21, s3  }
0x9d: {  	[timem:s7], [sflag:s22] =	dma.local [hbm:s5], s20  }
0x9e: {  	_ =	swait.ge [sflag:s22], s20  }
0x9f: {  	s4 =	ssub.s32 $0x0, s20;
	[sflag:s22] =	ssyncset.done $0x0  }
0xa0: {  	[sflag:s22] =	ssyncadd.s32 s4;
	_ =	sdelay $0x1  }
0xa1: {  	s23 =	simm.s32 $0x1B8B  }
0xa2: {  	_ =	swait.ge [sflag:s23], $0x1  }
0xa3: {  	[sflag:s23] =	ssyncset.done $0x0  }
0xa4: {  	s25 =	simm.s32 $0x1B8E;
	s24 =	sld [smem:$0x3FFE];
	[sflag:s23] =	ssyncadd.s32 $0xFFFFFFFF  }
0xa5: {  	s26 =	simm.s32 $execute0_lowered;
	[smem:$0x3FD2] =	sst s25  }
0xa6: {  	s5 =	sshll.u32 s26, $0x1;
	_ =	strace $0x80000049;
	[dreg:$0x1] =	wrdreg $0xFFFFFFFF  }
0xa7: {  	s28 =	simm.s32 $_size_execute0_lowered;
	s3 =	sadd.s32 s3, s5;
	[dreg:$0x0] =	wrdreg $0x0  }
0xa8: {  	s5 =	sshll.u32 s28, $0x1;
	[dreg:$0x2] =	wrdreg s3  }
0xa9: {  	[dreg:$0x3] =	wrdreg s5  }
0xaa: {  	[dreg:$0x4] =	wrdreg $0xC0  }
0xab: {  	_ =	task [dreg:s7], $0x5FFFF  }
0xac: {  	[dreg:$0x1] =	wrdreg $0xFFFFFFFF  }
0xad: {  	[dreg:$0x0] =	wrdreg $0x60  }
0xae: {  	[dreg:$0x2] =	wrdreg s2  }
0xaf: {  	[dreg:$0x3] =	wrdreg s24  }
0xb0: {  	[dreg:$0x4] =	wrdreg $0xA4000  }
0xb1: {  	[dreg:$0x5] =	wrdreg $0x9  }
0xb2: {  	_ =	task.clear_ibuf [dreg:s7], $0x6FFFF;
	_ =	strace $0x90000049  }
0xb3: {  	s29 =	simm.s32 $0x9;
	_ =	strace $0x8000004B  }
0xb4: {  	_ =	swait.ge [sflag:s29], $0x1  }
0xb5: {  	[sflag:s29] =	ssyncadd.s32 $0xFFFFFFFF  }
0xb6: {  	_ =	strace $0x9000004B  }
0xb7: {  	_ =	sfence  }
0xb8: {  	s30 =	sld [smem:$0x0];
	_ =	sdelay $0x2  }
0xb9: {  	s31 =	sshll.u32 s1, $0xD;
	s1 =	sshrl.u32 s1, $0x2  }
0xba: {  	s3 =	sand.u32 $0x4000, s31;
	s1 =	sadd.s32 s1, s30  }
0xbb: {  	s0 =	sor.u32 s3, s0;
	s1 =	sshll.u32 s1, $0x11  }
0xbc: {  	s0 =	sor.u32 s1, s0  }
0xbd: {  	s0 =	sadd.s32 $0x8F2B, s0  }
0xbe: {  	[sflag:s0] =	ssyncadd.remote.s32 $0x1  }
0xbf: {  	_ =	sfence.sel $0xFFFF  }
0xc0: {  	[dreg:$0x0] =	wrdreg $0xFFFFFFFF;
	(pc) =	sbr.abs _section_cstart, $3  }
0xc1: {  	[dreg:$0x1] =	wrdreg $0xFFFFFFFF  }
0xc2: {  	_ =	task.clear_ibuf [dreg:s7], $0x2FFFF;
	_ =	strace $0x9FFFFFFF  }
0xc3: {  	(tm) =	ssettm $0x7FFFFFFF  }
tec
execute0_lowered:
.L_overlay_start_1:
0x0: {  	(tag) =	ssettag $0x1  }
0x1: {  	s1 =	rddreg [dreg:$0x0]  }
0x2: {  	s0 =	rddreg [dreg:$0x1]  }
0x3: {  	s2 =	rddreg [dreg:$0x2];
	s3 =	simm.s32 $0x0  }
0x4: {  	s7 =	stileid.u32;
	s6 =	srdreg.scid;
	s29 =	simm.s32 $0x11  }
0x5: {  	s31 =	simm.s32 $0x280;
	[smem:$0x7FF] =	sst s3;
	s8 =	smul.u32 $0x13800, s7  }
0x6: {  	s4 =	sadd.s32 $0xB400, s0;
	s5 =	sadd.s32 $0x1600, s0;
	s10 =	sand.u32 $0x1, s6  }
0x7: {  	s11 =	smul.u32 $0x4E000, s7;
	s12 =	sadd.s32 $0x3C400, s0;
	s26 =	sshll.u32 s7, $0x6  }
0x8: {  	p0 =	sne.s32 s7, $0x0;
	_ =	strace $0x8000004A;
	s6 =	sshll.u32 s10, $0x4  }
0x9: {  	s13 =	ssub.s32 $0x2, s10;
	s28 =	sor.u32 $0x1C11, s26;
	s18 =	smul.u32 $0x27100, s10  }
0xa: {  	s22 =	smul.u32 $0x138800, s10;
	s9 =	sshrl.u32 s8, $0x3;
	s6 =	sor.u32 s7, s6  }
0xb: {  	s14 =	sshrl.u32 s13, $0x1;
	s11 =	sshrl.u32 s11, $0x2;
	[dreg:$0x7] =	wrdreg s28  }
0xc: {  	s9 =	sadd.s32 s9, s0;
	s6 =	smul.u32 $0x2710, s6;
	s11 =	sadd.s32 s11, s2  }
0xd: {  	s13 =	ssub.s32 s13, s14;
	s14 =	sadd.s32 $0x138000, s2;
	[dreg:$0x5] =	wrdreg s11  }
0xe: {  	s0 =	sadd.s32 $0x3C200, s0;
	s8 =	sadd.s32 s8, s22;
	[dreg:$0x8] =	wrdreg s14  }
0xf: {  	s9 =	sadd.s32 $0x15200, s9;
	[dreg:$0x9] =	wrdreg s0;
	s8 =	sshrl.u32 s8, $0x3  }
0x10: {  	[dreg:$0x6] =	wrdreg s9;
	s30 =	sshrl.u32 s6, $0x3;
	s8 =	sadd.s32 s12, s8  }
0x11: {  	s15 =	sadd.s32 s4, s30;
	s16 =	sadd.s32 s5, s30;
	[dreg:$0x12] =	wrdreg s8  }
0x12: {  	s17 =	sadd.s32 $0xA, s30;
	s20 =	sadd.s32 $0x14, s30;
	[dreg:$0xa] =	wrdreg s15  }
0x13: {  	s9 =	sadd.s32 $0x1E, s30;
	s30 =	smax.u32 s13, $0x1;
	[dreg:$0xb] =	wrdreg s16  }
0x14: {  	s10 =	simm.s32 $0x300;
	s19 =	sadd.s32 s4, s17;
	[dreg:$0x14] =	wrdreg s30  }
0x15: {  	s13 =	simm.s32 $0x0;
	s0 =	sadd.s32 s5, s17;
	[dreg:$0xc] =	wrdreg s19  }
0x16: {  	s15 =	smul.u32 $0x2710, s7;
	s21 =	sadd.s32 s4, s20;
	[dreg:$0xd] =	wrdreg s0  }
0x17: {  	s23 =	sadd.s32 s5, s20;
	s25 =	sadd.s32 s4, s9;
	[dreg:$0xe] =	wrdreg s21  }
0x18: {  	s9 =	sadd.s32 s5, s9;
	s7 =	simm.s32 $0x50;
	[dreg:$0xf] =	wrdreg s23  }
0x19: {  	s16 =	simm.s32 $0x2C00;
	s17 =	simm.s32 $0x5400;
	[dreg:$0x10] =	wrdreg s25  }
0x1a: {  	s20 =	simm.s32 $0xB;
	s0 =	sshrl.u32 s22, $0x3;
	[dreg:$0x11] =	wrdreg s9  }
0x1b: {  	s19 =	simm.s32 $0xA;
	s21 =	simm.s32 $0x7;
	s22 =	simm.s32 $0xC  }
0x1c: {  	s9 =	simm.s32 $0x8;
	s23 =	simm.s32 $0xD;
	s25 =	simm.s32 $0xF  }
0x1d: {  	s24 =	sadd.s32 s15, s18;
	s0 =	sadd.s32 s12, s0;
	s15 =	simm.s32 $0x80  }
0x1e: {  	s12 =	simm.s32 $0x180;
	s18 =	simm.s32 $0x7C00;
	s0 =	sadd.s32 $0x27000, s0  }
0x1f: {  	s26 =	sadd.s32 $0x140, s24;
	s24 =	simm.s32 $0xE;
	[dreg:$0x13] =	wrdreg s0  }
0x20: {  	[dreg:$0x4] =	wrdreg s26;
	s0 =	simm.s32 $0x100;
	s26 =	simm.s32 $0x10  }
.LBB2_1:
0x21: {  	[dreg:$0x15] =	wrdreg s13  }
0x22: {  	s8 =	rddreg [dreg:$0x5]  }
0x23: {  	s13 =	rddreg [dreg:$0x6];
	s11 =	sshrl.u32 s8, $0x3  }
0x24: {  	[dreg:$0x16] =	wrdreg s11  }
0x25: {  	[spmem:s11], [sflag:s28] =	dma.local [hbm:s13], $0x2700  }
0x26: {  	_ =	swait.ge [sflag:s29], $0x2700  }
0x27: {  	s8 =	rddreg [dreg:$0x8]  }
0x28: {  	[sflag:s29] =	ssyncset.done $0x0;
	s11 =	sshrl.u32 @!p0 s8, $0x3;
	s8 =	rddreg [dreg:$0x9]  }
0x29: {  	[sflag:s29] =	ssyncadd.s32 $0xFFFFD900;
	[dreg:$0x17] =	wrdreg s11  }
0x2a: {  	[spmem:s11], [sflag:s28] =	dma.local @!p0 [hbm:s8], $0x100  }
0x2b: {  	s28 =	simm.s32 @!p0 $0x11  }
0x2c: {  	_ =	swait.ge @!p0 [sflag:s28], $0x100  }
0x2d: {  	[sflag:s28] =	ssyncset.done @!p0 $0x0  }
0x2e: {  	[sflag:s28] =	ssyncadd.s32 @!p0 $0xFFFFFF00  }
0x2f: {  	[bflag:$0x0] =	sbarrier.arrive $0xFFFF  }
0x30: {  	s14 =	rddreg [dreg:$0xa]  }
0x31: {  	[tilespmem:s3], [sflag:$0x1] =	stream.linear.gather [hbm4b:s14+s3], $0x50, $0x38;
	[tilespmem:$0x1DC80] =	vst v63  }
0x32: {  	s11 =	simm.s32 $0x200;
	s29 =	rddreg [dreg:$0xb]  }
0x33: {  	[tilespmem:s11], [sflag:$0x5] =	stream.linear.gather [hbm4b:s29+s3], $0x50, $0x38;
	[tilespmem:$0x1DC80] =	vst v63  }
0x34: {  	s13 =	rddreg [dreg:$0xc]  }
0x35: {  	[tilespmem:s15], [sflag:$0x2] =	stream.linear.gather [hbm4b:s13+s3], $0x50, $0x38;
	[tilespmem:$0x1DC80] =	vst v63  }
0x36: {  	s14 =	rddreg [dreg:$0xd]  }
0x37: {  	[tilespmem:s31], [sflag:$0x6] =	stream.linear.gather [hbm4b:s14+s3], $0x50, $0x38;
	[tilespmem:$0x1DC80] =	vst v63  }
0x38: {  	s29 =	rddreg [dreg:$0xe]  }
0x39: {  	[tilespmem:s0], [sflag:$0x3] =	stream.linear.gather [hbm4b:s29+s3], $0x50, $0x38;
	[tilespmem:$0x1DC80] =	vst v63  }
0x3a: {  	s13 =	rddreg [dreg:$0xf]  }
0x3b: {  	[tilespmem:s10], [sflag:$0x7] =	stream.linear.gather [hbm4b:s13+s3], $0x50, $0x38;
	[tilespmem:$0x1DC80] =	vst v63  }
0x3c: {  	s14 =	rddreg [dreg:$0x10]  }
0x3d: {  	[tilespmem:s12], [sflag:$0x4] =	stream.linear.gather [hbm4b:s14+s3], $0x50, $0x38;
	[tilespmem:$0x1DC80] =	vst v63  }
0x3e: {  	s29 =	rddreg [dreg:$0x11];
	s13 =	simm.s32 $0x380;
	s14 =	simm.s32 $0x1  }
0x3f: {  	[tilespmem:s13], [sflag:$0x8] =	stream.linear.gather [hbm4b:s29+s3], $0x50, $0x38;
	[tilespmem:$0x1DC80] =	vst v63  }
0x40: {  	_ =	swait.ge [sflag:s14], $0x50  }
0x41: {  	[sflag:s14] =	ssyncset.done $0x0  }
0x42: {  	s8 =	simm.s32 $0x400;
	[sflag:s14] =	ssyncadd.s32 $0xFFFFFFB0;
	s14 =	simm.s32 $0x2  }
0x43: {  	[tilespmem:s8], [sflag:$0x9] =	stream.indirect.gather [hbm4b:s1+s7], $0x80, s3, s7, $0xb8;
	[tilespmem:$0x1DC80] =	vst v63  }
0x44: {  	_ =	swait.ge [sflag:s14], $0x50  }
0x45: {  	[sflag:s14] =	ssyncset.done $0x0  }
0x46: {  	s29 =	simm.s32 $0x3;
	[sflag:s14] =	ssyncadd.s32 $0xFFFFFFB0  }
0x47: {  	[tilespmem:s16], [sflag:$0xA] =	stream.indirect.gather [hbm4b:s1+s7], $0x80, s15, s7, $0xb8;
	[tilespmem:$0x1DC80] =	vst v63  }
0x48: {  	_ =	swait.ge [sflag:s29], $0x50  }
0x49: {  	[sflag:s29] =	ssyncset.done $0x0  }
0x4a: {  	[sflag:s29] =	ssyncadd.s32 $0xFFFFFFB0;
	s29 =	simm.s32 $0x4  }
0x4b: {  	[tilespmem:s17], [sflag:$0xB] =	stream.indirect.gather [hbm4b:s1+s7], $0x80, s0, s7, $0xb8;
	[tilespmem:$0x1DC80] =	vst v63  }
0x4c: {  	_ =	swait.ge [sflag:s29], $0x50  }
0x4d: {  	[sflag:s29] =	ssyncset.done $0x0  }
0x4e: {  	[sflag:s29] =	ssyncadd.s32 $0xFFFFFFB0;
	s29 =	simm.s32 $0x9  }
0x4f: {  	[tilespmem:s18], [sflag:$0xC] =	stream.indirect.gather [hbm4b:s1+s7], $0x80, s12, s7, $0xb8;
	[tilespmem:$0x1DC80] =	vst v63  }
0x50: {  	_ =	swait.ge [sflag:s29], $0x2800  }
0x51: {  	[sflag:s29] =	ssyncset.done $0x0  }
0x52: {  	[sflag:s29] =	ssyncadd.s32 $0xFFFFD800;
	s29 =	simm.s32 $0x5  }
0x53: {  	_ =	swait.ge [sflag:s29], $0x50  }
0x54: {  	[sflag:s29] =	ssyncset.done $0x0  }
0x55: {  	[sflag:s29] =	ssyncadd.s32 $0xFFFFFFB0  }
0x56: {  	[spmem:s2] =	stream.indirect.scatter.add.f32 [tilespmem:s8], [sflag:$0xD], $0x80, s11, s7, $0xb8;
	[tilespmem:$0x1DC80] =	vst v63  }
0x57: {  	_ =	swait.ge [sflag:s19], $0x2800  }
0x58: {  	[sflag:s19] =	ssyncset.done $0x0  }
0x59: {  	s14 =	simm.s32 $0x6;
	[sflag:s19] =	ssyncadd.s32 $0xFFFFD800  }
0x5a: {  	_ =	swait.ge [sflag:s14], $0x50  }
0x5b: {  	[sflag:s14] =	ssyncset.done $0x0  }
0x5c: {  	[sflag:s14] =	ssyncadd.s32 $0xFFFFFFB0  }
0x5d: {  	[spmem:s2] =	stream.indirect.scatter.add.f32 [tilespmem:s16], [sflag:$0xE], $0x80, s31, s7, $0xb8;
	[tilespmem:$0x1DC80] =	vst v63  }
0x5e: {  	_ =	swait.ge [sflag:s20], $0x2800  }
0x5f: {  	[sflag:s20] =	ssyncset.done $0x0  }
0x60: {  	[sflag:s20] =	ssyncadd.s32 $0xFFFFD800  }
0x61: {  	_ =	swait.ge [sflag:s21], $0x50  }
0x62: {  	[sflag:s21] =	ssyncset.done $0x0  }
0x63: {  	[sflag:s21] =	ssyncadd.s32 $0xFFFFFFB0  }
0x64: {  	[spmem:s2] =	stream.indirect.scatter.add.f32 [tilespmem:s17], [sflag:$0xF], $0x80, s10, s7, $0xb8;
	[tilespmem:$0x1DC80] =	vst v63  }
0x65: {  	_ =	swait.ge [sflag:s22], $0x2800  }
0x66: {  	[sflag:s22] =	ssyncset.done $0x0  }
0x67: {  	[sflag:s22] =	ssyncadd.s32 $0xFFFFD800  }
0x68: {  	_ =	swait.ge [sflag:s9], $0x50  }
0x69: {  	[sflag:s9] =	ssyncset.done $0x0  }
0x6a: {  	[sflag:s9] =	ssyncadd.s32 $0xFFFFFFB0  }
0x6b: {  	[spmem:s2] =	stream.indirect.scatter.add.f32 [tilespmem:s18], [sflag:$0x10], $0x80, s13, s7, $0xb8;
	[tilespmem:$0x1DC80] =	vst v63  }
0x6c: {  	_ =	swait.ge [sflag:s23], $0x2800  }
0x6d: {  	s28 =	rddreg [dreg:$0x4]  }
0x6e: {  	s28 =	sadd.s32 $0x0, s28  }
0x6f: {  	p1 =	por $0x0, $0x0;
	[sflag:s23] =	ssyncset.done $0x0;
	s28 =	sshrl.u32 s28, $0x3  }
0x70: {  	s29 =	simm.s32 $0x190;
	[sflag:s23] =	ssyncadd.s32 $0xFFFFD800;
	s17 =	sadd.s32 s4, s28  }
0x71: {  	[tilespmem:s3], [sflag:$0x1] =	stream.linear.gather [hbm4b:s17+s3], $0x50, $0x38;
	[tilespmem:$0x1DC80] =	vst v63  }
0x72: {  	s29 =	simm.s32 @p1 $0x0;
	s28 =	sadd.s32 s5, s28  }
0x73: {  	[tilespmem:s11], [sflag:$0x5] =	stream.linear.gather [hbm4b:s28+s3], $0x50, $0x38;
	[tilespmem:$0x1DC80] =	vst v63  }
0x74: {  	s28 =	sadd.s32 s6, s29;
	_ =	swait.ge [sflag:s24], $0x2800  }
0x75: {  	s28 =	sshrl.u32 s28, $0x3;
	[sflag:s24] =	ssyncset.done $0x0  }
0x76: {  	s29 =	simm.s32 $0x1E0;
	s18 =	sadd.s32 s4, s28;
	[sflag:s24] =	ssyncadd.s32 $0xFFFFD800  }
0x77: {  	[tilespmem:s15], [sflag:$0x2] =	stream.linear.gather [hbm4b:s18+s3], $0x50, $0x38;
	[tilespmem:$0x1DC80] =	vst v63  }
0x78: {  	s29 =	simm.s32 @p1 $0x50;
	s28 =	sadd.s32 s5, s28  }
0x79: {  	[tilespmem:s31], [sflag:$0x6] =	stream.linear.gather [hbm4b:s28+s3], $0x50, $0x38;
	[tilespmem:$0x1DC80] =	vst v63  }
0x7a: {  	s16 =	simm.s32 $0x2C00;
	s28 =	sadd.s32 s6, s29;
	_ =	swait.ge [sflag:s25], $0x2800  }
0x7b: {  	s17 =	simm.s32 $0x5400;
	s28 =	sshrl.u32 s28, $0x3;
	[sflag:s25] =	ssyncset.done $0x0  }
0x7c: {  	s29 =	simm.s32 $0x230;
	s19 =	sadd.s32 s4, s28;
	[sflag:s25] =	ssyncadd.s32 $0xFFFFD800  }
0x7d: {  	[tilespmem:s0], [sflag:$0x3] =	stream.linear.gather [hbm4b:s19+s3], $0x50, $0x38;
	[tilespmem:$0x1DC80] =	vst v63  }
0x7e: {  	s18 =	simm.s32 $0x7C00;
	s29 =	simm.s32 @p1 $0xA0;
	s28 =	sadd.s32 s5, s28  }
0x7f: {  	[tilespmem:s10], [sflag:$0x7] =	stream.linear.gather [hbm4b:s28+s3], $0x50, $0x38;
	[tilespmem:$0x1DC80] =	vst v63  }
0x80: {  	s0 =	simm.s32 $0x100;
	s28 =	sadd.s32 s6, s29;
	_ =	swait.ge [sflag:s26], $0x2800  }
0x81: {  	s19 =	simm.s32 $0xA;
	s29 =	sshrl.u32 s28, $0x3;
	[sflag:s26] =	ssyncset.done $0x0  }
0x82: {  	s10 =	simm.s32 $0x300;
	s28 =	sadd.s32 s4, s29;
	[sflag:s26] =	ssyncadd.s32 $0xFFFFD800  }
0x83: {  	[tilespmem:s12], [sflag:$0x4] =	stream.linear.gather [hbm4b:s28+s3], $0x50, $0x38;
	[tilespmem:$0x1DC80] =	vst v63  }
0x84: {  	s30 =	sadd.s32 s5, s29;
	s28 =	simm.s32 $0x140;
	s12 =	simm.s32 $0x180  }
.LBB2_2:
0x85: {  	s8 =	simm.s32 $0x380;
	s11 =	simm.s32 $0x1  }
0x86: {  	[tilespmem:s8], [sflag:$0x8] =	stream.linear.gather [hbm4b:s30+s3], $0x50, $0x38;
	[tilespmem:$0x1DC80] =	vst v63  }
0x87: {  	_ =	swait.ge [sflag:s11], $0x50  }
0x88: {  	[sflag:s11] =	ssyncset.done $0x0  }
0x89: {  	s13 =	simm.s32 $0x2;
	[sflag:s11] =	ssyncadd.s32 $0xFFFFFFB0;
	s11 =	simm.s32 $0x400  }
0x8a: {  	[tilespmem:s11], [sflag:$0x9] =	stream.indirect.gather [hbm4b:s1+s7], $0x80, s3, s7, $0xb8;
	[tilespmem:$0x1DC80] =	vst v63  }
0x8b: {  	_ =	swait.ge [sflag:s13], $0x50  }
0x8c: {  	[sflag:s13] =	ssyncset.done $0x0  }
0x8d: {  	s14 =	simm.s32 $0x3;
	[sflag:s13] =	ssyncadd.s32 $0xFFFFFFB0  }
0x8e: {  	[tilespmem:s16], [sflag:$0xA] =	stream.indirect.gather [hbm4b:s1+s7], $0x80, s15, s7, $0xb8;
	[tilespmem:$0x1DC80] =	vst v63  }
0x8f: {  	_ =	swait.ge [sflag:s14], $0x50  }
0x90: {  	[sflag:s14] =	ssyncset.done $0x0  }
0x91: {  	s15 =	simm.s32 $0x4;
	[sflag:s14] =	ssyncadd.s32 $0xFFFFFFB0  }
0x92: {  	[tilespmem:s17], [sflag:$0xB] =	stream.indirect.gather [hbm4b:s1+s7], $0x80, s0, s7, $0xb8;
	[tilespmem:$0x1DC80] =	vst v63  }
0x93: {  	_ =	swait.ge [sflag:s15], $0x50  }
0x94: {  	[sflag:s15] =	ssyncset.done $0x0  }
0x95: {  	s14 =	simm.s32 $0x9;
	[sflag:s15] =	ssyncadd.s32 $0xFFFFFFB0  }
0x96: {  	[tilespmem:s18], [sflag:$0xC] =	stream.indirect.gather [hbm4b:s1+s7], $0x80, s12, s7, $0xb8;
	[tilespmem:$0x1DC80] =	vst v63  }
0x97: {  	_ =	swait.ge [sflag:s14], $0x2800  }
0x98: {  	[sflag:s14] =	ssyncset.done $0x0  }
0x99: {  	s15 =	simm.s32 $0x5;
	[sflag:s14] =	ssyncadd.s32 $0xFFFFD800  }
0x9a: {  	_ =	swait.ge [sflag:s15], $0x50  }
0x9b: {  	[sflag:s15] =	ssyncset.done $0x0  }
0x9c: {  	[sflag:s15] =	ssyncadd.s32 $0xFFFFFFB0;
	s15 =	simm.s32 $0x200  }
0x9d: {  	[spmem:s2] =	stream.indirect.scatter.add.f32 [tilespmem:s11], [sflag:$0xD], $0x80, s15, s7, $0xb8;
	[tilespmem:$0x1DC80] =	vst v63  }
0x9e: {  	_ =	swait.ge [sflag:s19], $0x2800  }
0x9f: {  	[sflag:s19] =	ssyncset.done $0x0  }
0xa0: {  	s14 =	simm.s32 $0x6;
	[sflag:s19] =	ssyncadd.s32 $0xFFFFD800  }
0xa1: {  	_ =	swait.ge [sflag:s14], $0x50  }
0xa2: {  	[sflag:s14] =	ssyncset.done $0x0  }
0xa3: {  	[sflag:s14] =	ssyncadd.s32 $0xFFFFFFB0  }
0xa4: {  	[spmem:s2] =	stream.indirect.scatter.add.f32 [tilespmem:s16], [sflag:$0xE], $0x80, s31, s7, $0xb8;
	[tilespmem:$0x1DC80] =	vst v63  }
0xa5: {  	_ =	swait.ge [sflag:s20], $0x2800  }
0xa6: {  	[sflag:s20] =	ssyncset.done $0x0  }
0xa7: {  	[sflag:s20] =	ssyncadd.s32 $0xFFFFD800  }
0xa8: {  	_ =	swait.ge [sflag:s21], $0x50  }
0xa9: {  	[sflag:s21] =	ssyncset.done $0x0  }
0xaa: {  	[sflag:s21] =	ssyncadd.s32 $0xFFFFFFB0  }
0xab: {  	[spmem:s2] =	stream.indirect.scatter.add.f32 [tilespmem:s17], [sflag:$0xF], $0x80, s10, s7, $0xb8;
	[tilespmem:$0x1DC80] =	vst v63  }
0xac: {  	_ =	swait.ge [sflag:s22], $0x2800  }
0xad: {  	[sflag:s22] =	ssyncset.done $0x0  }
0xae: {  	[sflag:s22] =	ssyncadd.s32 $0xFFFFD800  }
0xaf: {  	_ =	swait.ge [sflag:s9], $0x50  }
0xb0: {  	[sflag:s9] =	ssyncset.done $0x0  }
0xb1: {  	[sflag:s9] =	ssyncadd.s32 $0xFFFFFFB0  }
0xb2: {  	[spmem:s2] =	stream.indirect.scatter.add.f32 [tilespmem:s18], [sflag:$0x10], $0x80, s8, s7, $0xb8;
	[tilespmem:$0x1DC80] =	vst v63  }
0xb3: {  	_ =	swait.ge [sflag:s23], $0x2800  }
0xb4: {  	s29 =	smov.u32 s28;
	s30 =	rddreg [dreg:$0x4]  }
0xb5: {  	p2 =	seq.s32 s29, $0x2580;
	s11 =	sadd.s32 $0x1E0, s29;
	s30 =	sadd.s32 s29, s30  }
0xb6: {  	s31 =	sadd.s32 $0x230, s29;
	[sflag:s23] =	ssyncset.done $0x0;
	s30 =	sshrl.u32 s30, $0x3  }
0xb7: {  	[sflag:s23] =	ssyncadd.s32 $0xFFFFD800;
	s29 =	sadd.s32 $0x190, s29;
	s13 =	sadd.s32 s4, s30  }
0xb8: {  	[tilespmem:s3], [sflag:$0x1] =	stream.linear.gather [hbm4b:s13+s3], $0x50, $0x38;
	[tilespmem:$0x1DC80] =	vst v63  }
0xb9: {  	s29 =	simm.s32 @p2 $0x0;
	s8 =	sadd.s32 s5, s30  }
0xba: {  	[tilespmem:s15], [sflag:$0x5] =	stream.linear.gather [hbm4b:s8+s3], $0x50, $0x38;
	[tilespmem:$0x1DC80] =	vst v63  }
0xbb: {  	s11 =	simm.s32 @p2 $0x50;
	s29 =	sadd.s32 s6, s29;
	_ =	swait.ge [sflag:s24], $0x2800  }
0xbc: {  	s31 =	simm.s32 @p2 $0xA0;
	s8 =	sshrl.u32 s29, $0x3;
	[sflag:s24] =	ssyncset.done $0x0  }
0xbd: {  	s15 =	simm.s32 $0x80;
	s29 =	sadd.s32 s4, s8;
	[sflag:s24] =	ssyncadd.s32 $0xFFFFD800  }
0xbe: {  	[tilespmem:s15], [sflag:$0x2] =	stream.linear.gather [hbm4b:s29+s3], $0x50, $0x38;
	[tilespmem:$0x1DC80] =	vst v63  }
0xbf: {  	s8 =	sadd.s32 s5, s8;
	s29 =	sadd.s32 s6, s31;
	s31 =	simm.s32 $0x280  }
0xc0: {  	[tilespmem:s31], [sflag:$0x6] =	stream.linear.gather [hbm4b:s8+s3], $0x50, $0x38;
	[tilespmem:$0x1DC80] =	vst v63  }
0xc1: {  	s11 =	sadd.s32 s6, s11;
	_ =	swait.ge [sflag:s25], $0x2800  }
0xc2: {  	s11 =	sshrl.u32 s11, $0x3;
	[sflag:s25] =	ssyncset.done $0x0  }
0xc3: {  	s8 =	sshrl.u32 s29, $0x3;
	s29 =	sadd.s32 s4, s11;
	[sflag:s25] =	ssyncadd.s32 $0xFFFFD800  }
0xc4: {  	[tilespmem:s0], [sflag:$0x3] =	stream.linear.gather [hbm4b:s29+s3], $0x50, $0x38;
	[tilespmem:$0x1DC80] =	vst v63  }
0xc5: {  	p1 =	sne.s32 s28, $0x2580;
	s11 =	sadd.s32 s5, s11  }
0xc6: {  	[tilespmem:s10], [sflag:$0x7] =	stream.linear.gather [hbm4b:s11+s3], $0x50, $0x38;
	[tilespmem:$0x1DC80] =	vst v63  }
.Ltmp0:
0xc7: {  	_ = 	snop;
	(pc) =	sbr.rel @p1 .LBB2_2-.Ltmp0, $4  }
0xc8: {  	s28 =	sadd.s32 $0x140, s28;
	_ =	swait.ge [sflag:s26], $0x2800  }
0xc9: {  	s14 =	simm.s32 $0x380;
	s13 =	simm.s32 $0x200;
	[sflag:s26] =	ssyncset.done $0x0  }
0xca: {  	s30 =	sadd.s32 s5, s8;
	s29 =	sadd.s32 s4, s8;
	[sflag:s26] =	ssyncadd.s32 $0xFFFFD800  }
0xcb: {  	[tilespmem:s12], [sflag:$0x4] =	stream.linear.gather [hbm4b:s29+s3], $0x50, $0x38;
	[tilespmem:$0x1DC80] =	vst v63  }
0xcc: {  	[tilespmem:s14], [sflag:$0x8] =	stream.linear.gather [hbm4b:s30+s3], $0x50, $0x38;
	[tilespmem:$0x1DC80] =	vst v63  }
0xcd: {  	s0 =	simm.s32 $0x1  }
0xce: {  	_ =	swait.ge [sflag:s0], $0x50  }
0xcf: {  	[sflag:s0] =	ssyncset.done $0x0  }
0xd0: {  	s10 =	simm.s32 $0x5;
	[sflag:s0] =	ssyncadd.s32 $0xFFFFFFB0  }
0xd1: {  	_ =	swait.ge [sflag:s10], $0x50  }
0xd2: {  	[sflag:s10] =	ssyncset.done $0x0  }
0xd3: {  	s11 =	simm.s32 $0x400;
	s8 =	simm.s32 $0x2;
	[sflag:s10] =	ssyncadd.s32 $0xFFFFFFB0  }
0xd4: {  	[tilespmem:s11], [sflag:$0x9] =	stream.indirect.gather [hbm4b:s1+s7], $0x80, s3, s7, $0xb8;
	[tilespmem:$0x1DC80] =	vst v63  }
0xd5: {  	_ =	swait.ge [sflag:s8], $0x50  }
0xd6: {  	[sflag:s8] =	ssyncset.done $0x0  }
0xd7: {  	s12 =	simm.s32 $0x6;
	[sflag:s8] =	ssyncadd.s32 $0xFFFFFFB0  }
0xd8: {  	_ =	swait.ge [sflag:s12], $0x50  }
0xd9: {  	[sflag:s12] =	ssyncset.done $0x0  }
0xda: {  	s14 =	simm.s32 $0x3;
	[sflag:s12] =	ssyncadd.s32 $0xFFFFFFB0  }
0xdb: {  	_ =	swait.ge [sflag:s14], $0x50  }
0xdc: {  	[sflag:s14] =	ssyncset.done $0x0  }
0xdd: {  	[sflag:s14] =	ssyncadd.s32 $0xFFFFFFB0  }
0xde: {  	_ =	swait.ge [sflag:s21], $0x50  }
0xdf: {  	[sflag:s21] =	ssyncset.done $0x0  }
0xe0: {  	s16 =	simm.s32 $0x4;
	[sflag:s21] =	ssyncadd.s32 $0xFFFFFFB0  }
0xe1: {  	_ =	swait.ge [sflag:s16], $0x50  }
0xe2: {  	[sflag:s16] =	ssyncset.done $0x0  }
0xe3: {  	[sflag:s16] =	ssyncadd.s32 $0xFFFFFFB0  }
0xe4: {  	_ =	swait.ge [sflag:s9], $0x50  }
0xe5: {  	[sflag:s9] =	ssyncset.done $0x0  }
0xe6: {  	s17 =	simm.s32 $0x9;
	[sflag:s9] =	ssyncadd.s32 $0xFFFFFFB0  }
0xe7: {  	_ =	swait.ge [sflag:s17], $0x2800  }
0xe8: {  	[sflag:s17] =	ssyncset.done $0x0  }
0xe9: {  	s29 =	simm.s32 $0x11;
	[sflag:s17] =	ssyncadd.s32 $0xFFFFD800  }
0xea: {  	[spmem:s2] =	stream.indirect.scatter.add.f32 [tilespmem:s11], [sflag:$0x11], $0x80, s13, s7, $0xb8;
	[tilespmem:$0x1DC80] =	vst v63  }
0xeb: {  	_ =	swait.ge [sflag:s29], $0x2800  }
0xec: {  	[sflag:s29] =	ssyncset.done $0x0  }
0xed: {  	[sflag:s29] =	ssyncadd.s32 $0xFFFFD800  }
0xee: {  	[bflag:$0x0] =	sbarrier.arrive $0xFFFF  }
0xef: {  	s28 =	rddreg [dreg:$0x7]  }
0xf0: {  	s18 =	rddreg [dreg:$0x12]  }
0xf1: {  	s19 =	rddreg [dreg:$0x16]  }
0xf2: {  	[hbm:s18], [sflag:s28] =	dma.local [spmem:s19], $0x2700  }
0xf3: {  	_ =	swait.ge [sflag:s29], $0x2700  }
0xf4: {  	[sflag:s29] =	ssyncset.done $0x0;
	s8 =	rddreg [dreg:$0x13]  }
0xf5: {  	s0 =	rddreg [dreg:$0x17];
	[sflag:s29] =	ssyncadd.s32 $0xFFFFD900  }
0xf6: {  	[hbm:s8], [sflag:s28] =	dma.local @!p0 [spmem:s0], $0x100  }
0xf7: {  	s8 =	simm.s32 @!p0 $0x11  }
0xf8: {  	_ =	swait.ge @!p0 [sflag:s8], $0x100  }
0xf9: {  	s30 =	rddreg [dreg:$0x15]  }
0xfa: {  	s11 =	rddreg [dreg:$0x14];
	s13 =	sadd.s32 $0x1, s30  }
0xfb: {  	p1 =	sne.s32 s13, s11  }
.Ltmp1:
0xfc: {  	_ = 	snop;
	(pc) =	sbr.rel @p1 .LBB2_1-.Ltmp1, $4  }
0xfd: {  	_ = 	snop  }
0xfe: {  	s10 =	simm.s32 $0x300;
	s12 =	simm.s32 $0x180;
	s16 =	simm.s32 $0x2C00  }
0xff: {  	s17 =	simm.s32 $0x5400;
	s18 =	simm.s32 $0x7C00;
	[sflag:s8] =	ssyncset.done @!p0 $0x0  }
0x100: {  	s19 =	simm.s32 $0xA;
	s0 =	simm.s32 $0x100;
	[sflag:s8] =	ssyncadd.s32 @!p0 $0xFFFFFF00  }
0x101: {  	_ =	sfence.sel $0x180000  }
0x102: {  	[bflag:$0x0] =	sbarrier.arrive $0xFFFF  }
0x103: {  	_ =	strace $0x9000004A  }
0x104: {  	[bflag:$0x2] =	sbarrier.arrive $0xFFFF  }
0x105: {  	s0 =	rddreg [dreg:$0x3]  }
0x106: {  	s0 =	sadd.s32 @!p0 $0x100000, s0  }
0x107: {  	[sflag:s0] =	ssyncadd.tile.s32 @!p0 $0x1;
	_ =	shalt  }
.Lfunc_end2:
_tile_overlayer_lowered:
.L_overlay_start_2:
0x108: {  	(tag) =	ssettag $0x2  }
0x109: {  	s0 =	rddreg [dreg:$0x0];
	s2 =	stileid.u32  }
0x10a: {  	s1 =	rddreg [dreg:$0x1];
	p0 =	sne.s32 s2, $0x0  }
0x10b: {  	s3 =	rddreg [dreg:$0x2];
	[bflag:$0x3] =	sbarrier.arrive $0xFFFF;
	s2 =	simm.s32 @!p0 $0x1C11  }
0x10c: {  	[timem:s3], [sflag:s2] =	dma.local @!p0 [hbm:s0], s1  }
0x10d: {  	s0 =	simm.s32 @!p0 $0x11  }
0x10e: {  	_ =	swait.ge @!p0 [sflag:s0], s1  }
0x10f: {  	s1 =	ssub.s32 @!p0 $0x0, s1;
	[sflag:s0] =	ssyncset.done @!p0 $0x0  }
0x110: {  	[sflag:s0] =	ssyncadd.s32 @!p0 s1  }
0x111: {  	[bflag:$0x3] =	sbarrier.arrive $0xFFFF  }
0x112: {  	_ =	shalt  }

// kernel: kernel.7.cloned.1.call-start
scs
__scs_entry_jumppad:
0x0: {  	(pc) =	sbr.rel $0x88, $3  }
0x1: {  	(tag) =	ssettag $0x0;
	lr =	simm.s32 $0x1  }
0x2: {  	[smem:$0x3F9B] =	sst lr;
	_ =	strace $0xD0000000  }
0x3: {  	_ = 	snop  }
0x4: {  	_ = 	snop  }
0x5: {  	_ = 	snop  }
0x6: {  	_ = 	snop  }
0x7: {  	_ = 	snop  }
__scs_overlays_trampoline_lowered:
0x8: {  	[smem:$0x3FAA] =	sst s0  }
0x9: {  	[smem:$0x3FAB] =	sst s1  }
0xa: {  	[smem:$0x3FAC] =	sst s2  }
0xb: {  	[smem:$0x3FAD] =	sst s3  }
0xc: {  	[smem:$0x3FAE] =	sst s4  }
0xd: {  	[smem:$0x3FAF] =	sst s5  }
0xe: {  	[smem:$0x3FB0] =	sst s6  }
0xf: {  	[smem:$0x3FB1] =	sst s7  }
0x10: {  	[smem:$0x3FB2] =	sst s8  }
0x11: {  	[smem:$0x3FB3] =	sst s9;
	s0 =	simm.s32 @!p0 $0x0  }
0x12: {  	s1 =	sld [smem:$0x3F99];
	s0 =	simm.s32 @p0 $0x1  }
0x13: {  	[smem:$0x3FB4] =	sst s0;
	s0 =	simm.s32 @!p1 $0x0  }
0x14: {  	s2 =	sld [smem:$0x3F98];
	s0 =	simm.s32 @p1 $0x1  }
0x15: {  	[smem:$0x3FB5] =	sst s0;
	s0 =	simm.s32 @!p2 $0x0  }
0x16: {  	s3 =	sld [smem:$0x3FDB];
	s0 =	simm.s32 @p2 $0x1  }
0x17: {  	s4 =	simm.s32 $0x1BF5;
	[smem:$0x3FB7] =	sst s0  }
0x18: {  	s0 =	sld [smem:$0x3F9A];
	_ =	swait.ge [sflag:s4], $0x0  }
0x19: {  	s7 =	sld [smem:$0x3F9B]  }
0x1a: {  	s8 =	sadd.s32 $0xFFFFE003, lr  }
0x1b: {  	s9 =	sadd.s32 $0xFFFFFEF7, lr;
	s5 =	simm.s32 $0xFFFFFFFF;
	p2 =	slt.u32 s8, $0xFFFFF086  }
0x1c: {  	p1 =	slt.u32 s9, $0xF7A;
	s5 =	simm.s32 @!p2 $0x0  }
0x1d: {  	s5 =	simm.s32 @p1 $0x1;
	p0 =	seq.s32 s7, s2  }
0x1e: {  	s7 =	smul.u32 @!p0 $0xF7A, s2;
	p2 =	seq.s32 @!p0 s5, $0x0  }
0x1f: {  	s9 =	smul.u32 $0xF7A, s1;
	s8 =	simm.s32 @!p0 $0x1BF5;
	p2 =	por !p2, p0  }
0x20: {  	[sflag:s8] =	ssyncset.s32 @!p0 $0xFFFFF086;
	s6 =	sadd.s32 @!p0 s3, s7;
	s7 =	simm.s32 @!p0 $0x108  }
0x21: {  	s3 =	sadd.s32 s3, s9;
	s6 =	sadd.s32 @!p0 $0x88, s6;
	s7 =	simm.s32 @p2 $0x1082  }
0x22: {  	[simem:s7], [sflag:s8] =	dma.local @!p0 [hbm:s6], $0xF7A  }
0x23: {  	s9 =	sor.u32 $0xD0000000, s2;
	s6 =	simm.s32 $0x108;
	_ =	swait.ge @!p0 [sflag:s8], $0x0  }
0x24: {  	s3 =	sadd.s32 $0x88, s3;
	s6 =	simm.s32 @!p1 $0x1082;
	[sflag:s4] =	ssyncset.s32 $0xFFFFF086  }
0x25: {  	[simem:s6], [sflag:s4] =	dma.local [hbm:s3], $0xF7A  }
0x26: {  	[smem:$0x3F9B] =	sst s1;
	(tag) =	ssettag s2;
	_ =	strace s9  }
0x27: {  	s1 =	sld [smem:$0x3FAB]  }
0x28: {  	s2 =	sld [smem:$0x3FAC]  }
0x29: {  	s4 =	sld [smem:$0x3FAE]  }
0x2a: {  	p0 =	seq.s32 s5, $0x0;
	s5 =	sld [smem:$0x3FAF]  }
0x2b: {  	s6 =	sld [smem:$0x3FB0]  }
0x2c: {  	s7 =	sld [smem:$0x3FB1]  }
0x2d: {  	s3 =	simm.s32 $0x108;
	s8 =	sld [smem:$0x3FB2]  }
0x2e: {  	s3 =	simm.s32 @!p0 $0x1082;
	s9 =	sld [smem:$0x3FB3]  }
0x2f: {  	lr =	sadd.s32 s0, s3;
	s0 =	sld [smem:$0x3FAA]  }
0x30: {  	s3 =	sld [smem:$0x3FAD]  }
0x31: {  	[smem:$0x3FB6] =	sst s10  }
0x32: {  	s10 =	sld [smem:$0x3FB4];
	_ =	sdelay $0x3  }
0x33: {  	p0 =	seq.s32 s10, $0x1;
	s10 =	sld [smem:$0x3FB6];
	_ =	sdelay $0x3  }
0x34: {  	[smem:$0x3FB6] =	sst s10  }
0x35: {  	s10 =	sld [smem:$0x3FB5];
	_ =	sdelay $0x3  }
0x36: {  	p1 =	seq.s32 s10, $0x1;
	s10 =	sld [smem:$0x3FB6];
	_ =	sdelay $0x3  }
0x37: {  	[smem:$0x3FB6] =	sst s10  }
0x38: {  	s10 =	sld [smem:$0x3FB7]  }
0x39: {  	_ = 	snop;
	(pc) =	sbr.ind lr, $3  }
0x3a: {  	_ = 	snop  }
0x3b: {  	_ = 	snop  }
0x3c: {  	p2 =	seq.s32 s10, $0x1;
	s10 =	sld [smem:$0x3FB6]  }
0x3d: {  	_ =	shalt  }
0x3e: {  	_ =	shalt  }
0x3f: {  	_ =	shalt  }
0x40: {  	_ =	shalt  }
0x41: {  	_ =	shalt  }
0x42: {  	_ =	shalt  }
0x43: {  	_ =	shalt  }
0x44: {  	_ =	shalt  }
0x45: {  	_ =	shalt  }
0x46: {  	_ =	shalt  }
0x47: {  	_ =	shalt  }
0x48: {  	_ =	shalt  }
0x49: {  	_ =	shalt  }
0x4a: {  	_ =	shalt  }
0x4b: {  	_ =	shalt  }
0x4c: {  	_ =	shalt  }
0x4d: {  	_ =	shalt  }
0x4e: {  	_ =	shalt  }
0x4f: {  	_ =	shalt  }
0x50: {  	_ =	shalt  }
0x51: {  	_ =	shalt  }
0x52: {  	_ =	shalt  }
0x53: {  	_ =	shalt  }
0x54: {  	_ =	shalt  }
0x55: {  	_ =	shalt  }
0x56: {  	_ =	shalt  }
0x57: {  	_ =	shalt  }
0x58: {  	_ =	shalt  }
0x59: {  	_ =	shalt  }
0x5a: {  	_ =	shalt  }
0x5b: {  	_ =	shalt  }
0x5c: {  	_ =	shalt  }
0x5d: {  	_ =	shalt  }
0x5e: {  	_ =	shalt  }
0x5f: {  	_ =	shalt  }
0x60: {  	_ =	shalt  }
0x61: {  	_ =	shalt  }
0x62: {  	_ =	shalt  }
0x63: {  	_ =	shalt  }
0x64: {  	_ =	shalt  }
0x65: {  	_ =	shalt  }
0x66: {  	_ =	shalt  }
0x67: {  	_ =	shalt  }
0x68: {  	_ =	shalt  }
0x69: {  	_ =	shalt  }
0x6a: {  	_ =	shalt  }
0x6b: {  	_ =	shalt  }
0x6c: {  	_ =	shalt  }
0x6d: {  	_ =	shalt  }
0x6e: {  	_ =	shalt  }
0x6f: {  	_ =	shalt  }
0x70: {  	_ =	shalt  }
0x71: {  	_ =	shalt  }
0x72: {  	_ =	shalt  }
0x73: {  	_ =	shalt  }
0x74: {  	_ =	shalt  }
0x75: {  	_ =	shalt  }
0x76: {  	_ =	shalt  }
0x77: {  	_ =	shalt  }
0x78: {  	_ =	shalt  }
0x79: {  	_ =	shalt  }
0x7a: {  	_ =	shalt  }
0x7b: {  	_ =	shalt  }
0x7c: {  	_ =	shalt  }
0x7d: {  	_ =	shalt  }
0x7e: {  	_ =	shalt  }
0x7f: {  	_ =	shalt  }
0x80: {  	_ =	shalt  }
0x81: {  	_ =	shalt  }
0x82: {  	_ =	shalt  }
0x83: {  	_ =	shalt  }
0x84: {  	_ =	shalt  }
0x85: {  	_ =	shalt  }
0x86: {  	_ =	shalt  }
0x87: {  	_ =	shalt  }
.Lfunc_end0:
.L_simem_size_0:
called_computation_lowered:
.L_overlay_start_0:
0x88: {  	s2 =	sld [smem:$0x3FD9]  }
0x89: {  	s3 =	sld [smem:$0x3FFE];
	_ =	sdelay $0x1  }
0x8a: {  	s1 =	srdreg.scid  }
0x8b: {  	s0 =	sand.u32 $0x1, s1  }
0x8c: {  	s17 =	sshll.u32 s0, $0xA;
	s2 =	sadd.s32 s3, s2  }
0x8d: {  	s2 =	sadd.s32 s2, s17  }
0x8e: {  	[smem:$0x3FC2] =	sst s2  }
0x8f: {  	_ = 	snop  }
0x90: {  	s2 =	sld [smem:$0x3FD0];
	(tm) =	ssettm $0x1  }
0x91: {  	s18 =	sld [smem:$0x3FFB];
	_ =	sdelay $0x3  }
0x92: {  	_ =	strace s18  }
0x93: {  	s3 =	sld [smem:$0x3FFC];
	_ =	sdelay $0x3  }
0x94: {  	_ =	strace s3  }
0x95: {  	s3 =	sld [smem:$0x3FFD];
	_ =	sdelay $0x3  }
0x96: {  	_ =	strace s3  }
0x97: {  	_ =	strace $0x8FFFFFFF  }
0x98: {  	s19 =	sld [smem:$0x3FDB];
	_ =	sdelay $0x1  }
0x99: {  	s4 =	simm.s32 $_scs_section_size  }
0x9a: {  	s5 =	simm.s32 $_size__tile_overlayer_lowered;
	s6 =	simm.s32 $_tile_overlayer_lowered  }
0x9b: {  	s22 =	simm.s32 $0x1BFF;
	s21 =	sshll.u32 s6, $0x1;
	s3 =	sadd.s32 s4, s19  }
0x9c: {  	s7 =	simm.s32 $0x0;
	s20 =	sshll.u32 s5, $0x1;
	s5 =	sadd.s32 s21, s3  }
0x9d: {  	[timem:s7], [sflag:s22] =	dma.local [hbm:s5], s20  }
0x9e: {  	_ =	swait.ge [sflag:s22], s20  }
0x9f: {  	s4 =	ssub.s32 $0x0, s20;
	[sflag:s22] =	ssyncset.done $0x0  }
0xa0: {  	[sflag:s22] =	ssyncadd.s32 s4;
	_ =	sdelay $0x1  }
0xa1: {  	s23 =	simm.s32 $0x1B8B  }
0xa2: {  	_ =	swait.ge [sflag:s23], $0x1  }
0xa3: {  	[sflag:s23] =	ssyncset.done $0x0  }
0xa4: {  	s25 =	simm.s32 $0x1B8E;
	s24 =	sld [smem:$0x3FFE];
	[sflag:s23] =	ssyncadd.s32 $0xFFFFFFFF  }
0xa5: {  	s26 =	simm.s32 $execute0_lowered;
	[smem:$0x3FD2] =	sst s25  }
0xa6: {  	s5 =	sshll.u32 s26, $0x1;
	_ =	strace $0x80000046;
	[dreg:$0x1] =	wrdreg $0xFFFFFFFF  }
0xa7: {  	s28 =	simm.s32 $_size_execute0_lowered;
	s3 =	sadd.s32 s3, s5;
	[dreg:$0x0] =	wrdreg $0x0  }
0xa8: {  	s5 =	sshll.u32 s28, $0x1;
	[dreg:$0x2] =	wrdreg s3  }
0xa9: {  	[dreg:$0x3] =	wrdreg s5  }
0xaa: {  	[dreg:$0x4] =	wrdreg $0xC0  }
0xab: {  	_ =	task [dreg:s7], $0x5FFFF  }
0xac: {  	[dreg:$0x1] =	wrdreg $0xFFFFFFFF  }
0xad: {  	[dreg:$0x0] =	wrdreg $0x60  }
0xae: {  	[dreg:$0x2] =	wrdreg s2  }
0xaf: {  	[dreg:$0x3] =	wrdreg s24  }
0xb0: {  	[dreg:$0x4] =	wrdreg $0xA4000  }
0xb1: {  	[dreg:$0x5] =	wrdreg $0x9  }
0xb2: {  	_ =	task.clear_ibuf [dreg:s7], $0x6FFFF;
	_ =	strace $0x90000046  }
0xb3: {  	s29 =	simm.s32 $0x9;
	_ =	strace $0x80000048  }
0xb4: {  	_ =	swait.ge [sflag:s29], $0x1  }
0xb5: {  	[sflag:s29] =	ssyncadd.s32 $0xFFFFFFFF  }
0xb6: {  	_ =	strace $0x90000048  }
0xb7: {  	_ =	sfence  }
0xb8: {  	s30 =	sld [smem:$0x0];
	_ =	sdelay $0x2  }
0xb9: {  	s31 =	sshll.u32 s1, $0xD;
	s1 =	sshrl.u32 s1, $0x2  }
0xba: {  	s3 =	sand.u32 $0x4000, s31;
	s1 =	sadd.s32 s1, s30  }
0xbb: {  	s0 =	sor.u32 s3, s0;
	s1 =	sshll.u32 s1, $0x11  }
0xbc: {  	s0 =	sor.u32 s1, s0  }
0xbd: {  	s0 =	sadd.s32 $0x8F2B, s0  }
0xbe: {  	[sflag:s0] =	ssyncadd.remote.s32 $0x1  }
0xbf: {  	_ =	sfence.sel $0xFFFF  }
0xc0: {  	[dreg:$0x0] =	wrdreg $0xFFFFFFFF;
	(pc) =	sbr.abs _section_cstart, $3  }
0xc1: {  	[dreg:$0x1] =	wrdreg $0xFFFFFFFF  }
0xc2: {  	_ =	task.clear_ibuf [dreg:s7], $0x2FFFF;
	_ =	strace $0x9FFFFFFF  }
0xc3: {  	(tm) =	ssettm $0x7FFFFFFF  }
tec
execute0_lowered:
.L_overlay_start_1:
0x0: {  	(tag) =	ssettag $0x1  }
0x1: {  	s1 =	rddreg [dreg:$0x0]  }
0x2: {  	s0 =	rddreg [dreg:$0x1]  }
0x3: {  	s2 =	rddreg [dreg:$0x2];
	s3 =	simm.s32 $0x0  }
0x4: {  	s7 =	stileid.u32;
	s6 =	srdreg.scid;
	s29 =	simm.s32 $0x11  }
0x5: {  	s31 =	simm.s32 $0x280;
	[smem:$0x7FF] =	sst s3;
	s8 =	smul.u32 $0x13800, s7  }
0x6: {  	s4 =	sadd.s32 $0xB400, s0;
	s5 =	sadd.s32 $0x1600, s0;
	s10 =	sand.u32 $0x1, s6  }
0x7: {  	s11 =	smul.u32 $0x4E000, s7;
	s12 =	sadd.s32 $0x3C400, s0;
	s26 =	sshll.u32 s7, $0x6  }
0x8: {  	p0 =	sne.s32 s7, $0x0;
	_ =	strace $0x80000047;
	s6 =	sshll.u32 s10, $0x4  }
0x9: {  	s13 =	ssub.s32 $0x2, s10;
	s28 =	sor.u32 $0x1C11, s26;
	s18 =	smul.u32 $0x27100, s10  }
0xa: {  	s22 =	smul.u32 $0x138800, s10;
	s9 =	sshrl.u32 s8, $0x3;
	s6 =	sor.u32 s7, s6  }
0xb: {  	s14 =	sshrl.u32 s13, $0x1;
	s11 =	sshrl.u32 s11, $0x2;
	[dreg:$0x7] =	wrdreg s28  }
0xc: {  	s9 =	sadd.s32 s9, s0;
	s6 =	smul.u32 $0x2710, s6;
	s11 =	sadd.s32 s11, s2  }
0xd: {  	s13 =	ssub.s32 s13, s14;
	s14 =	sadd.s32 $0x138000, s2;
	[dreg:$0x5] =	wrdreg s11  }
0xe: {  	s0 =	sadd.s32 $0x3C200, s0;
	s8 =	sadd.s32 s8, s22;
	[dreg:$0x8] =	wrdreg s14  }
0xf: {  	s9 =	sadd.s32 $0x15200, s9;
	[dreg:$0x9] =	wrdreg s0;
	s8 =	sshrl.u32 s8, $0x3  }
0x10: {  	[dreg:$0x6] =	wrdreg s9;
	s30 =	sshrl.u32 s6, $0x3;
	s8 =	sadd.s32 s12, s8  }
0x11: {  	s15 =	sadd.s32 s4, s30;
	s16 =	sadd.s32 s5, s30;
	[dreg:$0x12] =	wrdreg s8  }
0x12: {  	s17 =	sadd.s32 $0xA, s30;
	s20 =	sadd.s32 $0x14, s30;
	[dreg:$0xa] =	wrdreg s15  }
0x13: {  	s9 =	sadd.s32 $0x1E, s30;
	s30 =	smax.u32 s13, $0x1;
	[dreg:$0xb] =	wrdreg s16  }
0x14: {  	s10 =	simm.s32 $0x300;
	s19 =	sadd.s32 s4, s17;
	[dreg:$0x14] =	wrdreg s30  }
0x15: {  	s13 =	simm.s32 $0x0;
	s0 =	sadd.s32 s5, s17;
	[dreg:$0xc] =	wrdreg s19  }
0x16: {  	s15 =	smul.u32 $0x2710, s7;
	s21 =	sadd.s32 s4, s20;
	[dreg:$0xd] =	wrdreg s0  }
0x17: {  	s23 =	sadd.s32 s5, s20;
	s25 =	sadd.s32 s4, s9;
	[dreg:$0xe] =	wrdreg s21  }
0x18: {  	s9 =	sadd.s32 s5, s9;
	s7 =	simm.s32 $0x50;
	[dreg:$0xf] =	wrdreg s23  }
0x19: {  	s16 =	simm.s32 $0x2C00;
	s17 =	simm.s32 $0x5400;
	[dreg:$0x10] =	wrdreg s25  }
0x1a: {  	s20 =	simm.s32 $0xB;
	s0 =	sshrl.u32 s22, $0x3;
	[dreg:$0x11] =	wrdreg s9  }
0x1b: {  	s19 =	simm.s32 $0xA;
	s21 =	simm.s32 $0x7;
	s22 =	simm.s32 $0xC  }
0x1c: {  	s9 =	simm.s32 $0x8;
	s23 =	simm.s32 $0xD;
	s25 =	simm.s32 $0xF  }
0x1d: {  	s24 =	sadd.s32 s15, s18;
	s0 =	sadd.s32 s12, s0;
	s15 =	simm.s32 $0x80  }
0x1e: {  	s12 =	simm.s32 $0x180;
	s18 =	simm.s32 $0x7C00;
	s0 =	sadd.s32 $0x27000, s0  }
0x1f: {  	s26 =	sadd.s32 $0x140, s24;
	s24 =	simm.s32 $0xE;
	[dreg:$0x13] =	wrdreg s0  }
0x20: {  	[dreg:$0x4] =	wrdreg s26;
	s0 =	simm.s32 $0x100;
	s26 =	simm.s32 $0x10  }
.LBB2_1:
0x21: {  	[dreg:$0x15] =	wrdreg s13  }
0x22: {  	s8 =	rddreg [dreg:$0x5]  }
0x23: {  	s13 =	rddreg [dreg:$0x6];
	s11 =	sshrl.u32 s8, $0x3  }
0x24: {  	[dreg:$0x16] =	wrdreg s11  }
0x25: {  	[spmem:s11], [sflag:s28] =	dma.local [hbm:s13], $0x2700  }
0x26: {  	_ =	swait.ge [sflag:s29], $0x2700  }
0x27: {  	s8 =	rddreg [dreg:$0x8]  }
0x28: {  	[sflag:s29] =	ssyncset.done $0x0;
	s11 =	sshrl.u32 @!p0 s8, $0x3;
	s8 =	rddreg [dreg:$0x9]  }
0x29: {  	[sflag:s29] =	ssyncadd.s32 $0xFFFFD900;
	[dreg:$0x17] =	wrdreg s11  }
0x2a: {  	[spmem:s11], [sflag:s28] =	dma.local @!p0 [hbm:s8], $0x100  }
0x2b: {  	s28 =	simm.s32 @!p0 $0x11  }
0x2c: {  	_ =	swait.ge @!p0 [sflag:s28], $0x100  }
0x2d: {  	[sflag:s28] =	ssyncset.done @!p0 $0x0  }
0x2e: {  	[sflag:s28] =	ssyncadd.s32 @!p0 $0xFFFFFF00  }
0x2f: {  	[bflag:$0x0] =	sbarrier.arrive $0xFFFF  }
0x30: {  	s14 =	rddreg [dreg:$0xa]  }
0x31: {  	[tilespmem:s3], [sflag:$0x1] =	stream.linear.gather [hbm4b:s14+s3], $0x50, $0x38;
	[tilespmem:$0x1DC80] =	vst v63  }
0x32: {  	s11 =	simm.s32 $0x200;
	s29 =	rddreg [dreg:$0xb]  }
0x33: {  	[tilespmem:s11], [sflag:$0x5] =	stream.linear.gather [hbm4b:s29+s3], $0x50, $0x38;
	[tilespmem:$0x1DC80] =	vst v63  }
0x34: {  	s13 =	rddreg [dreg:$0xc]  }
0x35: {  	[tilespmem:s15], [sflag:$0x2] =	stream.linear.gather [hbm4b:s13+s3], $0x50, $0x38;
	[tilespmem:$0x1DC80] =	vst v63  }
0x36: {  	s14 =	rddreg [dreg:$0xd]  }
0x37: {  	[tilespmem:s31], [sflag:$0x6] =	stream.linear.gather [hbm4b:s14+s3], $0x50, $0x38;
	[tilespmem:$0x1DC80] =	vst v63  }
0x38: {  	s29 =	rddreg [dreg:$0xe]  }
0x39: {  	[tilespmem:s0], [sflag:$0x3] =	stream.linear.gather [hbm4b:s29+s3], $0x50, $0x38;
	[tilespmem:$0x1DC80] =	vst v63  }
0x3a: {  	s13 =	rddreg [dreg:$0xf]  }
0x3b: {  	[tilespmem:s10], [sflag:$0x7] =	stream.linear.gather [hbm4b:s13+s3], $0x50, $0x38;
	[tilespmem:$0x1DC80] =	vst v63  }
0x3c: {  	s14 =	rddreg [dreg:$0x10]  }
0x3d: {  	[tilespmem:s12], [sflag:$0x4] =	stream.linear.gather [hbm4b:s14+s3], $0x50, $0x38;
	[tilespmem:$0x1DC80] =	vst v63  }
0x3e: {  	s29 =	rddreg [dreg:$0x11];
	s13 =	simm.s32 $0x380;
	s14 =	simm.s32 $0x1  }
0x3f: {  	[tilespmem:s13], [sflag:$0x8] =	stream.linear.gather [hbm4b:s29+s3], $0x50, $0x38;
	[tilespmem:$0x1DC80] =	vst v63  }
0x40: {  	_ =	swait.ge [sflag:s14], $0x50  }
0x41: {  	[sflag:s14] =	ssyncset.done $0x0  }
0x42: {  	s8 =	simm.s32 $0x400;
	[sflag:s14] =	ssyncadd.s32 $0xFFFFFFB0;
	s14 =	simm.s32 $0x2  }
0x43: {  	[tilespmem:s8], [sflag:$0x9] =	stream.indirect.gather [hbm4b:s1+s7], $0x80, s3, s7, $0xb8;
	[tilespmem:$0x1DC80] =	vst v63  }
0x44: {  	_ =	swait.ge [sflag:s14], $0x50  }
0x45: {  	[sflag:s14] =	ssyncset.done $0x0  }
0x46: {  	s29 =	simm.s32 $0x3;
	[sflag:s14] =	ssyncadd.s32 $0xFFFFFFB0  }
0x47: {  	[tilespmem:s16], [sflag:$0xA] =	stream.indirect.gather [hbm4b:s1+s7], $0x80, s15, s7, $0xb8;
	[tilespmem:$0x1DC80] =	vst v63  }
0x48: {  	_ =	swait.ge [sflag:s29], $0x50  }
0x49: {  	[sflag:s29] =	ssyncset.done $0x0  }
0x4a: {  	[sflag:s29] =	ssyncadd.s32 $0xFFFFFFB0;
	s29 =	simm.s32 $0x4  }
0x4b: {  	[tilespmem:s17], [sflag:$0xB] =	stream.indirect.gather [hbm4b:s1+s7], $0x80, s0, s7, $0xb8;
	[tilespmem:$0x1DC80] =	vst v63  }
0x4c: {  	_ =	swait.ge [sflag:s29], $0x50  }
0x4d: {  	[sflag:s29] =	ssyncset.done $0x0  }
0x4e: {  	[sflag:s29] =	ssyncadd.s32 $0xFFFFFFB0;
	s29 =	simm.s32 $0x9  }
0x4f: {  	[tilespmem:s18], [sflag:$0xC] =	stream.indirect.gather [hbm4b:s1+s7], $0x80, s12, s7, $0xb8;
	[tilespmem:$0x1DC80] =	vst v63  }
0x50: {  	_ =	swait.ge [sflag:s29], $0x2800  }
0x51: {  	[sflag:s29] =	ssyncset.done $0x0  }
0x52: {  	[sflag:s29] =	ssyncadd.s32 $0xFFFFD800;
	s29 =	simm.s32 $0x5  }
0x53: {  	_ =	swait.ge [sflag:s29], $0x50  }
0x54: {  	[sflag:s29] =	ssyncset.done $0x0  }
0x55: {  	[sflag:s29] =	ssyncadd.s32 $0xFFFFFFB0  }
0x56: {  	[spmem:s2] =	stream.indirect.scatter.add.f32 [tilespmem:s8], [sflag:$0xD], $0x80, s11, s7, $0xb8;
	[tilespmem:$0x1DC80] =	vst v63  }
0x57: {  	_ =	swait.ge [sflag:s19], $0x2800  }
0x58: {  	[sflag:s19] =	ssyncset.done $0x0  }
0x59: {  	s14 =	simm.s32 $0x6;
	[sflag:s19] =	ssyncadd.s32 $0xFFFFD800  }
0x5a: {  	_ =	swait.ge [sflag:s14], $0x50  }
0x5b: {  	[sflag:s14] =	ssyncset.done $0x0  }
0x5c: {  	[sflag:s14] =	ssyncadd.s32 $0xFFFFFFB0  }
0x5d: {  	[spmem:s2] =	stream.indirect.scatter.add.f32 [tilespmem:s16], [sflag:$0xE], $0x80, s31, s7, $0xb8;
	[tilespmem:$0x1DC80] =	vst v63  }
0x5e: {  	_ =	swait.ge [sflag:s20], $0x2800  }
0x5f: {  	[sflag:s20] =	ssyncset.done $0x0  }
0x60: {  	[sflag:s20] =	ssyncadd.s32 $0xFFFFD800  }
0x61: {  	_ =	swait.ge [sflag:s21], $0x50  }
0x62: {  	[sflag:s21] =	ssyncset.done $0x0  }
0x63: {  	[sflag:s21] =	ssyncadd.s32 $0xFFFFFFB0  }
0x64: {  	[spmem:s2] =	stream.indirect.scatter.add.f32 [tilespmem:s17], [sflag:$0xF], $0x80, s10, s7, $0xb8;
	[tilespmem:$0x1DC80] =	vst v63  }
0x65: {  	_ =	swait.ge [sflag:s22], $0x2800  }
0x66: {  	[sflag:s22] =	ssyncset.done $0x0  }
0x67: {  	[sflag:s22] =	ssyncadd.s32 $0xFFFFD800  }
0x68: {  	_ =	swait.ge [sflag:s9], $0x50  }
0x69: {  	[sflag:s9] =	ssyncset.done $0x0  }
0x6a: {  	[sflag:s9] =	ssyncadd.s32 $0xFFFFFFB0  }
0x6b: {  	[spmem:s2] =	stream.indirect.scatter.add.f32 [tilespmem:s18], [sflag:$0x10], $0x80, s13, s7, $0xb8;
	[tilespmem:$0x1DC80] =	vst v63  }
0x6c: {  	_ =	swait.ge [sflag:s23], $0x2800  }
0x6d: {  	s28 =	rddreg [dreg:$0x4]  }
0x6e: {  	s28 =	sadd.s32 $0x0, s28  }
0x6f: {  	p1 =	por $0x0, $0x0;
	[sflag:s23] =	ssyncset.done $0x0;
	s28 =	sshrl.u32 s28, $0x3  }
0x70: {  	s29 =	simm.s32 $0x190;
	[sflag:s23] =	ssyncadd.s32 $0xFFFFD800;
	s17 =	sadd.s32 s4, s28  }
0x71: {  	[tilespmem:s3], [sflag:$0x1] =	stream.linear.gather [hbm4b:s17+s3], $0x50, $0x38;
	[tilespmem:$0x1DC80] =	vst v63  }
0x72: {  	s29 =	simm.s32 @p1 $0x0;
	s28 =	sadd.s32 s5, s28  }
0x73: {  	[tilespmem:s11], [sflag:$0x5] =	stream.linear.gather [hbm4b:s28+s3], $0x50, $0x38;
	[tilespmem:$0x1DC80] =	vst v63  }
0x74: {  	s28 =	sadd.s32 s6, s29;
	_ =	swait.ge [sflag:s24], $0x2800  }
0x75: {  	s28 =	sshrl.u32 s28, $0x3;
	[sflag:s24] =	ssyncset.done $0x0  }
0x76: {  	s29 =	simm.s32 $0x1E0;
	s18 =	sadd.s32 s4, s28;
	[sflag:s24] =	ssyncadd.s32 $0xFFFFD800  }
0x77: {  	[tilespmem:s15], [sflag:$0x2] =	stream.linear.gather [hbm4b:s18+s3], $0x50, $0x38;
	[tilespmem:$0x1DC80] =	vst v63  }
0x78: {  	s29 =	simm.s32 @p1 $0x50;
	s28 =	sadd.s32 s5, s28  }
0x79: {  	[tilespmem:s31], [sflag:$0x6] =	stream.linear.gather [hbm4b:s28+s3], $0x50, $0x38;
	[tilespmem:$0x1DC80] =	vst v63  }
0x7a: {  	s16 =	simm.s32 $0x2C00;
	s28 =	sadd.s32 s6, s29;
	_ =	swait.ge [sflag:s25], $0x2800  }
0x7b: {  	s17 =	simm.s32 $0x5400;
	s28 =	sshrl.u32 s28, $0x3;
	[sflag:s25] =	ssyncset.done $0x0  }
0x7c: {  	s29 =	simm.s32 $0x230;
	s19 =	sadd.s32 s4, s28;
	[sflag:s25] =	ssyncadd.s32 $0xFFFFD800  }
0x7d: {  	[tilespmem:s0], [sflag:$0x3] =	stream.linear.gather [hbm4b:s19+s3], $0x50, $0x38;
	[tilespmem:$0x1DC80] =	vst v63  }
0x7e: {  	s18 =	simm.s32 $0x7C00;
	s29 =	simm.s32 @p1 $0xA0;
	s28 =	sadd.s32 s5, s28  }
0x7f: {  	[tilespmem:s10], [sflag:$0x7] =	stream.linear.gather [hbm4b:s28+s3], $0x50, $0x38;
	[tilespmem:$0x1DC80] =	vst v63  }
0x80: {  	s0 =	simm.s32 $0x100;
	s28 =	sadd.s32 s6, s29;
	_ =	swait.ge [sflag:s26], $0x2800  }
0x81: {  	s19 =	simm.s32 $0xA;
	s29 =	sshrl.u32 s28, $0x3;
	[sflag:s26] =	ssyncset.done $0x0  }
0x82: {  	s10 =	simm.s32 $0x300;
	s28 =	sadd.s32 s4, s29;
	[sflag:s26] =	ssyncadd.s32 $0xFFFFD800  }
0x83: {  	[tilespmem:s12], [sflag:$0x4] =	stream.linear.gather [hbm4b:s28+s3], $0x50, $0x38;
	[tilespmem:$0x1DC80] =	vst v63  }
0x84: {  	s30 =	sadd.s32 s5, s29;
	s28 =	simm.s32 $0x140;
	s12 =	simm.s32 $0x180  }
.LBB2_2:
0x85: {  	s8 =	simm.s32 $0x380;
	s11 =	simm.s32 $0x1  }
0x86: {  	[tilespmem:s8], [sflag:$0x8] =	stream.linear.gather [hbm4b:s30+s3], $0x50, $0x38;
	[tilespmem:$0x1DC80] =	vst v63  }
0x87: {  	_ =	swait.ge [sflag:s11], $0x50  }
0x88: {  	[sflag:s11] =	ssyncset.done $0x0  }
0x89: {  	s13 =	simm.s32 $0x2;
	[sflag:s11] =	ssyncadd.s32 $0xFFFFFFB0;
	s11 =	simm.s32 $0x400  }
0x8a: {  	[tilespmem:s11], [sflag:$0x9] =	stream.indirect.gather [hbm4b:s1+s7], $0x80, s3, s7, $0xb8;
	[tilespmem:$0x1DC80] =	vst v63  }
0x8b: {  	_ =	swait.ge [sflag:s13], $0x50  }
0x8c: {  	[sflag:s13] =	ssyncset.done $0x0  }
0x8d: {  	s14 =	simm.s32 $0x3;
	[sflag:s13] =	ssyncadd.s32 $0xFFFFFFB0  }
0x8e: {  	[tilespmem:s16], [sflag:$0xA] =	stream.indirect.gather [hbm4b:s1+s7], $0x80, s15, s7, $0xb8;
	[tilespmem:$0x1DC80] =	vst v63  }
0x8f: {  	_ =	swait.ge [sflag:s14], $0x50  }
0x90: {  	[sflag:s14] =	ssyncset.done $0x0  }
0x91: {  	s15 =	simm.s32 $0x4;
	[sflag:s14] =	ssyncadd.s32 $0xFFFFFFB0  }
0x92: {  	[tilespmem:s17], [sflag:$0xB] =	stream.indirect.gather [hbm4b:s1+s7], $0x80, s0, s7, $0xb8;
	[tilespmem:$0x1DC80] =	vst v63  }
0x93: {  	_ =	swait.ge [sflag:s15], $0x50  }
0x94: {  	[sflag:s15] =	ssyncset.done $0x0  }
0x95: {  	s14 =	simm.s32 $0x9;
	[sflag:s15] =	ssyncadd.s32 $0xFFFFFFB0  }
0x96: {  	[tilespmem:s18], [sflag:$0xC] =	stream.indirect.gather [hbm4b:s1+s7], $0x80, s12, s7, $0xb8;
	[tilespmem:$0x1DC80] =	vst v63  }
0x97: {  	_ =	swait.ge [sflag:s14], $0x2800  }
0x98: {  	[sflag:s14] =	ssyncset.done $0x0  }
0x99: {  	s15 =	simm.s32 $0x5;
	[sflag:s14] =	ssyncadd.s32 $0xFFFFD800  }
0x9a: {  	_ =	swait.ge [sflag:s15], $0x50  }
0x9b: {  	[sflag:s15] =	ssyncset.done $0x0  }
0x9c: {  	[sflag:s15] =	ssyncadd.s32 $0xFFFFFFB0;
	s15 =	simm.s32 $0x200  }
0x9d: {  	[spmem:s2] =	stream.indirect.scatter.add.f32 [tilespmem:s11], [sflag:$0xD], $0x80, s15, s7, $0xb8;
	[tilespmem:$0x1DC80] =	vst v63  }
0x9e: {  	_ =	swait.ge [sflag:s19], $0x2800  }
0x9f: {  	[sflag:s19] =	ssyncset.done $0x0  }
0xa0: {  	s14 =	simm.s32 $0x6;
	[sflag:s19] =	ssyncadd.s32 $0xFFFFD800  }
0xa1: {  	_ =	swait.ge [sflag:s14], $0x50  }
0xa2: {  	[sflag:s14] =	ssyncset.done $0x0  }
0xa3: {  	[sflag:s14] =	ssyncadd.s32 $0xFFFFFFB0  }
0xa4: {  	[spmem:s2] =	stream.indirect.scatter.add.f32 [tilespmem:s16], [sflag:$0xE], $0x80, s31, s7, $0xb8;
	[tilespmem:$0x1DC80] =	vst v63  }
0xa5: {  	_ =	swait.ge [sflag:s20], $0x2800  }
0xa6: {  	[sflag:s20] =	ssyncset.done $0x0  }
0xa7: {  	[sflag:s20] =	ssyncadd.s32 $0xFFFFD800  }
0xa8: {  	_ =	swait.ge [sflag:s21], $0x50  }
0xa9: {  	[sflag:s21] =	ssyncset.done $0x0  }
0xaa: {  	[sflag:s21] =	ssyncadd.s32 $0xFFFFFFB0  }
0xab: {  	[spmem:s2] =	stream.indirect.scatter.add.f32 [tilespmem:s17], [sflag:$0xF], $0x80, s10, s7, $0xb8;
	[tilespmem:$0x1DC80] =	vst v63  }
0xac: {  	_ =	swait.ge [sflag:s22], $0x2800  }
0xad: {  	[sflag:s22] =	ssyncset.done $0x0  }
0xae: {  	[sflag:s22] =	ssyncadd.s32 $0xFFFFD800  }
0xaf: {  	_ =	swait.ge [sflag:s9], $0x50  }
0xb0: {  	[sflag:s9] =	ssyncset.done $0x0  }
0xb1: {  	[sflag:s9] =	ssyncadd.s32 $0xFFFFFFB0  }
0xb2: {  	[spmem:s2] =	stream.indirect.scatter.add.f32 [tilespmem:s18], [sflag:$0x10], $0x80, s8, s7, $0xb8;
	[tilespmem:$0x1DC80] =	vst v63  }
0xb3: {  	_ =	swait.ge [sflag:s23], $0x2800  }
0xb4: {  	s29 =	smov.u32 s28;
	s30 =	rddreg [dreg:$0x4]  }
0xb5: {  	p2 =	seq.s32 s29, $0x2580;
	s11 =	sadd.s32 $0x1E0, s29;
	s30 =	sadd.s32 s29, s30  }
0xb6: {  	s31 =	sadd.s32 $0x230, s29;
	[sflag:s23] =	ssyncset.done $0x0;
	s30 =	sshrl.u32 s30, $0x3  }
0xb7: {  	[sflag:s23] =	ssyncadd.s32 $0xFFFFD800;
	s29 =	sadd.s32 $0x190, s29;
	s13 =	sadd.s32 s4, s30  }
0xb8: {  	[tilespmem:s3], [sflag:$0x1] =	stream.linear.gather [hbm4b:s13+s3], $0x50, $0x38;
	[tilespmem:$0x1DC80] =	vst v63  }
0xb9: {  	s29 =	simm.s32 @p2 $0x0;
	s8 =	sadd.s32 s5, s30  }
0xba: {  	[tilespmem:s15], [sflag:$0x5] =	stream.linear.gather [hbm4b:s8+s3], $0x50, $0x38;
	[tilespmem:$0x1DC80] =	vst v63  }
0xbb: {  	s11 =	simm.s32 @p2 $0x50;
	s29 =	sadd.s32 s6, s29;
	_ =	swait.ge [sflag:s24], $0x2800  }
0xbc: {  	s31 =	simm.s32 @p2 $0xA0;
	s8 =	sshrl.u32 s29, $0x3;
	[sflag:s24] =	ssyncset.done $0x0  }
0xbd: {  	s15 =	simm.s32 $0x80;
	s29 =	sadd.s32 s4, s8;
	[sflag:s24] =	ssyncadd.s32 $0xFFFFD800  }
0xbe: {  	[tilespmem:s15], [sflag:$0x2] =	stream.linear.gather [hbm4b:s29+s3], $0x50, $0x38;
	[tilespmem:$0x1DC80] =	vst v63  }
0xbf: {  	s8 =	sadd.s32 s5, s8;
	s29 =	sadd.s32 s6, s31;
	s31 =	simm.s32 $0x280  }
0xc0: {  	[tilespmem:s31], [sflag:$0x6] =	stream.linear.gather [hbm4b:s8+s3], $0x50, $0x38;
	[tilespmem:$0x1DC80] =	vst v63  }
0xc1: {  	s11 =	sadd.s32 s6, s11;
	_ =	swait.ge [sflag:s25], $0x2800  }
0xc2: {  	s11 =	sshrl.u32 s11, $0x3;
	[sflag:s25] =	ssyncset.done $0x0  }
0xc3: {  	s8 =	sshrl.u32 s29, $0x3;
	s29 =	sadd.s32 s4, s11;
	[sflag:s25] =	ssyncadd.s32 $0xFFFFD800  }
0xc4: {  	[tilespmem:s0], [sflag:$0x3] =	stream.linear.gather [hbm4b:s29+s3], $0x50, $0x38;
	[tilespmem:$0x1DC80] =	vst v63  }
0xc5: {  	p1 =	sne.s32 s28, $0x2580;
	s11 =	sadd.s32 s5, s11  }
0xc6: {  	[tilespmem:s10], [sflag:$0x7] =	stream.linear.gather [hbm4b:s11+s3], $0x50, $0x38;
	[tilespmem:$0x1DC80] =	vst v63  }
.Ltmp0:
0xc7: {  	_ = 	snop;
	(pc) =	sbr.rel @p1 .LBB2_2-.Ltmp0, $4  }
0xc8: {  	s28 =	sadd.s32 $0x140, s28;
	_ =	swait.ge [sflag:s26], $0x2800  }
0xc9: {  	s14 =	simm.s32 $0x380;
	s13 =	simm.s32 $0x200;
	[sflag:s26] =	ssyncset.done $0x0  }
0xca: {  	s30 =	sadd.s32 s5, s8;
	s29 =	sadd.s32 s4, s8;
	[sflag:s26] =	ssyncadd.s32 $0xFFFFD800  }
0xcb: {  	[tilespmem:s12], [sflag:$0x4] =	stream.linear.gather [hbm4b:s29+s3], $0x50, $0x38;
	[tilespmem:$0x1DC80] =	vst v63  }
0xcc: {  	[tilespmem:s14], [sflag:$0x8] =	stream.linear.gather [hbm4b:s30+s3], $0x50, $0x38;
	[tilespmem:$0x1DC80] =	vst v63  }
0xcd: {  	s0 =	simm.s32 $0x1  }
0xce: {  	_ =	swait.ge [sflag:s0], $0x50  }
0xcf: {  	[sflag:s0] =	ssyncset.done $0x0  }
0xd0: {  	s10 =	simm.s32 $0x5;
	[sflag:s0] =	ssyncadd.s32 $0xFFFFFFB0  }
0xd1: {  	_ =	swait.ge [sflag:s10], $0x50  }
0xd2: {  	[sflag:s10] =	ssyncset.done $0x0  }
0xd3: {  	s11 =	simm.s32 $0x400;
	s8 =	simm.s32 $0x2;
	[sflag:s10] =	ssyncadd.s32 $0xFFFFFFB0  }
0xd4: {  	[tilespmem:s11], [sflag:$0x9] =	stream.indirect.gather [hbm4b:s1+s7], $0x80, s3, s7, $0xb8;
	[tilespmem:$0x1DC80] =	vst v63  }
0xd5: {  	_ =	swait.ge [sflag:s8], $0x50  }
0xd6: {  	[sflag:s8] =	ssyncset.done $0x0  }
0xd7: {  	s12 =	simm.s32 $0x6;
	[sflag:s8] =	ssyncadd.s32 $0xFFFFFFB0  }
0xd8: {  	_ =	swait.ge [sflag:s12], $0x50  }
0xd9: {  	[sflag:s12] =	ssyncset.done $0x0  }
0xda: {  	s14 =	simm.s32 $0x3;
	[sflag:s12] =	ssyncadd.s32 $0xFFFFFFB0  }
0xdb: {  	_ =	swait.ge [sflag:s14], $0x50  }
0xdc: {  	[sflag:s14] =	ssyncset.done $0x0  }
0xdd: {  	[sflag:s14] =	ssyncadd.s32 $0xFFFFFFB0  }
0xde: {  	_ =	swait.ge [sflag:s21], $0x50  }
0xdf: {  	[sflag:s21] =	ssyncset.done $0x0  }
0xe0: {  	s16 =	simm.s32 $0x4;
	[sflag:s21] =	ssyncadd.s32 $0xFFFFFFB0  }
0xe1: {  	_ =	swait.ge [sflag:s16], $0x50  }
0xe2: {  	[sflag:s16] =	ssyncset.done $0x0  }
0xe3: {  	[sflag:s16] =	ssyncadd.s32 $0xFFFFFFB0  }
0xe4: {  	_ =	swait.ge [sflag:s9], $0x50  }
0xe5: {  	[sflag:s9] =	ssyncset.done $0x0  }
0xe6: {  	s17 =	simm.s32 $0x9;
	[sflag:s9] =	ssyncadd.s32 $0xFFFFFFB0  }
0xe7: {  	_ =	swait.ge [sflag:s17], $0x2800  }
0xe8: {  	[sflag:s17] =	ssyncset.done $0x0  }
0xe9: {  	s29 =	simm.s32 $0x11;
	[sflag:s17] =	ssyncadd.s32 $0xFFFFD800  }
0xea: {  	[spmem:s2] =	stream.indirect.scatter.add.f32 [tilespmem:s11], [sflag:$0x11], $0x80, s13, s7, $0xb8;
	[tilespmem:$0x1DC80] =	vst v63  }
0xeb: {  	_ =	swait.ge [sflag:s29], $0x2800  }
0xec: {  	[sflag:s29] =	ssyncset.done $0x0  }
0xed: {  	[sflag:s29] =	ssyncadd.s32 $0xFFFFD800  }
0xee: {  	[bflag:$0x0] =	sbarrier.arrive $0xFFFF  }
0xef: {  	s28 =	rddreg [dreg:$0x7]  }
0xf0: {  	s18 =	rddreg [dreg:$0x12]  }
0xf1: {  	s19 =	rddreg [dreg:$0x16]  }
0xf2: {  	[hbm:s18], [sflag:s28] =	dma.local [spmem:s19], $0x2700  }
0xf3: {  	_ =	swait.ge [sflag:s29], $0x2700  }
0xf4: {  	[sflag:s29] =	ssyncset.done $0x0;
	s8 =	rddreg [dreg:$0x13]  }
0xf5: {  	s0 =	rddreg [dreg:$0x17];
	[sflag:s29] =	ssyncadd.s32 $0xFFFFD900  }
0xf6: {  	[hbm:s8], [sflag:s28] =	dma.local @!p0 [spmem:s0], $0x100  }
0xf7: {  	s8 =	simm.s32 @!p0 $0x11  }
0xf8: {  	_ =	swait.ge @!p0 [sflag:s8], $0x100  }
0xf9: {  	s30 =	rddreg [dreg:$0x15]  }
0xfa: {  	s11 =	rddreg [dreg:$0x14];
	s13 =	sadd.s32 $0x1, s30  }
0xfb: {  	p1 =	sne.s32 s13, s11  }
.Ltmp1:
0xfc: {  	_ = 	snop;
	(pc) =	sbr.rel @p1 .LBB2_1-.Ltmp1, $4  }
0xfd: {  	_ = 	snop  }
0xfe: {  	s10 =	simm.s32 $0x300;
	s12 =	simm.s32 $0x180;
	s16 =	simm.s32 $0x2C00  }
0xff: {  	s17 =	simm.s32 $0x5400;
	s18 =	simm.s32 $0x7C00;
	[sflag:s8] =	ssyncset.done @!p0 $0x0  }
0x100: {  	s19 =	simm.s32 $0xA;
	s0 =	simm.s32 $0x100;
	[sflag:s8] =	ssyncadd.s32 @!p0 $0xFFFFFF00  }
0x101: {  	_ =	sfence.sel $0x180000  }
0x102: {  	[bflag:$0x0] =	sbarrier.arrive $0xFFFF  }
0x103: {  	_ =	strace $0x90000047  }
0x104: {  	[bflag:$0x2] =	sbarrier.arrive $0xFFFF  }
0x105: {  	s0 =	rddreg [dreg:$0x3]  }
0x106: {  	s0 =	sadd.s32 @!p0 $0x100000, s0  }
0x107: {  	[sflag:s0] =	ssyncadd.tile.s32 @!p0 $0x1;
	_ =	shalt  }
.Lfunc_end2:
_tile_overlayer_lowered:
.L_overlay_start_2:
0x108: {  	(tag) =	ssettag $0x2  }
0x109: {  	s0 =	rddreg [dreg:$0x0];
	s2 =	stileid.u32  }
0x10a: {  	s1 =	rddreg [dreg:$0x1];
	p0 =	sne.s32 s2, $0x0  }
0x10b: {  	s3 =	rddreg [dreg:$0x2];
	[bflag:$0x3] =	sbarrier.arrive $0xFFFF;
	s2 =	simm.s32 @!p0 $0x1C11  }
0x10c: {  	[timem:s3], [sflag:s2] =	dma.local @!p0 [hbm:s0], s1  }
0x10d: {  	s0 =	simm.s32 @!p0 $0x11  }
0x10e: {  	_ =	swait.ge @!p0 [sflag:s0], s1  }
0x10f: {  	s1 =	ssub.s32 @!p0 $0x0, s1;
	[sflag:s0] =	ssyncset.done @!p0 $0x0  }
0x110: {  	[sflag:s0] =	ssyncadd.s32 @!p0 s1  }
0x111: {  	[bflag:$0x3] =	sbarrier.arrive $0xFFFF  }
0x112: {  	_ =	shalt  }

</sc_bundles>
